<compile_context>
chip_gen: v7x
topology: tpu7x:2x2x1
jax: 0.10.2.dev20260603
libtpu: 0.0.44.dev20260713+nightly
codegen_flags: <defaults>
</compile_context>

<pallas_src>
import jax
import jax.numpy as jnp
from jax import lax
from jax.experimental import pallas as pl
from jax.experimental.pallas import tpu as pltpu
from jax.experimental.pallas import tpu_sc as plsc

B = 128
V = 100000
L = 16
NU = B // L
NW = 32
CH = 200
NCHT = V // CH
FULL_K = NCHT // NW
NEXTRA = NCHT - FULL_K * NW
NEG = float(jnp.finfo(jnp.float32).min)


def _sc_body(x_ref, act_hbm, po,
             buf0, buf1, act_v, m_ref, s_ref, g_ref, i_ref, if_ref,
             sem0, sem1):
  cid = lax.axis_index("c")
  sid = lax.axis_index("s")
  w = sid * 2 + cid

  pltpu.sync_copy(act_hbm, act_v)
  iota = lax.iota(jnp.int32, L)

  for u in range(NU):
    sl = pl.ds(u * L, L)
    m_ref[sl] = jnp.full((L,), NEG, jnp.float32)
    s_ref[sl] = jnp.zeros((L,), jnp.float32)
    g_ref[sl] = jnp.zeros((L,), jnp.float32)
    i_ref[sl] = jnp.zeros((L,), jnp.int32)

  def issue(c, buf, sem):
    v0 = pl.multiple_of(c * CH, 8)
    return pltpu.async_copy(x_ref.at[pl.ds(v0, CH), :], buf, sem)

  def wait(buf, sem):
    pltpu.make_async_copy(x_ref.at[pl.ds(0, CH), :], buf, sem).wait()

  def process(c, buf):
    v0 = c * CH
    m_old = tuple(m_ref[pl.ds(u * L, L)] for u in range(NU))
    i_old = tuple(i_ref[pl.ds(u * L, L)] for u in range(NU))
    s_old = tuple(s_ref[pl.ds(u * L, L)] for u in range(NU))

    def p1(v, carry):
      ms, ix, ss = carry[:NU], carry[NU:2 * NU], carry[2 * NU:]
      ivec = jnp.zeros((L,), jnp.int32) + (v0 + v)
      nm, ni, ns = [], [], []
      for u in range(NU):
        vv = buf[v, pl.ds(u * L, L)]
        gt = vv > ms[u]
        nm.append(jnp.where(gt, vv, ms[u]))
        ni.append(jnp.where(gt, ivec, ix[u]))
        ns.append(ss[u] + jnp.exp(vv))
      return tuple(nm) + tuple(ni) + tuple(ns)

    res = lax.fori_loop(0, CH, p1, m_old + i_old + s_old, unroll=2)
    m_new, i_new, s_new = res[:NU], res[NU:2 * NU], res[2 * NU:]

    for u in range(NU):
      sl = pl.ds(u * L, L)
      m_ref[sl] = m_new[u]
      i_ref[sl] = i_new[u]
      s_ref[sl] = s_new[u]
      a_u = act_v[sl]
      local = a_u - v0
      inb = (local >= 0) & (local < CH)
      clamped = jnp.clip(local, 0, CH - 1)
      gv = plsc.load_gather(buf, [clamped, u * L + iota])
      g_ref[sl] = g_ref[sl] + jnp.where(inb, gv, 0.0)

  issue(w, buf0, sem0)
  issue(NW + w, buf1, sem1)
  extra_c = FULL_K * NW + w

  def jj_body(j, _):
    c0 = (2 * j) * NW + w
    wait(buf0, sem0)
    process(c0, buf0)
    issue(c0 + 2 * NW, buf0, sem0)

    wait(buf1, sem1)
    process(c0 + NW, buf1)

    @pl.when(j < (FULL_K - 3) // 2)
    def _issue_odd():
      issue(c0 + 3 * NW, buf1, sem1)
    return _

  lax.fori_loop(0, (FULL_K - 1) // 2, jj_body, 0)

  @pl.when(w < NEXTRA)
  def _issue_extra():
    issue(extra_c, buf1, sem1)

  wait(buf0, sem0)
  process((FULL_K - 1) * NW + w, buf0)

  @pl.when(w < NEXTRA)
  def _do_extra():
    wait(buf1, sem1)
    process(extra_c, buf1)

  for u in range(NU):
    sl = pl.ds(u * L, L)
    if_ref[sl] = i_ref[sl].astype(jnp.float32)
  pltpu.sync_copy(m_ref, po.at[0, w])
  pltpu.sync_copy(s_ref, po.at[1, w])
  pltpu.sync_copy(if_ref, po.at[2, w])
  pltpu.sync_copy(g_ref, po.at[3, w])


def _sc_partials(x, actions_flat):
  mesh = plsc.VectorSubcoreMesh(core_axis_name="c", subcore_axis_name="s",
                                num_cores=2, num_subcores=16)
  f32 = jnp.float32
  kfn = pl.kernel(
      _sc_body,
      out_type=jax.ShapeDtypeStruct((4, NW, B), f32),
      mesh=mesh,
      compiler_params=pltpu.CompilerParams(needs_layout_passes=False),
      scratch_types=(pltpu.VMEM((CH, B), f32),
                     pltpu.VMEM((CH, B), f32),
                     pltpu.VMEM((B,), jnp.int32),
                     pltpu.VMEM((B,), f32),
                     pltpu.VMEM((B,), f32),
                     pltpu.VMEM((B,), f32),
                     pltpu.VMEM((B,), jnp.int32),
                     pltpu.VMEM((B,), f32),
                     pltpu.SemaphoreType.DMA,
                     pltpu.SemaphoreType.DMA),
  )
  return kfn(x, actions_flat)


def _finish_body(po_ref, lp_ref, md_ref):
  m = po_ref[0]
  M = jnp.max(m, axis=0, keepdims=True)
  S = jnp.sum(po_ref[1], axis=0, keepdims=True)
  A = jnp.min(jnp.where(m == M, po_ref[2], float(V)), axis=0, keepdims=True)
  G = jnp.sum(po_ref[3], axis=0, keepdims=True)
  lp_ref[...] = G - jnp.log(S)
  md_ref[...] = A.astype(jnp.int32)


def _finish(po):
  return pl.pallas_call(
      _finish_body,
      out_shape=(jax.ShapeDtypeStruct((1, B), jnp.float32),
                 jax.ShapeDtypeStruct((1, B), jnp.int32)),
  )(po)


@jax.jit
def kernel(logits, actions):
  x = logits.T
  act = actions.reshape(-1)
  po = _sc_partials(x, act)
  lp, md = _finish(po)
  return (lp.reshape(B, 1), md.reshape(B, 1))

# --- scband reference (transcript-rebuilt; emitter-appended) ---
"""Pipeline reference for scband-fixed-categorical-9028021256537 (READ-ONLY COPY).

The authoritative reference and input builder live on the scoring server;
editing this copy changes nothing except your own understanding.
"""

import jax, jax.numpy as jnp
import numpy as np

B = 128
V = 100000

def setup_inputs(seed: int = 0) -> dict:
    key = jax.random.key(seed)
    k1, k2 = jax.random.split(key)
    logits = jax.random.normal(k1, (B, V), dtype=jnp.float32)
    actions = jax.random.randint(k2, (B, 1), 0, V, dtype=jnp.int32)
    return {"logits": logits, "actions": actions}

def reference(logits, actions):
    # FixedCategorical built from logits.
    # log_probs(actions): log_prob(actions.squeeze(-1)).view(B, -1).sum(-1).unsqueeze(-1)
    logp = jax.nn.log_softmax(logits, axis=-1)
    lp = jnp.take_along_axis(logp, actions, axis=-1)  # [B, 1]
    log_probs = lp.reshape(actions.shape[0], -1).sum(-1)[:, None]  # [B, 1]
    # mode(): probs.argmax(dim=-1, keepdim=True) == argmax over logits
    mode = jnp.argmax(logits, axis=-1, keepdims=True)  # [B, 1]
    return (log_probs, mode)

if __name__ == "__main__":
    import jax
    _d = setup_inputs()
    print(jax.jit(kernel)(*tuple(_d.values())))

</pallas_src>

<mosaic_0001>
#map = affine_map<(d0, d1) -> (0, 0)>
#map1 = affine_map<(d0, d1) -> (0)>
#map2 = affine_map<(d0, d1) -> (0, 0, 0)>
module attributes {stable_mosaic.version = 14 : i64} {
  func.func @_sc_body(%arg0: i32, %arg1: i32, %arg2: memref<100000x128xf32, #tpu.memory_space<hbm>>, %arg3: memref<128xi32, #tpu.memory_space<hbm>>, %arg4: memref<4x32x128xf32, #tpu.memory_space<hbm>>, %arg5: memref<200x128xf32, #tpu.memory_space<vmem>>, %arg6: memref<200x128xf32, #tpu.memory_space<vmem>>, %arg7: memref<128xi32, #tpu.memory_space<vmem>>, %arg8: memref<128xf32, #tpu.memory_space<vmem>>, %arg9: memref<128xf32, #tpu.memory_space<vmem>>, %arg10: memref<128xf32, #tpu.memory_space<vmem>>, %arg11: memref<128xi32, #tpu.memory_space<vmem>>, %arg12: memref<128xf32, #tpu.memory_space<vmem>>, %arg13: memref<!tpu.dma_semaphore, #tpu.memory_space<semaphore_mem>>, %arg14: memref<!tpu.dma_semaphore, #tpu.memory_space<semaphore_mem>>) attributes {dimension_semantics = [#tpu.dimension_semantics<core_parallel>, #tpu.dimension_semantics<subcore_parallel>], iteration_bounds = array<i64: 2, 16>, scalar_prefetch = 0 : i64, scratch_operands = 10 : i64, tpu.core_type = #tpu.core_type<sc_vector_subcore>, window_params = [{transform_indices = #map}, {transform_indices = #map1}, {transform_indices = #map2}]} {
    %mul3A = arith.constant 2 : i32
    %mul3A_0 = arith.muli %arg1, %mul3A : i32
    %add3A = arith.addi %mul3A_0, %arg0 : i32
    "tpu.region"() ({
      %run_scoped3A_532 = tpu.sem_alloc : memref<!tpu.dma_semaphore, #tpu.memory_space<semaphore_mem>>
      tpu.enqueue_dma source(%arg3 : memref<128xi32, #tpu.memory_space<hbm>>) target(%arg7 : memref<128xi32, #tpu.memory_space<vmem>>) target_semaphore(%run_scoped3A_532 : memref<!tpu.dma_semaphore, #tpu.memory_space<semaphore_mem>>)
      tpu.wait_dma2 semaphore(%run_scoped3A_532 : memref<!tpu.dma_semaphore, #tpu.memory_space<semaphore_mem>>) src(%arg3 : memref<128xi32, #tpu.memory_space<hbm>>) dst(%arg7 : memref<128xi32, #tpu.memory_space<vmem>>)
      tpu.yield
    }) : () -> ()
    %iota3A = tpu.iota {dimensions = array<i32: 0>} : vector<16xi32>
    %broadcast_in_dim3A = arith.constant -3.40282347E+38 : f32
    %broadcast_in_dim3A_1 = vector.broadcast %broadcast_in_dim3A : f32 to vector<16xf32>
    %swap3A = arith.constant 0 : index
    %swap3A_2 = tpu.vector_load %arg8[%swap3A] {strides = array<i32>} : memref<128xf32, #tpu.memory_space<vmem>>, vector<16xf32>,
    tpu.vector_store %arg8[%swap3A], %broadcast_in_dim3A_1 {strides = array<i32>} : memref<128xf32, #tpu.memory_space<vmem>>, vector<16xf32>,
    %broadcast_in_dim3A_3 = arith.constant 0.000000e+00 : f32
    %broadcast_in_dim3A_4 = vector.broadcast %broadcast_in_dim3A_3 : f32 to vector<16xf32>
    %swap3A_5 = arith.constant 0 : index
    %swap3A_6 = tpu.vector_load %arg9[%swap3A_5] {strides = array<i32>} : memref<128xf32, #tpu.memory_space<vmem>>, vector<16xf32>,
    tpu.vector_store %arg9[%swap3A_5], %broadcast_in_dim3A_4 {strides = array<i32>} : memref<128xf32, #tpu.memory_space<vmem>>, vector<16xf32>,
    %broadcast_in_dim3A_7 = arith.constant 0.000000e+00 : f32
    %broadcast_in_dim3A_8 = vector.broadcast %broadcast_in_dim3A_7 : f32 to vector<16xf32>
    %swap3A_9 = arith.constant 0 : index
    %swap3A_10 = tpu.vector_load %arg10[%swap3A_9] {strides = array<i32>} : memref<128xf32, #tpu.memory_space<vmem>>, vector<16xf32>,
    tpu.vector_store %arg10[%swap3A_9], %broadcast_in_dim3A_8 {strides = array<i32>} : memref<128xf32, #tpu.memory_space<vmem>>, vector<16xf32>,
    %broadcast_in_dim3A_11 = arith.constant 0 : i32
    %broadcast_in_dim3A_12 = vector.broadcast %broadcast_in_dim3A_11 : i32 to vector<16xi32>
    %swap3A_13 = arith.constant 0 : index
    %swap3A_14 = tpu.vector_load %arg11[%swap3A_13] {strides = array<i32>} : memref<128xi32, #tpu.memory_space<vmem>>, vector<16xi32>,
    tpu.vector_store %arg11[%swap3A_13], %broadcast_in_dim3A_12 {strides = array<i32>} : memref<128xi32, #tpu.memory_space<vmem>>, vector<16xi32>,
    %broadcast_in_dim3A_15 = arith.constant -3.40282347E+38 : f32
    %broadcast_in_dim3A_16 = vector.broadcast %broadcast_in_dim3A_15 : f32 to vector<16xf32>
    %swap3A_17 = arith.constant 16 : index
    %swap3A_18 = tpu.vector_load %arg8[%swap3A_17] {strides = array<i32>} : memref<128xf32, #tpu.memory_space<vmem>>, vector<16xf32>,
    tpu.vector_store %arg8[%swap3A_17], %broadcast_in_dim3A_16 {strides = array<i32>} : memref<128xf32, #tpu.memory_space<vmem>>, vector<16xf32>,
    %broadcast_in_dim3A_19 = arith.constant 0.000000e+00 : f32
    %broadcast_in_dim3A_20 = vector.broadcast %broadcast_in_dim3A_19 : f32 to vector<16xf32>
    %swap3A_21 = arith.constant 16 : index
    %swap3A_22 = tpu.vector_load %arg9[%swap3A_21] {strides = array<i32>} : memref<128xf32, #tpu.memory_space<vmem>>, vector<16xf32>,
    tpu.vector_store %arg9[%swap3A_21], %broadcast_in_dim3A_20 {strides = array<i32>} : memref<128xf32, #tpu.memory_space<vmem>>, vector<16xf32>,
    %broadcast_in_dim3A_23 = arith.constant 0.000000e+00 : f32
    %broadcast_in_dim3A_24 = vector.broadcast %broadcast_in_dim3A_23 : f32 to vector<16xf32>
    %swap3A_25 = arith.constant 16 : index
    %swap3A_26 = tpu.vector_load %arg10[%swap3A_25] {strides = array<i32>} : memref<128xf32, #tpu.memory_space<vmem>>, vector<16xf32>,
    tpu.vector_store %arg10[%swap3A_25], %broadcast_in_dim3A_24 {strides = array<i32>} : memref<128xf32, #tpu.memory_space<vmem>>, vector<16xf32>,
    %broadcast_in_dim3A_27 = arith.constant 0 : i32
    %broadcast_in_dim3A_28 = vector.broadcast %broadcast_in_dim3A_27 : i32 to vector<16xi32>
    %swap3A_29 = arith.constant 16 : index
    %swap3A_30 = tpu.vector_load %arg11[%swap3A_29] {strides = array<i32>} : memref<128xi32, #tpu.memory_space<vmem>>, vector<16xi32>,
    tpu.vector_store %arg11[%swap3A_29], %broadcast_in_dim3A_28 {strides = array<i32>} : memref<128xi32, #tpu.memory_space<vmem>>, vector<16xi32>,
    %broadcast_in_dim3A_31 = arith.constant -3.40282347E+38 : f32
    %broadcast_in_dim3A_32 = vector.broadcast %broadcast_in_dim3A_31 : f32 to vector<16xf32>
    %swap3A_33 = arith.constant 32 : index
    %swap3A_34 = tpu.vector_load %arg8[%swap3A_33] {strides = array<i32>} : memref<128xf32, #tpu.memory_space<vmem>>, vector<16xf32>,
    tpu.vector_store %arg8[%swap3A_33], %broadcast_in_dim3A_32 {strides = array<i32>} : memref<128xf32, #tpu.memory_space<vmem>>, vector<16xf32>,
    %broadcast_in_dim3A_35 = arith.constant 0.000000e+00 : f32
    %broadcast_in_dim3A_36 = vector.broadcast %broadcast_in_dim3A_35 : f32 to vector<16xf32>
    %swap3A_37 = arith.constant 32 : index
    %swap3A_38 = tpu.vector_load %arg9[%swap3A_37] {strides = array<i32>} : memref<128xf32, #tpu.memory_space<vmem>>, vector<16xf32>,
    tpu.vector_store %arg9[%swap3A_37], %broadcast_in_dim3A_36 {strides = array<i32>} : memref<128xf32, #tpu.memory_space<vmem>>, vector<16xf32>,
    %broadcast_in_dim3A_39 = arith.constant 0.000000e+00 : f32
    %broadcast_in_dim3A_40 = vector.broadcast %broadcast_in_dim3A_39 : f32 to vector<16xf32>
    %swap3A_41 = arith.constant 32 : index
    %swap3A_42 = tpu.vector_load %arg10[%swap3A_41] {strides = array<i32>} : memref<128xf32, #tpu.memory_space<vmem>>, vector<16xf32>,
    tpu.vector_store %arg10[%swap3A_41], %broadcast_in_dim3A_40 {strides = array<i32>} : memref<128xf32, #tpu.memory_space<vmem>>, vector<16xf32>,
    %broadcast_in_dim3A_43 = arith.constant 0 : i32
    %broadcast_in_dim3A_44 = vector.broadcast %broadcast_in_dim3A_43 : i32 to vector<16xi32>
    %swap3A_45 = arith.constant 32 : index
    %swap3A_46 = tpu.vector_load %arg11[%swap3A_45] {strides = array<i32>} : memref<128xi32, #tpu.memory_space<vmem>>, vector<16xi32>,
    tpu.vector_store %arg11[%swap3A_45], %broadcast_in_dim3A_44 {strides = array<i32>} : memref<128xi32, #tpu.memory_space<vmem>>, vector<16xi32>,
    %broadcast_in_dim3A_47 = arith.constant -3.40282347E+38 : f32
    %broadcast_in_dim3A_48 = vector.broadcast %broadcast_in_dim3A_47 : f32 to vector<16xf32>
    %swap3A_49 = arith.constant 48 : index
    %swap3A_50 = tpu.vector_load %arg8[%swap3A_49] {strides = array<i32>} : memref<128xf32, #tpu.memory_space<vmem>>, vector<16xf32>,
    tpu.vector_store %arg8[%swap3A_49], %broadcast_in_dim3A_48 {strides = array<i32>} : memref<128xf32, #tpu.memory_space<vmem>>, vector<16xf32>,
    %broadcast_in_dim3A_51 = arith.constant 0.000000e+00 : f32
    %broadcast_in_dim3A_52 = vector.broadcast %broadcast_in_dim3A_51 : f32 to vector<16xf32>
    %swap3A_53 = arith.constant 48 : index
    %swap3A_54 = tpu.vector_load %arg9[%swap3A_53] {strides = array<i32>} : memref<128xf32, #tpu.memory_space<vmem>>, vector<16xf32>,
    tpu.vector_store %arg9[%swap3A_53], %broadcast_in_dim3A_52 {strides = array<i32>} : memref<128xf32, #tpu.memory_space<vmem>>, vector<16xf32>,
    %broadcast_in_dim3A_55 = arith.constant 0.000000e+00 : f32
    %broadcast_in_dim3A_56 = vector.broadcast %broadcast_in_dim3A_55 : f32 to vector<16xf32>
    %swap3A_57 = arith.constant 48 : index
    %swap3A_58 = tpu.vector_load %arg10[%swap3A_57] {strides = array<i32>} : memref<128xf32, #tpu.memory_space<vmem>>, vector<16xf32>,
    tpu.vector_store %arg10[%swap3A_57], %broadcast_in_dim3A_56 {strides = array<i32>} : memref<128xf32, #tpu.memory_space<vmem>>, vector<16xf32>,
    %broadcast_in_dim3A_59 = arith.constant 0 : i32
    %broadcast_in_dim3A_60 = vector.broadcast %broadcast_in_dim3A_59 : i32 to vector<16xi32>
    %swap3A_61 = arith.constant 48 : index
    %swap3A_62 = tpu.vector_load %arg11[%swap3A_61] {strides = array<i32>} : memref<128xi32, #tpu.memory_space<vmem>>, vector<16xi32>,
    tpu.vector_store %arg11[%swap3A_61], %broadcast_in_dim3A_60 {strides = array<i32>} : memref<128xi32, #tpu.memory_space<vmem>>, vector<16xi32>,
    %broadcast_in_dim3A_63 = arith.constant -3.40282347E+38 : f32
    %broadcast_in_dim3A_64 = vector.broadcast %broadcast_in_dim3A_63 : f32 to vector<16xf32>
    %swap3A_65 = arith.constant 64 : index
    %swap3A_66 = tpu.vector_load %arg8[%swap3A_65] {strides = array<i32>} : memref<128xf32, #tpu.memory_space<vmem>>, vector<16xf32>,
    tpu.vector_store %arg8[%swap3A_65], %broadcast_in_dim3A_64 {strides = array<i32>} : memref<128xf32, #tpu.memory_space<vmem>>, vector<16xf32>,
    %broadcast_in_dim3A_67 = arith.constant 0.000000e+00 : f32
    %broadcast_in_dim3A_68 = vector.broadcast %broadcast_in_dim3A_67 : f32 to vector<16xf32>
    %swap3A_69 = arith.constant 64 : index
    %swap3A_70 = tpu.vector_load %arg9[%swap3A_69] {strides = array<i32>} : memref<128xf32, #tpu.memory_space<vmem>>, vector<16xf32>,
    tpu.vector_store %arg9[%swap3A_69], %broadcast_in_dim3A_68 {strides = array<i32>} : memref<128xf32, #tpu.memory_space<vmem>>, vector<16xf32>,
    %broadcast_in_dim3A_71 = arith.constant 0.000000e+00 : f32
    %broadcast_in_dim3A_72 = vector.broadcast %broadcast_in_dim3A_71 : f32 to vector<16xf32>
    %swap3A_73 = arith.constant 64 : index
    %swap3A_74 = tpu.vector_load %arg10[%swap3A_73] {strides = array<i32>} : memref<128xf32, #tpu.memory_space<vmem>>, vector<16xf32>,
    tpu.vector_store %arg10[%swap3A_73], %broadcast_in_dim3A_72 {strides = array<i32>} : memref<128xf32, #tpu.memory_space<vmem>>, vector<16xf32>,
    %broadcast_in_dim3A_75 = arith.constant 0 : i32
    %broadcast_in_dim3A_76 = vector.broadcast %broadcast_in_dim3A_75 : i32 to vector<16xi32>
    %swap3A_77 = arith.constant 64 : index
    %swap3A_78 = tpu.vector_load %arg11[%swap3A_77] {strides = array<i32>} : memref<128xi32, #tpu.memory_space<vmem>>, vector<16xi32>,
    tpu.vector_store %arg11[%swap3A_77], %broadcast_in_dim3A_76 {strides = array<i32>} : memref<128xi32, #tpu.memory_space<vmem>>, vector<16xi32>,
    %broadcast_in_dim3A_79 = arith.constant -3.40282347E+38 : f32
    %broadcast_in_dim3A_80 = vector.broadcast %broadcast_in_dim3A_79 : f32 to vector<16xf32>
    %swap3A_81 = arith.constant 80 : index
    %swap3A_82 = tpu.vector_load %arg8[%swap3A_81] {strides = array<i32>} : memref<128xf32, #tpu.memory_space<vmem>>, vector<16xf32>,
    tpu.vector_store %arg8[%swap3A_81], %broadcast_in_dim3A_80 {strides = array<i32>} : memref<128xf32, #tpu.memory_space<vmem>>, vector<16xf32>,
    %broadcast_in_dim3A_83 = arith.constant 0.000000e+00 : f32
    %broadcast_in_dim3A_84 = vector.broadcast %broadcast_in_dim3A_83 : f32 to vector<16xf32>
    %swap3A_85 = arith.constant 80 : index
    %swap3A_86 = tpu.vector_load %arg9[%swap3A_85] {strides = array<i32>} : memref<128xf32, #tpu.memory_space<vmem>>, vector<16xf32>,
    tpu.vector_store %arg9[%swap3A_85], %broadcast_in_dim3A_84 {strides = array<i32>} : memref<128xf32, #tpu.memory_space<vmem>>, vector<16xf32>,
    %broadcast_in_dim3A_87 = arith.constant 0.000000e+00 : f32
    %broadcast_in_dim3A_88 = vector.broadcast %broadcast_in_dim3A_87 : f32 to vector<16xf32>
    %swap3A_89 = arith.constant 80 : index
    %swap3A_90 = tpu.vector_load %arg10[%swap3A_89] {strides = array<i32>} : memref<128xf32, #tpu.memory_space<vmem>>, vector<16xf32>,
    tpu.vector_store %arg10[%swap3A_89], %broadcast_in_dim3A_88 {strides = array<i32>} : memref<128xf32, #tpu.memory_space<vmem>>, vector<16xf32>,
    %broadcast_in_dim3A_91 = arith.constant 0 : i32
    %broadcast_in_dim3A_92 = vector.broadcast %broadcast_in_dim3A_91 : i32 to vector<16xi32>
    %swap3A_93 = arith.constant 80 : index
    %swap3A_94 = tpu.vector_load %arg11[%swap3A_93] {strides = array<i32>} : memref<128xi32, #tpu.memory_space<vmem>>, vector<16xi32>,
    tpu.vector_store %arg11[%swap3A_93], %broadcast_in_dim3A_92 {strides = array<i32>} : memref<128xi32, #tpu.memory_space<vmem>>, vector<16xi32>,
    %broadcast_in_dim3A_95 = arith.constant -3.40282347E+38 : f32
    %broadcast_in_dim3A_96 = vector.broadcast %broadcast_in_dim3A_95 : f32 to vector<16xf32>
    %swap3A_97 = arith.constant 96 : index
    %swap3A_98 = tpu.vector_load %arg8[%swap3A_97] {strides = array<i32>} : memref<128xf32, #tpu.memory_space<vmem>>, vector<16xf32>,
    tpu.vector_store %arg8[%swap3A_97], %broadcast_in_dim3A_96 {strides = array<i32>} : memref<128xf32, #tpu.memory_space<vmem>>, vector<16xf32>,
    %broadcast_in_dim3A_99 = arith.constant 0.000000e+00 : f32
    %broadcast_in_dim3A_100 = vector.broadcast %broadcast_in_dim3A_99 : f32 to vector<16xf32>
    %swap3A_101 = arith.constant 96 : index
    %swap3A_102 = tpu.vector_load %arg9[%swap3A_101] {strides = array<i32>} : memref<128xf32, #tpu.memory_space<vmem>>, vector<16xf32>,
    tpu.vector_store %arg9[%swap3A_101], %broadcast_in_dim3A_100 {strides = array<i32>} : memref<128xf32, #tpu.memory_space<vmem>>, vector<16xf32>,
    %broadcast_in_dim3A_103 = arith.constant 0.000000e+00 : f32
    %broadcast_in_dim3A_104 = vector.broadcast %broadcast_in_dim3A_103 : f32 to vector<16xf32>
    %swap3A_105 = arith.constant 96 : index
    %swap3A_106 = tpu.vector_load %arg10[%swap3A_105] {strides = array<i32>} : memref<128xf32, #tpu.memory_space<vmem>>, vector<16xf32>,
    tpu.vector_store %arg10[%swap3A_105], %broadcast_in_dim3A_104 {strides = array<i32>} : memref<128xf32, #tpu.memory_space<vmem>>, vector<16xf32>,
    %broadcast_in_dim3A_107 = arith.constant 0 : i32
    %broadcast_in_dim3A_108 = vector.broadcast %broadcast_in_dim3A_107 : i32 to vector<16xi32>
    %swap3A_109 = arith.constant 96 : index
    %swap3A_110 = tpu.vector_load %arg11[%swap3A_109] {strides = array<i32>} : memref<128xi32, #tpu.memory_space<vmem>>, vector<16xi32>,
    tpu.vector_store %arg11[%swap3A_109], %broadcast_in_dim3A_108 {strides = array<i32>} : memref<128xi32, #tpu.memory_space<vmem>>, vector<16xi32>,
    %broadcast_in_dim3A_111 = arith.constant -3.40282347E+38 : f32
    %broadcast_in_dim3A_112 = vector.broadcast %broadcast_in_dim3A_111 : f32 to vector<16xf32>
    %swap3A_113 = arith.constant 112 : index
    %swap3A_114 = tpu.vector_load %arg8[%swap3A_113] {strides = array<i32>} : memref<128xf32, #tpu.memory_space<vmem>>, vector<16xf32>,
    tpu.vector_store %arg8[%swap3A_113], %broadcast_in_dim3A_112 {strides = array<i32>} : memref<128xf32, #tpu.memory_space<vmem>>, vector<16xf32>,
    %broadcast_in_dim3A_115 = arith.constant 0.000000e+00 : f32
    %broadcast_in_dim3A_116 = vector.broadcast %broadcast_in_dim3A_115 : f32 to vector<16xf32>
    %swap3A_117 = arith.constant 112 : index
    %swap3A_118 = tpu.vector_load %arg9[%swap3A_117] {strides = array<i32>} : memref<128xf32, #tpu.memory_space<vmem>>, vector<16xf32>,
    tpu.vector_store %arg9[%swap3A_117], %broadcast_in_dim3A_116 {strides = array<i32>} : memref<128xf32, #tpu.memory_space<vmem>>, vector<16xf32>,
    %broadcast_in_dim3A_119 = arith.constant 0.000000e+00 : f32
    %broadcast_in_dim3A_120 = vector.broadcast %broadcast_in_dim3A_119 : f32 to vector<16xf32>
    %swap3A_121 = arith.constant 112 : index
    %swap3A_122 = tpu.vector_load %arg10[%swap3A_121] {strides = array<i32>} : memref<128xf32, #tpu.memory_space<vmem>>, vector<16xf32>,
    tpu.vector_store %arg10[%swap3A_121], %broadcast_in_dim3A_120 {strides = array<i32>} : memref<128xf32, #tpu.memory_space<vmem>>, vector<16xf32>,
    %broadcast_in_dim3A_123 = arith.constant 0 : i32
    %broadcast_in_dim3A_124 = vector.broadcast %broadcast_in_dim3A_123 : i32 to vector<16xi32>
    %swap3A_125 = arith.constant 112 : index
    %swap3A_126 = tpu.vector_load %arg11[%swap3A_125] {strides = array<i32>} : memref<128xi32, #tpu.memory_space<vmem>>, vector<16xi32>,
    tpu.vector_store %arg11[%swap3A_125], %broadcast_in_dim3A_124 {strides = array<i32>} : memref<128xi32, #tpu.memory_space<vmem>>, vector<16xi32>,
    %mul3A_127 = arith.constant 200 : i32
    %mul3A_128 = arith.muli %add3A, %mul3A_127 : i32
    %multiple_of3A = tpu.assume_multiple %mul3A_128, 8 : i32
    %dma_start3A = arith.constant 0 : i32
    %dma_start3A_129 = tpu.memref_slice %arg2[%multiple_of3A, %dma_start3A] : memref<100000x128xf32, #tpu.memory_space<hbm>> -> memref<200x128xf32, #tpu.memory_space<hbm>>
    %dma_start3A_130 = arith.constant 0 : i32
    %dma_start3A_131 = tpu.memref_slice %arg2[%multiple_of3A, %dma_start3A_130] : memref<100000x128xf32, #tpu.memory_space<hbm>> -> memref<200x128xf32, #tpu.memory_space<hbm>>
    tpu.enqueue_dma source(%dma_start3A_131 : memref<200x128xf32, #tpu.memory_space<hbm>>) target(%arg5 : memref<200x128xf32, #tpu.memory_space<vmem>>) target_semaphore(%arg13 : memref<!tpu.dma_semaphore, #tpu.memory_space<semaphore_mem>>)
    %add3A_132 = arith.constant 32 : i32
    %add3A_133 = arith.addi %add3A_132, %add3A : i32
    %mul3A_134 = arith.constant 200 : i32
    %mul3A_135 = arith.muli %add3A_133, %mul3A_134 : i32
    %multiple_of3A_136 = tpu.assume_multiple %mul3A_135, 8 : i32
    %dma_start3A_137 = arith.constant 0 : i32
    %dma_start3A_138 = tpu.memref_slice %arg2[%multiple_of3A_136, %dma_start3A_137] : memref<100000x128xf32, #tpu.memory_space<hbm>> -> memref<200x128xf32, #tpu.memory_space<hbm>>
    %dma_start3A_139 = arith.constant 0 : i32
    %dma_start3A_140 = tpu.memref_slice %arg2[%multiple_of3A_136, %dma_start3A_139] : memref<100000x128xf32, #tpu.memory_space<hbm>> -> memref<200x128xf32, #tpu.memory_space<hbm>>
    tpu.enqueue_dma source(%dma_start3A_140 : memref<200x128xf32, #tpu.memory_space<hbm>>) target(%arg6 : memref<200x128xf32, #tpu.memory_space<vmem>>) target_semaphore(%arg14 : memref<!tpu.dma_semaphore, #tpu.memory_space<semaphore_mem>>)
    %add3A_141 = arith.constant 480 : i32
    %add3A_142 = arith.addi %add3A_141, %add3A : i32
    %scan3A = arith.constant 0 : i32
    %scan3A_143 = arith.constant 0 : i32
    %scan3A_144 = arith.constant 7 : i32
    %scan3A_145 = arith.addi %scan3A_143, %scan3A_144 : i32
    %scan3A_146 = arith.constant 1 : i32
    scf.for %scan3A_532 = %scan3A_143 to %scan3A_145 step %scan3A_146  : i32 {
      %mul3A_533 = arith.constant 2 : i32
      %mul3A_534 = arith.muli %mul3A_533, %scan3A_532 : i32
      %mul3A_535 = arith.constant 32 : i32
      %mul3A_536 = arith.muli %mul3A_534, %mul3A_535 : i32
      %add3A_537 = arith.addi %mul3A_536, %add3A : i32
      %dma_wait3A_538 = arith.constant 0 : i32
      %dma_wait3A_539 = arith.constant 0 : i32
      %dma_wait3A_540 = tpu.memref_slice %arg2[%dma_wait3A_538, %dma_wait3A_539] : memref<100000x128xf32, #tpu.memory_space<hbm>> -> memref<200x128xf32, #tpu.memory_space<hbm>>
      %dma_wait3A_541 = arith.constant 0 : i32
      %dma_wait3A_542 = arith.constant 0 : i32
      %dma_wait3A_543 = tpu.memref_slice %arg2[%dma_wait3A_541, %dma_wait3A_542] : memref<100000x128xf32, #tpu.memory_space<hbm>> -> memref<200x128xf32, #tpu.memory_space<hbm>>
      tpu.wait_dma2 semaphore(%arg13 : memref<!tpu.dma_semaphore, #tpu.memory_space<semaphore_mem>>) src(%dma_wait3A_543 : memref<200x128xf32, #tpu.memory_space<hbm>>) dst(%arg5 : memref<200x128xf32, #tpu.memory_space<vmem>>)
      %mul3A_544 = arith.constant 200 : i32
      %mul3A_545 = arith.muli %add3A_537, %mul3A_544 : i32
      %get3A_546 = arith.constant 0 : index
      %get3A_547 = tpu.vector_load %arg8[%get3A_546] {strides = array<i32>} : memref<128xf32, #tpu.memory_space<vmem>>, vector<16xf32>,
      %get3A_548 = arith.constant 16 : index
      %get3A_549 = tpu.vector_load %arg8[%get3A_548] {strides = array<i32>} : memref<128xf32, #tpu.memory_space<vmem>>, vector<16xf32>,
      %get3A_550 = arith.constant 32 : index
      %get3A_551 = tpu.vector_load %arg8[%get3A_550] {strides = array<i32>} : memref<128xf32, #tpu.memory_space<vmem>>, vector<16xf32>,
      %get3A_552 = arith.constant 48 : index
      %get3A_553 = tpu.vector_load %arg8[%get3A_552] {strides = array<i32>} : memref<128xf32, #tpu.memory_space<vmem>>, vector<16xf32>,
      %get3A_554 = arith.constant 64 : index
      %get3A_555 = tpu.vector_load %arg8[%get3A_554] {strides = array<i32>} : memref<128xf32, #tpu.memory_space<vmem>>, vector<16xf32>,
      %get3A_556 = arith.constant 80 : index
      %get3A_557 = tpu.vector_load %arg8[%get3A_556] {strides = array<i32>} : memref<128xf32, #tpu.memory_space<vmem>>, vector<16xf32>,
      %get3A_558 = arith.constant 96 : index
      %get3A_559 = tpu.vector_load %arg8[%get3A_558] {strides = array<i32>} : memref<128xf32, #tpu.memory_space<vmem>>, vector<16xf32>,
      %get3A_560 = arith.constant 112 : index
      %get3A_561 = tpu.vector_load %arg8[%get3A_560] {strides = array<i32>} : memref<128xf32, #tpu.memory_space<vmem>>, vector<16xf32>,
      %get3A_562 = arith.constant 0 : index
      %get3A_563 = tpu.vector_load %arg11[%get3A_562] {strides = array<i32>} : memref<128xi32, #tpu.memory_space<vmem>>, vector<16xi32>,
      %get3A_564 = arith.constant 16 : index
      %get3A_565 = tpu.vector_load %arg11[%get3A_564] {strides = array<i32>} : memref<128xi32, #tpu.memory_space<vmem>>, vector<16xi32>,
      %get3A_566 = arith.constant 32 : index
      %get3A_567 = tpu.vector_load %arg11[%get3A_566] {strides = array<i32>} : memref<128xi32, #tpu.memory_space<vmem>>, vector<16xi32>,
      %get3A_568 = arith.constant 48 : index
      %get3A_569 = tpu.vector_load %arg11[%get3A_568] {strides = array<i32>} : memref<128xi32, #tpu.memory_space<vmem>>, vector<16xi32>,
      %get3A_570 = arith.constant 64 : index
      %get3A_571 = tpu.vector_load %arg11[%get3A_570] {strides = array<i32>} : memref<128xi32, #tpu.memory_space<vmem>>, vector<16xi32>,
      %get3A_572 = arith.constant 80 : index
      %get3A_573 = tpu.vector_load %arg11[%get3A_572] {strides = array<i32>} : memref<128xi32, #tpu.memory_space<vmem>>, vector<16xi32>,
      %get3A_574 = arith.constant 96 : index
      %get3A_575 = tpu.vector_load %arg11[%get3A_574] {strides = array<i32>} : memref<128xi32, #tpu.memory_space<vmem>>, vector<16xi32>,
      %get3A_576 = arith.constant 112 : index
      %get3A_577 = tpu.vector_load %arg11[%get3A_576] {strides = array<i32>} : memref<128xi32, #tpu.memory_space<vmem>>, vector<16xi32>,
      %get3A_578 = arith.constant 0 : index
      %get3A_579 = tpu.vector_load %arg9[%get3A_578] {strides = array<i32>} : memref<128xf32, #tpu.memory_space<vmem>>, vector<16xf32>,
      %get3A_580 = arith.constant 16 : index
      %get3A_581 = tpu.vector_load %arg9[%get3A_580] {strides = array<i32>} : memref<128xf32, #tpu.memory_space<vmem>>, vector<16xf32>,
      %get3A_582 = arith.constant 32 : index
      %get3A_583 = tpu.vector_load %arg9[%get3A_582] {strides = array<i32>} : memref<128xf32, #tpu.memory_space<vmem>>, vector<16xf32>,
      %get3A_584 = arith.constant 48 : index
      %get3A_585 = tpu.vector_load %arg9[%get3A_584] {strides = array<i32>} : memref<128xf32, #tpu.memory_space<vmem>>, vector<16xf32>,
      %get3A_586 = arith.constant 64 : index
      %get3A_587 = tpu.vector_load %arg9[%get3A_586] {strides = array<i32>} : memref<128xf32, #tpu.memory_space<vmem>>, vector<16xf32>,
      %get3A_588 = arith.constant 80 : index
      %get3A_589 = tpu.vector_load %arg9[%get3A_588] {strides = array<i32>} : memref<128xf32, #tpu.memory_space<vmem>>, vector<16xf32>,
      %get3A_590 = arith.constant 96 : index
      %get3A_591 = tpu.vector_load %arg9[%get3A_590] {strides = array<i32>} : memref<128xf32, #tpu.memory_space<vmem>>, vector<16xf32>,
      %get3A_592 = arith.constant 112 : index
      %get3A_593 = tpu.vector_load %arg9[%get3A_592] {strides = array<i32>} : memref<128xf32, #tpu.memory_space<vmem>>, vector<16xf32>,
      %scan3A_594 = arith.constant 0 : i32
      %scan3A_595 = arith.constant 200 : i32
      %scan3A_596 = arith.addi %scan3A_594, %scan3A_595 : i32
      %scan3A_597 = arith.constant 2 : i32
      %scan3A_598:24 = scf.for %scan3A_1238 = %scan3A_594 to %scan3A_596 step %scan3A_597 iter_args(%scan3A_1239 = %get3A_547, %scan3A_1240 = %get3A_549, %scan3A_1241 = %get3A_551, %scan3A_1242 = %get3A_553, %scan3A_1243 = %get3A_555, %scan3A_1244 = %get3A_557, %scan3A_1245 = %get3A_559, %scan3A_1246 = %get3A_561, %scan3A_1247 = %get3A_563, %scan3A_1248 = %get3A_565, %scan3A_1249 = %get3A_567, %scan3A_1250 = %get3A_569, %scan3A_1251 = %get3A_571, %scan3A_1252 = %get3A_573, %scan3A_1253 = %get3A_575, %scan3A_1254 = %get3A_577, %scan3A_1255 = %get3A_579, %scan3A_1256 = %get3A_581, %scan3A_1257 = %get3A_583, %scan3A_1258 = %get3A_585, %scan3A_1259 = %get3A_587, %scan3A_1260 = %get3A_589, %scan3A_1261 = %get3A_591, %scan3A_1262 = %get3A_593) -> (vector<16xf32>, vector<16xf32>, vector<16xf32>, vector<16xf32>, vector<16xf32>, vector<16xf32>, vector<16xf32>, vector<16xf32>, vector<16xi32>, vector<16xi32>, vector<16xi32>, vector<16xi32>, vector<16xi32>, vector<16xi32>, vector<16xi32>, vector<16xi32>, vector<16xf32>, vector<16xf32>, vector<16xf32>, vector<16xf32>, vector<16xf32>, vector<16xf32>, vector<16xf32>, vector<16xf32>)  : i32 {
        %broadcast_in_dim3A_1263 = arith.constant 0 : i32
        %broadcast_in_dim3A_1264 = vector.broadcast %broadcast_in_dim3A_1263 : i32 to vector<16xi32>
        %add3A_1265 = arith.addi %mul3A_545, %scan3A_1238 : i32
        %add3A_1266 = vector.broadcast %add3A_1265 : i32 to vector<16xi32>
        %add3A_1267 = arith.addi %broadcast_in_dim3A_1264, %add3A_1266 : vector<16xi32>
        %get3A_1268 = arith.index_cast %scan3A_1238 : i32 to index
        %get3A_1269 = arith.constant 0 : index
        %get3A_1270 = tpu.vector_load %arg5[%get3A_1268, %get3A_1269] {strides = array<i32>} : memref<200x128xf32, #tpu.memory_space<vmem>>, vector<16xf32>,
        %gt3A = arith.cmpf ogt, %get3A_1270, %scan3A_1239 : vector<16xf32>
        %select_n3A_1271 = arith.select %gt3A, %get3A_1270, %scan3A_1239 : vector<16xi1>, vector<16xf32>
        %select_n3A_1272 = arith.select %gt3A, %add3A_1267, %scan3A_1247 : vector<16xi1>, vector<16xi32>
        %exp3A = math.exp %get3A_1270 : vector<16xf32>
        %add3A_1273 = arith.addf %scan3A_1255, %exp3A : vector<16xf32>
        %get3A_1274 = arith.index_cast %scan3A_1238 : i32 to index
        %get3A_1275 = arith.constant 16 : index
        %get3A_1276 = tpu.vector_load %arg5[%get3A_1274, %get3A_1275] {strides = array<i32>} : memref<200x128xf32, #tpu.memory_space<vmem>>, vector<16xf32>,
        %gt3A_1277 = arith.cmpf ogt, %get3A_1276, %scan3A_1240 : vector<16xf32>
        %select_n3A_1278 = arith.select %gt3A_1277, %get3A_1276, %scan3A_1240 : vector<16xi1>, vector<16xf32>
        %select_n3A_1279 = arith.select %gt3A_1277, %add3A_1267, %scan3A_1248 : vector<16xi1>, vector<16xi32>
        %exp3A_1280 = math.exp %get3A_1276 : vector<16xf32>
        %add3A_1281 = arith.addf %scan3A_1256, %exp3A_1280 : vector<16xf32>
        %get3A_1282 = arith.index_cast %scan3A_1238 : i32 to index
        %get3A_1283 = arith.constant 32 : index
        %get3A_1284 = tpu.vector_load %arg5[%get3A_1282, %get3A_1283] {strides = array<i32>} : memref<200x128xf32, #tpu.memory_space<vmem>>, vector<16xf32>,
        %gt3A_1285 = arith.cmpf ogt, %get3A_1284, %scan3A_1241 : vector<16xf32>
        %select_n3A_1286 = arith.select %gt3A_1285, %get3A_1284, %scan3A_1241 : vector<16xi1>, vector<16xf32>
        %select_n3A_1287 = arith.select %gt3A_1285, %add3A_1267, %scan3A_1249 : vector<16xi1>, vector<16xi32>
        %exp3A_1288 = math.exp %get3A_1284 : vector<16xf32>
        %add3A_1289 = arith.addf %scan3A_1257, %exp3A_1288 : vector<16xf32>
        %get3A_1290 = arith.index_cast %scan3A_1238 : i32 to index
        %get3A_1291 = arith.constant 48 : index
        %get3A_1292 = tpu.vector_load %arg5[%get3A_1290, %get3A_1291] {strides = array<i32>} : memref<200x128xf32, #tpu.memory_space<vmem>>, vector<16xf32>,
        %gt3A_1293 = arith.cmpf ogt, %get3A_1292, %scan3A_1242 : vector<16xf32>
        %select_n3A_1294 = arith.select %gt3A_1293, %get3A_1292, %scan3A_1242 : vector<16xi1>, vector<16xf32>
        %select_n3A_1295 = arith.select %gt3A_1293, %add3A_1267, %scan3A_1250 : vector<16xi1>, vector<16xi32>
        %exp3A_1296 = math.exp %get3A_1292 : vector<16xf32>
        %add3A_1297 = arith.addf %scan3A_1258, %exp3A_1296 : vector<16xf32>
        %get3A_1298 = arith.index_cast %scan3A_1238 : i32 to index
        %get3A_1299 = arith.constant 64 : index
        %get3A_1300 = tpu.vector_load %arg5[%get3A_1298, %get3A_1299] {strides = array<i32>} : memref<200x128xf32, #tpu.memory_space<vmem>>, vector<16xf32>,
        %gt3A_1301 = arith.cmpf ogt, %get3A_1300, %scan3A_1243 : vector<16xf32>
        %select_n3A_1302 = arith.select %gt3A_1301, %get3A_1300, %scan3A_1243 : vector<16xi1>, vector<16xf32>
        %select_n3A_1303 = arith.select %gt3A_1301, %add3A_1267, %scan3A_1251 : vector<16xi1>, vector<16xi32>
        %exp3A_1304 = math.exp %get3A_1300 : vector<16xf32>
        %add3A_1305 = arith.addf %scan3A_1259, %exp3A_1304 : vector<16xf32>
        %get3A_1306 = arith.index_cast %scan3A_1238 : i32 to index
        %get3A_1307 = arith.constant 80 : index
        %get3A_1308 = tpu.vector_load %arg5[%get3A_1306, %get3A_1307] {strides = array<i32>} : memref<200x128xf32, #tpu.memory_space<vmem>>, vector<16xf32>,
        %gt3A_1309 = arith.cmpf ogt, %get3A_1308, %scan3A_1244 : vector<16xf32>
        %select_n3A_1310 = arith.select %gt3A_1309, %get3A_1308, %scan3A_1244 : vector<16xi1>, vector<16xf32>
        %select_n3A_1311 = arith.select %gt3A_1309, %add3A_1267, %scan3A_1252 : vector<16xi1>, vector<16xi32>
        %exp3A_1312 = math.exp %get3A_1308 : vector<16xf32>
        %add3A_1313 = arith.addf %scan3A_1260, %exp3A_1312 : vector<16xf32>
        %get3A_1314 = arith.index_cast %scan3A_1238 : i32 to index
        %get3A_1315 = arith.constant 96 : index
        %get3A_1316 = tpu.vector_load %arg5[%get3A_1314, %get3A_1315] {strides = array<i32>} : memref<200x128xf32, #tpu.memory_space<vmem>>, vector<16xf32>,
        %gt3A_1317 = arith.cmpf ogt, %get3A_1316, %scan3A_1245 : vector<16xf32>
        %select_n3A_1318 = arith.select %gt3A_1317, %get3A_1316, %scan3A_1245 : vector<16xi1>, vector<16xf32>
        %select_n3A_1319 = arith.select %gt3A_1317, %add3A_1267, %scan3A_1253 : vector<16xi1>, vector<16xi32>
        %exp3A_1320 = math.exp %get3A_1316 : vector<16xf32>
        %add3A_1321 = arith.addf %scan3A_1261, %exp3A_1320 : vector<16xf32>
        %get3A_1322 = arith.index_cast %scan3A_1238 : i32 to index
        %get3A_1323 = arith.constant 112 : index
        %get3A_1324 = tpu.vector_load %arg5[%get3A_1322, %get3A_1323] {strides = array<i32>} : memref<200x128xf32, #tpu.memory_space<vmem>>, vector<16xf32>,
        %gt3A_1325 = arith.cmpf ogt, %get3A_1324, %scan3A_1246 : vector<16xf32>
        %select_n3A_1326 = arith.select %gt3A_1325, %get3A_1324, %scan3A_1246 : vector<16xi1>, vector<16xf32>
        %select_n3A_1327 = arith.select %gt3A_1325, %add3A_1267, %scan3A_1254 : vector<16xi1>, vector<16xi32>
        %exp3A_1328 = math.exp %get3A_1324 : vector<16xf32>
        %add3A_1329 = arith.addf %scan3A_1262, %exp3A_1328 : vector<16xf32>
        %scan3A_1330 = arith.constant 1 : i32
        %scan3A_1331 = arith.addi %scan3A_1238, %scan3A_1330 : i32
        %broadcast_in_dim3A_1332 = arith.constant 0 : i32
        %broadcast_in_dim3A_1333 = vector.broadcast %broadcast_in_dim3A_1332 : i32 to vector<16xi32>
        %add3A_1334 = arith.addi %mul3A_545, %scan3A_1331 : i32
        %add3A_1335 = vector.broadcast %add3A_1334 : i32 to vector<16xi32>
        %add3A_1336 = arith.addi %broadcast_in_dim3A_1333, %add3A_1335 : vector<16xi32>
        %get3A_1337 = arith.index_cast %scan3A_1331 : i32 to index
        %get3A_1338 = arith.constant 0 : index
        %get3A_1339 = tpu.vector_load %arg5[%get3A_1337, %get3A_1338] {strides = array<i32>} : memref<200x128xf32, #tpu.memory_space<vmem>>, vector<16xf32>,
        %gt3A_1340 = arith.cmpf ogt, %get3A_1339, %select_n3A_1271 : vector<16xf32>
        %select_n3A_1341 = arith.select %gt3A_1340, %get3A_1339, %select_n3A_1271 : vector<16xi1>, vector<16xf32>
        %select_n3A_1342 = arith.select %gt3A_1340, %add3A_1336, %select_n3A_1272 : vector<16xi1>, vector<16xi32>
        %exp3A_1343 = math.exp %get3A_1339 : vector<16xf32>
        %add3A_1344 = arith.addf %add3A_1273, %exp3A_1343 : vector<16xf32>
        %get3A_1345 = arith.index_cast %scan3A_1331 : i32 to index
        %get3A_1346 = arith.constant 16 : index
        %get3A_1347 = tpu.vector_load %arg5[%get3A_1345, %get3A_1346] {strides = array<i32>} : memref<200x128xf32, #tpu.memory_space<vmem>>, vector<16xf32>,
        %gt3A_1348 = arith.cmpf ogt, %get3A_1347, %select_n3A_1278 : vector<16xf32>
        %select_n3A_1349 = arith.select %gt3A_1348, %get3A_1347, %select_n3A_1278 : vector<16xi1>, vector<16xf32>
        %select_n3A_1350 = arith.select %gt3A_1348, %add3A_1336, %select_n3A_1279 : vector<16xi1>, vector<16xi32>
        %exp3A_1351 = math.exp %get3A_1347 : vector<16xf32>
        %add3A_1352 = arith.addf %add3A_1281, %exp3A_1351 : vector<16xf32>
        %get3A_1353 = arith.index_cast %scan3A_1331 : i32 to index
        %get3A_1354 = arith.constant 32 : index
        %get3A_1355 = tpu.vector_load %arg5[%get3A_1353, %get3A_1354] {strides = array<i32>} : memref<200x128xf32, #tpu.memory_space<vmem>>, vector<16xf32>,
        %gt3A_1356 = arith.cmpf ogt, %get3A_1355, %select_n3A_1286 : vector<16xf32>
        %select_n3A_1357 = arith.select %gt3A_1356, %get3A_1355, %select_n3A_1286 : vector<16xi1>, vector<16xf32>
        %select_n3A_1358 = arith.select %gt3A_1356, %add3A_1336, %select_n3A_1287 : vector<16xi1>, vector<16xi32>
        %exp3A_1359 = math.exp %get3A_1355 : vector<16xf32>
        %add3A_1360 = arith.addf %add3A_1289, %exp3A_1359 : vector<16xf32>
        %get3A_1361 = arith.index_cast %scan3A_1331 : i32 to index
        %get3A_1362 = arith.constant 48 : index
        %get3A_1363 = tpu.vector_load %arg5[%get3A_1361, %get3A_1362] {strides = array<i32>} : memref<200x128xf32, #tpu.memory_space<vmem>>, vector<16xf32>,
        %gt3A_1364 = arith.cmpf ogt, %get3A_1363, %select_n3A_1294 : vector<16xf32>
        %select_n3A_1365 = arith.select %gt3A_1364, %get3A_1363, %select_n3A_1294 : vector<16xi1>, vector<16xf32>
        %select_n3A_1366 = arith.select %gt3A_1364, %add3A_1336, %select_n3A_1295 : vector<16xi1>, vector<16xi32>
        %exp3A_1367 = math.exp %get3A_1363 : vector<16xf32>
        %add3A_1368 = arith.addf %add3A_1297, %exp3A_1367 : vector<16xf32>
        %get3A_1369 = arith.index_cast %scan3A_1331 : i32 to index
        %get3A_1370 = arith.constant 64 : index
        %get3A_1371 = tpu.vector_load %arg5[%get3A_1369, %get3A_1370] {strides = array<i32>} : memref<200x128xf32, #tpu.memory_space<vmem>>, vector<16xf32>,
        %gt3A_1372 = arith.cmpf ogt, %get3A_1371, %select_n3A_1302 : vector<16xf32>
        %select_n3A_1373 = arith.select %gt3A_1372, %get3A_1371, %select_n3A_1302 : vector<16xi1>, vector<16xf32>
        %select_n3A_1374 = arith.select %gt3A_1372, %add3A_1336, %select_n3A_1303 : vector<16xi1>, vector<16xi32>
        %exp3A_1375 = math.exp %get3A_1371 : vector<16xf32>
        %add3A_1376 = arith.addf %add3A_1305, %exp3A_1375 : vector<16xf32>
        %get3A_1377 = arith.index_cast %scan3A_1331 : i32 to index
        %get3A_1378 = arith.constant 80 : index
        %get3A_1379 = tpu.vector_load %arg5[%get3A_1377, %get3A_1378] {strides = array<i32>} : memref<200x128xf32, #tpu.memory_space<vmem>>, vector<16xf32>,
        %gt3A_1380 = arith.cmpf ogt, %get3A_1379, %select_n3A_1310 : vector<16xf32>
        %select_n3A_1381 = arith.select %gt3A_1380, %get3A_1379, %select_n3A_1310 : vector<16xi1>, vector<16xf32>
        %select_n3A_1382 = arith.select %gt3A_1380, %add3A_1336, %select_n3A_1311 : vector<16xi1>, vector<16xi32>
        %exp3A_1383 = math.exp %get3A_1379 : vector<16xf32>
        %add3A_1384 = arith.addf %add3A_1313, %exp3A_1383 : vector<16xf32>
        %get3A_1385 = arith.index_cast %scan3A_1331 : i32 to index
        %get3A_1386 = arith.constant 96 : index
        %get3A_1387 = tpu.vector_load %arg5[%get3A_1385, %get3A_1386] {strides = array<i32>} : memref<200x128xf32, #tpu.memory_space<vmem>>, vector<16xf32>,
        %gt3A_1388 = arith.cmpf ogt, %get3A_1387, %select_n3A_1318 : vector<16xf32>
        %select_n3A_1389 = arith.select %gt3A_1388, %get3A_1387, %select_n3A_1318 : vector<16xi1>, vector<16xf32>
        %select_n3A_1390 = arith.select %gt3A_1388, %add3A_1336, %select_n3A_1319 : vector<16xi1>, vector<16xi32>
        %exp3A_1391 = math.exp %get3A_1387 : vector<16xf32>
        %add3A_1392 = arith.addf %add3A_1321, %exp3A_1391 : vector<16xf32>
        %get3A_1393 = arith.index_cast %scan3A_1331 : i32 to index
        %get3A_1394 = arith.constant 112 : index
        %get3A_1395 = tpu.vector_load %arg5[%get3A_1393, %get3A_1394] {strides = array<i32>} : memref<200x128xf32, #tpu.memory_space<vmem>>, vector<16xf32>,
        %gt3A_1396 = arith.cmpf ogt, %get3A_1395, %select_n3A_1326 : vector<16xf32>
        %select_n3A_1397 = arith.select %gt3A_1396, %get3A_1395, %select_n3A_1326 : vector<16xi1>, vector<16xf32>
        %select_n3A_1398 = arith.select %gt3A_1396, %add3A_1336, %select_n3A_1327 : vector<16xi1>, vector<16xi32>
        %exp3A_1399 = math.exp %get3A_1395 : vector<16xf32>
        %add3A_1400 = arith.addf %add3A_1329, %exp3A_1399 : vector<16xf32>
        scf.yield %select_n3A_1341, %select_n3A_1349, %select_n3A_1357, %select_n3A_1365, %select_n3A_1373, %select_n3A_1381, %select_n3A_1389, %select_n3A_1397, %select_n3A_1342, %select_n3A_1350, %select_n3A_1358, %select_n3A_1366, %select_n3A_1374, %select_n3A_1382, %select_n3A_1390, %select_n3A_1398, %add3A_1344, %add3A_1352, %add3A_1360, %add3A_1368, %add3A_1376, %add3A_1384, %add3A_1392, %add3A_1400 : vector<16xf32>, vector<16xf32>, vector<16xf32>, vector<16xf32>, vector<16xf32>, vector<16xf32>, vector<16xf32>, vector<16xf32>, vector<16xi32>, vector<16xi32>, vector<16xi32>, vector<16xi32>, vector<16xi32>, vector<16xi32>, vector<16xi32>, vector<16xi32>, vector<16xf32>, vector<16xf32>, vector<16xf32>, vector<16xf32>, vector<16xf32>, vector<16xf32>, vector<16xf32>, vector<16xf32>
      }
      %scan3A_599 = arith.constant 200 : i32
      %swap3A_600 = arith.constant 0 : index
      %swap3A_601 = tpu.vector_load %arg8[%swap3A_600] {strides = array<i32>} : memref<128xf32, #tpu.memory_space<vmem>>, vector<16xf32>,
      tpu.vector_store %arg8[%swap3A_600], %scan3A_598#0 {strides = array<i32>} : memref<128xf32, #tpu.memory_space<vmem>>, vector<16xf32>,
      %swap3A_602 = arith.constant 0 : index
      %swap3A_603 = tpu.vector_load %arg11[%swap3A_602] {strides = array<i32>} : memref<128xi32, #tpu.memory_space<vmem>>, vector<16xi32>,
      tpu.vector_store %arg11[%swap3A_602], %scan3A_598#8 {strides = array<i32>} : memref<128xi32, #tpu.memory_space<vmem>>, vector<16xi32>,
      %swap3A_604 = arith.constant 0 : index
      %swap3A_605 = tpu.vector_load %arg9[%swap3A_604] {strides = array<i32>} : memref<128xf32, #tpu.memory_space<vmem>>, vector<16xf32>,
      tpu.vector_store %arg9[%swap3A_604], %scan3A_598#16 {strides = array<i32>} : memref<128xf32, #tpu.memory_space<vmem>>, vector<16xf32>,
      %get3A_606 = arith.constant 0 : index
      %get3A_607 = tpu.vector_load %arg7[%get3A_606] {strides = array<i32>} : memref<128xi32, #tpu.memory_space<vmem>>, vector<16xi32>,
      %sub3A_608 = vector.broadcast %mul3A_545 : i32 to vector<16xi32>
      %sub3A_609 = arith.subi %get3A_607, %sub3A_608 : vector<16xi32>
      %ge3A_610 = arith.constant 0 : i32
      %ge3A_611 = vector.broadcast %ge3A_610 : i32 to vector<16xi32>
      %ge3A_612 = arith.cmpi sge, %sub3A_609, %ge3A_611 : vector<16xi32>
      %lt3A_613 = arith.constant 200 : i32
      %lt3A_614 = vector.broadcast %lt3A_613 : i32 to vector<16xi32>
      %lt3A_615 = arith.cmpi slt, %sub3A_609, %lt3A_614 : vector<16xi32>
      %and3A_616 = arith.andi %ge3A_612, %lt3A_615 : vector<16xi1>
      %jit3A_617 = arith.constant 0 : i32
      %jit3A_618 = arith.constant 199 : i32
      %max3A_619 = vector.broadcast %jit3A_617 : i32 to vector<16xi32>
      %max3A_620 = arith.maxsi %max3A_619, %sub3A_609 : vector<16xi32>
      %min3A_621 = vector.broadcast %jit3A_618 : i32 to vector<16xi32>
      %min3A_622 = arith.minsi %min3A_621, %max3A_620 : vector<16xi32>
      %add3A_623 = arith.constant 0 : i32
      %add3A_624 = vector.broadcast %add3A_623 : i32 to vector<16xi32>
      %add3A_625 = arith.addi %add3A_624, %iota3A : vector<16xi32>
      %gather3A_626 = tpu.vector_load_idx %arg5[%min3A_622, %add3A_625] : memref<200x128xf32, #tpu.memory_space<vmem>>[vector<16xi32>, vector<16xi32>], vector<16xf32>,
      %get3A_627 = arith.constant 0 : index
      %get3A_628 = tpu.vector_load %arg10[%get3A_627] {strides = array<i32>} : memref<128xf32, #tpu.memory_space<vmem>>, vector<16xf32>,
      %jit3A_629 = arith.constant 0.000000e+00 : f32
      %broadcast_in_dim3A_630 = vector.broadcast %jit3A_629 : f32 to vector<16xf32>
      %select_n3A_631 = arith.select %and3A_616, %gather3A_626, %broadcast_in_dim3A_630 : vector<16xi1>, vector<16xf32>
      %add3A_632 = arith.addf %get3A_628, %select_n3A_631 : vector<16xf32>
      %swap3A_633 = arith.constant 0 : index
      %swap3A_634 = tpu.vector_load %arg10[%swap3A_633] {strides = array<i32>} : memref<128xf32, #tpu.memory_space<vmem>>, vector<16xf32>,
      tpu.vector_store %arg10[%swap3A_633], %add3A_632 {strides = array<i32>} : memref<128xf32, #tpu.memory_space<vmem>>, vector<16xf32>,
      %swap3A_635 = arith.constant 16 : index
      %swap3A_636 = tpu.vector_load %arg8[%swap3A_635] {strides = array<i32>} : memref<128xf32, #tpu.memory_space<vmem>>, vector<16xf32>,
      tpu.vector_store %arg8[%swap3A_635], %scan3A_598#1 {strides = array<i32>} : memref<128xf32, #tpu.memory_space<vmem>>, vector<16xf32>,
      %swap3A_637 = arith.constant 16 : index
      %swap3A_638 = tpu.vector_load %arg11[%swap3A_637] {strides = array<i32>} : memref<128xi32, #tpu.memory_space<vmem>>, vector<16xi32>,
      tpu.vector_store %arg11[%swap3A_637], %scan3A_598#9 {strides = array<i32>} : memref<128xi32, #tpu.memory_space<vmem>>, vector<16xi32>,
      %swap3A_639 = arith.constant 16 : index
      %swap3A_640 = tpu.vector_load %arg9[%swap3A_639] {strides = array<i32>} : memref<128xf32, #tpu.memory_space<vmem>>, vector<16xf32>,
      tpu.vector_store %arg9[%swap3A_639], %scan3A_598#17 {strides = array<i32>} : memref<128xf32, #tpu.memory_space<vmem>>, vector<16xf32>,
      %get3A_641 = arith.constant 16 : index
      %get3A_642 = tpu.vector_load %arg7[%get3A_641] {strides = array<i32>} : memref<128xi32, #tpu.memory_space<vmem>>, vector<16xi32>,
      %sub3A_643 = vector.broadcast %mul3A_545 : i32 to vector<16xi32>
      %sub3A_644 = arith.subi %get3A_642, %sub3A_643 : vector<16xi32>
      %ge3A_645 = arith.constant 0 : i32
      %ge3A_646 = vector.broadcast %ge3A_645 : i32 to vector<16xi32>
      %ge3A_647 = arith.cmpi sge, %sub3A_644, %ge3A_646 : vector<16xi32>
      %lt3A_648 = arith.constant 200 : i32
      %lt3A_649 = vector.broadcast %lt3A_648 : i32 to vector<16xi32>
      %lt3A_650 = arith.cmpi slt, %sub3A_644, %lt3A_649 : vector<16xi32>
      %and3A_651 = arith.andi %ge3A_647, %lt3A_650 : vector<16xi1>
      %jit3A_652 = arith.constant 0 : i32
      %jit3A_653 = arith.constant 199 : i32
      %max3A_654 = vector.broadcast %jit3A_652 : i32 to vector<16xi32>
      %max3A_655 = arith.maxsi %max3A_654, %sub3A_644 : vector<16xi32>
      %min3A_656 = vector.broadcast %jit3A_653 : i32 to vector<16xi32>
      %min3A_657 = arith.minsi %min3A_656, %max3A_655 : vector<16xi32>
      %add3A_658 = arith.constant 16 : i32
      %add3A_659 = vector.broadcast %add3A_658 : i32 to vector<16xi32>
      %add3A_660 = arith.addi %add3A_659, %iota3A : vector<16xi32>
      %gather3A_661 = tpu.vector_load_idx %arg5[%min3A_657, %add3A_660] : memref<200x128xf32, #tpu.memory_space<vmem>>[vector<16xi32>, vector<16xi32>], vector<16xf32>,
      %get3A_662 = arith.constant 16 : index
      %get3A_663 = tpu.vector_load %arg10[%get3A_662] {strides = array<i32>} : memref<128xf32, #tpu.memory_space<vmem>>, vector<16xf32>,
      %jit3A_664 = arith.constant 0.000000e+00 : f32
      %broadcast_in_dim3A_665 = vector.broadcast %jit3A_664 : f32 to vector<16xf32>
      %select_n3A_666 = arith.select %and3A_651, %gather3A_661, %broadcast_in_dim3A_665 : vector<16xi1>, vector<16xf32>
      %add3A_667 = arith.addf %get3A_663, %select_n3A_666 : vector<16xf32>
      %swap3A_668 = arith.constant 16 : index
      %swap3A_669 = tpu.vector_load %arg10[%swap3A_668] {strides = array<i32>} : memref<128xf32, #tpu.memory_space<vmem>>, vector<16xf32>,
      tpu.vector_store %arg10[%swap3A_668], %add3A_667 {strides = array<i32>} : memref<128xf32, #tpu.memory_space<vmem>>, vector<16xf32>,
      %swap3A_670 = arith.constant 32 : index
      %swap3A_671 = tpu.vector_load %arg8[%swap3A_670] {strides = array<i32>} : memref<128xf32, #tpu.memory_space<vmem>>, vector<16xf32>,
      tpu.vector_store %arg8[%swap3A_670], %scan3A_598#2 {strides = array<i32>} : memref<128xf32, #tpu.memory_space<vmem>>, vector<16xf32>,
      %swap3A_672 = arith.constant 32 : index
      %swap3A_673 = tpu.vector_load %arg11[%swap3A_672] {strides = array<i32>} : memref<128xi32, #tpu.memory_space<vmem>>, vector<16xi32>,
      tpu.vector_store %arg11[%swap3A_672], %scan3A_598#10 {strides = array<i32>} : memref<128xi32, #tpu.memory_space<vmem>>, vector<16xi32>,
      %swap3A_674 = arith.constant 32 : index
      %swap3A_675 = tpu.vector_load %arg9[%swap3A_674] {strides = array<i32>} : memref<128xf32, #tpu.memory_space<vmem>>, vector<16xf32>,
      tpu.vector_store %arg9[%swap3A_674], %scan3A_598#18 {strides = array<i32>} : memref<128xf32, #tpu.memory_space<vmem>>, vector<16xf32>,
      %get3A_676 = arith.constant 32 : index
      %get3A_677 = tpu.vector_load %arg7[%get3A_676] {strides = array<i32>} : memref<128xi32, #tpu.memory_space<vmem>>, vector<16xi32>,
      %sub3A_678 = vector.broadcast %mul3A_545 : i32 to vector<16xi32>
      %sub3A_679 = arith.subi %get3A_677, %sub3A_678 : vector<16xi32>
      %ge3A_680 = arith.constant 0 : i32
      %ge3A_681 = vector.broadcast %ge3A_680 : i32 to vector<16xi32>
      %ge3A_682 = arith.cmpi sge, %sub3A_679, %ge3A_681 : vector<16xi32>
      %lt3A_683 = arith.constant 200 : i32
      %lt3A_684 = vector.broadcast %lt3A_683 : i32 to vector<16xi32>
      %lt3A_685 = arith.cmpi slt, %sub3A_679, %lt3A_684 : vector<16xi32>
      %and3A_686 = arith.andi %ge3A_682, %lt3A_685 : vector<16xi1>
      %jit3A_687 = arith.constant 0 : i32
      %jit3A_688 = arith.constant 199 : i32
      %max3A_689 = vector.broadcast %jit3A_687 : i32 to vector<16xi32>
      %max3A_690 = arith.maxsi %max3A_689, %sub3A_679 : vector<16xi32>
      %min3A_691 = vector.broadcast %jit3A_688 : i32 to vector<16xi32>
      %min3A_692 = arith.minsi %min3A_691, %max3A_690 : vector<16xi32>
      %add3A_693 = arith.constant 32 : i32
      %add3A_694 = vector.broadcast %add3A_693 : i32 to vector<16xi32>
      %add3A_695 = arith.addi %add3A_694, %iota3A : vector<16xi32>
      %gather3A_696 = tpu.vector_load_idx %arg5[%min3A_692, %add3A_695] : memref<200x128xf32, #tpu.memory_space<vmem>>[vector<16xi32>, vector<16xi32>], vector<16xf32>,
      %get3A_697 = arith.constant 32 : index
      %get3A_698 = tpu.vector_load %arg10[%get3A_697] {strides = array<i32>} : memref<128xf32, #tpu.memory_space<vmem>>, vector<16xf32>,
      %jit3A_699 = arith.constant 0.000000e+00 : f32
      %broadcast_in_dim3A_700 = vector.broadcast %jit3A_699 : f32 to vector<16xf32>
      %select_n3A_701 = arith.select %and3A_686, %gather3A_696, %broadcast_in_dim3A_700 : vector<16xi1>, vector<16xf32>
      %add3A_702 = arith.addf %get3A_698, %select_n3A_701 : vector<16xf32>
      %swap3A_703 = arith.constant 32 : index
      %swap3A_704 = tpu.vector_load %arg10[%swap3A_703] {strides = array<i32>} : memref<128xf32, #tpu.memory_space<vmem>>, vector<16xf32>,
      tpu.vector_store %arg10[%swap3A_703], %add3A_702 {strides = array<i32>} : memref<128xf32, #tpu.memory_space<vmem>>, vector<16xf32>,
      %swap3A_705 = arith.constant 48 : index
      %swap3A_706 = tpu.vector_load %arg8[%swap3A_705] {strides = array<i32>} : memref<128xf32, #tpu.memory_space<vmem>>, vector<16xf32>,
      tpu.vector_store %arg8[%swap3A_705], %scan3A_598#3 {strides = array<i32>} : memref<128xf32, #tpu.memory_space<vmem>>, vector<16xf32>,
      %swap3A_707 = arith.constant 48 : index
      %swap3A_708 = tpu.vector_load %arg11[%swap3A_707] {strides = array<i32>} : memref<128xi32, #tpu.memory_space<vmem>>, vector<16xi32>,
      tpu.vector_store %arg11[%swap3A_707], %scan3A_598#11 {strides = array<i32>} : memref<128xi32, #tpu.memory_space<vmem>>, vector<16xi32>,
      %swap3A_709 = arith.constant 48 : index
      %swap3A_710 = tpu.vector_load %arg9[%swap3A_709] {strides = array<i32>} : memref<128xf32, #tpu.memory_space<vmem>>, vector<16xf32>,
      tpu.vector_store %arg9[%swap3A_709], %scan3A_598#19 {strides = array<i32>} : memref<128xf32, #tpu.memory_space<vmem>>, vector<16xf32>,
      %get3A_711 = arith.constant 48 : index
      %get3A_712 = tpu.vector_load %arg7[%get3A_711] {strides = array<i32>} : memref<128xi32, #tpu.memory_space<vmem>>, vector<16xi32>,
      %sub3A_713 = vector.broadcast %mul3A_545 : i32 to vector<16xi32>
      %sub3A_714 = arith.subi %get3A_712, %sub3A_713 : vector<16xi32>
      %ge3A_715 = arith.constant 0 : i32
      %ge3A_716 = vector.broadcast %ge3A_715 : i32 to vector<16xi32>
      %ge3A_717 = arith.cmpi sge, %sub3A_714, %ge3A_716 : vector<16xi32>
      %lt3A_718 = arith.constant 200 : i32
      %lt3A_719 = vector.broadcast %lt3A_718 : i32 to vector<16xi32>
      %lt3A_720 = arith.cmpi slt, %sub3A_714, %lt3A_719 : vector<16xi32>
      %and3A_721 = arith.andi %ge3A_717, %lt3A_720 : vector<16xi1>
      %jit3A_722 = arith.constant 0 : i32
      %jit3A_723 = arith.constant 199 : i32
      %max3A_724 = vector.broadcast %jit3A_722 : i32 to vector<16xi32>
      %max3A_725 = arith.maxsi %max3A_724, %sub3A_714 : vector<16xi32>
      %min3A_726 = vector.broadcast %jit3A_723 : i32 to vector<16xi32>
      %min3A_727 = arith.minsi %min3A_726, %max3A_725 : vector<16xi32>
      %add3A_728 = arith.constant 48 : i32
      %add3A_729 = vector.broadcast %add3A_728 : i32 to vector<16xi32>
      %add3A_730 = arith.addi %add3A_729, %iota3A : vector<16xi32>
      %gather3A_731 = tpu.vector_load_idx %arg5[%min3A_727, %add3A_730] : memref<200x128xf32, #tpu.memory_space<vmem>>[vector<16xi32>, vector<16xi32>], vector<16xf32>,
      %get3A_732 = arith.constant 48 : index
      %get3A_733 = tpu.vector_load %arg10[%get3A_732] {strides = array<i32>} : memref<128xf32, #tpu.memory_space<vmem>>, vector<16xf32>,
      %jit3A_734 = arith.constant 0.000000e+00 : f32
      %broadcast_in_dim3A_735 = vector.broadcast %jit3A_734 : f32 to vector<16xf32>
      %select_n3A_736 = arith.select %and3A_721, %gather3A_731, %broadcast_in_dim3A_735 : vector<16xi1>, vector<16xf32>
      %add3A_737 = arith.addf %get3A_733, %select_n3A_736 : vector<16xf32>
      %swap3A_738 = arith.constant 48 : index
      %swap3A_739 = tpu.vector_load %arg10[%swap3A_738] {strides = array<i32>} : memref<128xf32, #tpu.memory_space<vmem>>, vector<16xf32>,
      tpu.vector_store %arg10[%swap3A_738], %add3A_737 {strides = array<i32>} : memref<128xf32, #tpu.memory_space<vmem>>, vector<16xf32>,
      %swap3A_740 = arith.constant 64 : index
      %swap3A_741 = tpu.vector_load %arg8[%swap3A_740] {strides = array<i32>} : memref<128xf32, #tpu.memory_space<vmem>>, vector<16xf32>,
      tpu.vector_store %arg8[%swap3A_740], %scan3A_598#4 {strides = array<i32>} : memref<128xf32, #tpu.memory_space<vmem>>, vector<16xf32>,
      %swap3A_742 = arith.constant 64 : index
      %swap3A_743 = tpu.vector_load %arg11[%swap3A_742] {strides = array<i32>} : memref<128xi32, #tpu.memory_space<vmem>>, vector<16xi32>,
      tpu.vector_store %arg11[%swap3A_742], %scan3A_598#12 {strides = array<i32>} : memref<128xi32, #tpu.memory_space<vmem>>, vector<16xi32>,
      %swap3A_744 = arith.constant 64 : index
      %swap3A_745 = tpu.vector_load %arg9[%swap3A_744] {strides = array<i32>} : memref<128xf32, #tpu.memory_space<vmem>>, vector<16xf32>,
      tpu.vector_store %arg9[%swap3A_744], %scan3A_598#20 {strides = array<i32>} : memref<128xf32, #tpu.memory_space<vmem>>, vector<16xf32>,
      %get3A_746 = arith.constant 64 : index
      %get3A_747 = tpu.vector_load %arg7[%get3A_746] {strides = array<i32>} : memref<128xi32, #tpu.memory_space<vmem>>, vector<16xi32>,
      %sub3A_748 = vector.broadcast %mul3A_545 : i32 to vector<16xi32>
      %sub3A_749 = arith.subi %get3A_747, %sub3A_748 : vector<16xi32>
      %ge3A_750 = arith.constant 0 : i32
      %ge3A_751 = vector.broadcast %ge3A_750 : i32 to vector<16xi32>
      %ge3A_752 = arith.cmpi sge, %sub3A_749, %ge3A_751 : vector<16xi32>
      %lt3A_753 = arith.constant 200 : i32
      %lt3A_754 = vector.broadcast %lt3A_753 : i32 to vector<16xi32>
      %lt3A_755 = arith.cmpi slt, %sub3A_749, %lt3A_754 : vector<16xi32>
      %and3A_756 = arith.andi %ge3A_752, %lt3A_755 : vector<16xi1>
      %jit3A_757 = arith.constant 0 : i32
      %jit3A_758 = arith.constant 199 : i32
      %max3A_759 = vector.broadcast %jit3A_757 : i32 to vector<16xi32>
      %max3A_760 = arith.maxsi %max3A_759, %sub3A_749 : vector<16xi32>
      %min3A_761 = vector.broadcast %jit3A_758 : i32 to vector<16xi32>
      %min3A_762 = arith.minsi %min3A_761, %max3A_760 : vector<16xi32>
      %add3A_763 = arith.constant 64 : i32
      %add3A_764 = vector.broadcast %add3A_763 : i32 to vector<16xi32>
      %add3A_765 = arith.addi %add3A_764, %iota3A : vector<16xi32>
      %gather3A_766 = tpu.vector_load_idx %arg5[%min3A_762, %add3A_765] : memref<200x128xf32, #tpu.memory_space<vmem>>[vector<16xi32>, vector<16xi32>], vector<16xf32>,
      %get3A_767 = arith.constant 64 : index
      %get3A_768 = tpu.vector_load %arg10[%get3A_767] {strides = array<i32>} : memref<128xf32, #tpu.memory_space<vmem>>, vector<16xf32>,
      %jit3A_769 = arith.constant 0.000000e+00 : f32
      %broadcast_in_dim3A_770 = vector.broadcast %jit3A_769 : f32 to vector<16xf32>
      %select_n3A_771 = arith.select %and3A_756, %gather3A_766, %broadcast_in_dim3A_770 : vector<16xi1>, vector<16xf32>
      %add3A_772 = arith.addf %get3A_768, %select_n3A_771 : vector<16xf32>
      %swap3A_773 = arith.constant 64 : index
      %swap3A_774 = tpu.vector_load %arg10[%swap3A_773] {strides = array<i32>} : memref<128xf32, #tpu.memory_space<vmem>>, vector<16xf32>,
      tpu.vector_store %arg10[%swap3A_773], %add3A_772 {strides = array<i32>} : memref<128xf32, #tpu.memory_space<vmem>>, vector<16xf32>,
      %swap3A_775 = arith.constant 80 : index
      %swap3A_776 = tpu.vector_load %arg8[%swap3A_775] {strides = array<i32>} : memref<128xf32, #tpu.memory_space<vmem>>, vector<16xf32>,
      tpu.vector_store %arg8[%swap3A_775], %scan3A_598#5 {strides = array<i32>} : memref<128xf32, #tpu.memory_space<vmem>>, vector<16xf32>,
      %swap3A_777 = arith.constant 80 : index
      %swap3A_778 = tpu.vector_load %arg11[%swap3A_777] {strides = array<i32>} : memref<128xi32, #tpu.memory_space<vmem>>, vector<16xi32>,
      tpu.vector_store %arg11[%swap3A_777], %scan3A_598#13 {strides = array<i32>} : memref<128xi32, #tpu.memory_space<vmem>>, vector<16xi32>,
      %swap3A_779 = arith.constant 80 : index
      %swap3A_780 = tpu.vector_load %arg9[%swap3A_779] {strides = array<i32>} : memref<128xf32, #tpu.memory_space<vmem>>, vector<16xf32>,
      tpu.vector_store %arg9[%swap3A_779], %scan3A_598#21 {strides = array<i32>} : memref<128xf32, #tpu.memory_space<vmem>>, vector<16xf32>,
      %get3A_781 = arith.constant 80 : index
      %get3A_782 = tpu.vector_load %arg7[%get3A_781] {strides = array<i32>} : memref<128xi32, #tpu.memory_space<vmem>>, vector<16xi32>,
      %sub3A_783 = vector.broadcast %mul3A_545 : i32 to vector<16xi32>
      %sub3A_784 = arith.subi %get3A_782, %sub3A_783 : vector<16xi32>
      %ge3A_785 = arith.constant 0 : i32
      %ge3A_786 = vector.broadcast %ge3A_785 : i32 to vector<16xi32>
      %ge3A_787 = arith.cmpi sge, %sub3A_784, %ge3A_786 : vector<16xi32>
      %lt3A_788 = arith.constant 200 : i32
      %lt3A_789 = vector.broadcast %lt3A_788 : i32 to vector<16xi32>
      %lt3A_790 = arith.cmpi slt, %sub3A_784, %lt3A_789 : vector<16xi32>
      %and3A_791 = arith.andi %ge3A_787, %lt3A_790 : vector<16xi1>
      %jit3A_792 = arith.constant 0 : i32
      %jit3A_793 = arith.constant 199 : i32
      %max3A_794 = vector.broadcast %jit3A_792 : i32 to vector<16xi32>
      %max3A_795 = arith.maxsi %max3A_794, %sub3A_784 : vector<16xi32>
      %min3A_796 = vector.broadcast %jit3A_793 : i32 to vector<16xi32>
      %min3A_797 = arith.minsi %min3A_796, %max3A_795 : vector<16xi32>
      %add3A_798 = arith.constant 80 : i32
      %add3A_799 = vector.broadcast %add3A_798 : i32 to vector<16xi32>
      %add3A_800 = arith.addi %add3A_799, %iota3A : vector<16xi32>
      %gather3A_801 = tpu.vector_load_idx %arg5[%min3A_797, %add3A_800] : memref<200x128xf32, #tpu.memory_space<vmem>>[vector<16xi32>, vector<16xi32>], vector<16xf32>,
      %get3A_802 = arith.constant 80 : index
      %get3A_803 = tpu.vector_load %arg10[%get3A_802] {strides = array<i32>} : memref<128xf32, #tpu.memory_space<vmem>>, vector<16xf32>,
      %jit3A_804 = arith.constant 0.000000e+00 : f32
      %broadcast_in_dim3A_805 = vector.broadcast %jit3A_804 : f32 to vector<16xf32>
      %select_n3A_806 = arith.select %and3A_791, %gather3A_801, %broadcast_in_dim3A_805 : vector<16xi1>, vector<16xf32>
      %add3A_807 = arith.addf %get3A_803, %select_n3A_806 : vector<16xf32>
      %swap3A_808 = arith.constant 80 : index
      %swap3A_809 = tpu.vector_load %arg10[%swap3A_808] {strides = array<i32>} : memref<128xf32, #tpu.memory_space<vmem>>, vector<16xf32>,
      tpu.vector_store %arg10[%swap3A_808], %add3A_807 {strides = array<i32>} : memref<128xf32, #tpu.memory_space<vmem>>, vector<16xf32>,
      %swap3A_810 = arith.constant 96 : index
      %swap3A_811 = tpu.vector_load %arg8[%swap3A_810] {strides = array<i32>} : memref<128xf32, #tpu.memory_space<vmem>>, vector<16xf32>,
      tpu.vector_store %arg8[%swap3A_810], %scan3A_598#6 {strides = array<i32>} : memref<128xf32, #tpu.memory_space<vmem>>, vector<16xf32>,
      %swap3A_812 = arith.constant 96 : index
      %swap3A_813 = tpu.vector_load %arg11[%swap3A_812] {strides = array<i32>} : memref<128xi32, #tpu.memory_space<vmem>>, vector<16xi32>,
      tpu.vector_store %arg11[%swap3A_812], %scan3A_598#14 {strides = array<i32>} : memref<128xi32, #tpu.memory_space<vmem>>, vector<16xi32>,
      %swap3A_814 = arith.constant 96 : index
      %swap3A_815 = tpu.vector_load %arg9[%swap3A_814] {strides = array<i32>} : memref<128xf32, #tpu.memory_space<vmem>>, vector<16xf32>,
      tpu.vector_store %arg9[%swap3A_814], %scan3A_598#22 {strides = array<i32>} : memref<128xf32, #tpu.memory_space<vmem>>, vector<16xf32>,
      %get3A_816 = arith.constant 96 : index
      %get3A_817 = tpu.vector_load %arg7[%get3A_816] {strides = array<i32>} : memref<128xi32, #tpu.memory_space<vmem>>, vector<16xi32>,
      %sub3A_818 = vector.broadcast %mul3A_545 : i32 to vector<16xi32>
      %sub3A_819 = arith.subi %get3A_817, %sub3A_818 : vector<16xi32>
      %ge3A_820 = arith.constant 0 : i32
      %ge3A_821 = vector.broadcast %ge3A_820 : i32 to vector<16xi32>
      %ge3A_822 = arith.cmpi sge, %sub3A_819, %ge3A_821 : vector<16xi32>
      %lt3A_823 = arith.constant 200 : i32
      %lt3A_824 = vector.broadcast %lt3A_823 : i32 to vector<16xi32>
      %lt3A_825 = arith.cmpi slt, %sub3A_819, %lt3A_824 : vector<16xi32>
      %and3A_826 = arith.andi %ge3A_822, %lt3A_825 : vector<16xi1>
      %jit3A_827 = arith.constant 0 : i32
      %jit3A_828 = arith.constant 199 : i32
      %max3A_829 = vector.broadcast %jit3A_827 : i32 to vector<16xi32>
      %max3A_830 = arith.maxsi %max3A_829, %sub3A_819 : vector<16xi32>
      %min3A_831 = vector.broadcast %jit3A_828 : i32 to vector<16xi32>
      %min3A_832 = arith.minsi %min3A_831, %max3A_830 : vector<16xi32>
      %add3A_833 = arith.constant 96 : i32
      %add3A_834 = vector.broadcast %add3A_833 : i32 to vector<16xi32>
      %add3A_835 = arith.addi %add3A_834, %iota3A : vector<16xi32>
      %gather3A_836 = tpu.vector_load_idx %arg5[%min3A_832, %add3A_835] : memref<200x128xf32, #tpu.memory_space<vmem>>[vector<16xi32>, vector<16xi32>], vector<16xf32>,
      %get3A_837 = arith.constant 96 : index
      %get3A_838 = tpu.vector_load %arg10[%get3A_837] {strides = array<i32>} : memref<128xf32, #tpu.memory_space<vmem>>, vector<16xf32>,
      %jit3A_839 = arith.constant 0.000000e+00 : f32
      %broadcast_in_dim3A_840 = vector.broadcast %jit3A_839 : f32 to vector<16xf32>
      %select_n3A_841 = arith.select %and3A_826, %gather3A_836, %broadcast_in_dim3A_840 : vector<16xi1>, vector<16xf32>
      %add3A_842 = arith.addf %get3A_838, %select_n3A_841 : vector<16xf32>
      %swap3A_843 = arith.constant 96 : index
      %swap3A_844 = tpu.vector_load %arg10[%swap3A_843] {strides = array<i32>} : memref<128xf32, #tpu.memory_space<vmem>>, vector<16xf32>,
      tpu.vector_store %arg10[%swap3A_843], %add3A_842 {strides = array<i32>} : memref<128xf32, #tpu.memory_space<vmem>>, vector<16xf32>,
      %swap3A_845 = arith.constant 112 : index
      %swap3A_846 = tpu.vector_load %arg8[%swap3A_845] {strides = array<i32>} : memref<128xf32, #tpu.memory_space<vmem>>, vector<16xf32>,
      tpu.vector_store %arg8[%swap3A_845], %scan3A_598#7 {strides = array<i32>} : memref<128xf32, #tpu.memory_space<vmem>>, vector<16xf32>,
      %swap3A_847 = arith.constant 112 : index
      %swap3A_848 = tpu.vector_load %arg11[%swap3A_847] {strides = array<i32>} : memref<128xi32, #tpu.memory_space<vmem>>, vector<16xi32>,
      tpu.vector_store %arg11[%swap3A_847], %scan3A_598#15 {strides = array<i32>} : memref<128xi32, #tpu.memory_space<vmem>>, vector<16xi32>,
      %swap3A_849 = arith.constant 112 : index
      %swap3A_850 = tpu.vector_load %arg9[%swap3A_849] {strides = array<i32>} : memref<128xf32, #tpu.memory_space<vmem>>, vector<16xf32>,
      tpu.vector_store %arg9[%swap3A_849], %scan3A_598#23 {strides = array<i32>} : memref<128xf32, #tpu.memory_space<vmem>>, vector<16xf32>,
      %get3A_851 = arith.constant 112 : index
      %get3A_852 = tpu.vector_load %arg7[%get3A_851] {strides = array<i32>} : memref<128xi32, #tpu.memory_space<vmem>>, vector<16xi32>,
      %sub3A_853 = vector.broadcast %mul3A_545 : i32 to vector<16xi32>
      %sub3A_854 = arith.subi %get3A_852, %sub3A_853 : vector<16xi32>
      %ge3A_855 = arith.constant 0 : i32
      %ge3A_856 = vector.broadcast %ge3A_855 : i32 to vector<16xi32>
      %ge3A_857 = arith.cmpi sge, %sub3A_854, %ge3A_856 : vector<16xi32>
      %lt3A_858 = arith.constant 200 : i32
      %lt3A_859 = vector.broadcast %lt3A_858 : i32 to vector<16xi32>
      %lt3A_860 = arith.cmpi slt, %sub3A_854, %lt3A_859 : vector<16xi32>
      %and3A_861 = arith.andi %ge3A_857, %lt3A_860 : vector<16xi1>
      %jit3A_862 = arith.constant 0 : i32
      %jit3A_863 = arith.constant 199 : i32
      %max3A_864 = vector.broadcast %jit3A_862 : i32 to vector<16xi32>
      %max3A_865 = arith.maxsi %max3A_864, %sub3A_854 : vector<16xi32>
      %min3A_866 = vector.broadcast %jit3A_863 : i32 to vector<16xi32>
      %min3A_867 = arith.minsi %min3A_866, %max3A_865 : vector<16xi32>
      %add3A_868 = arith.constant 112 : i32
      %add3A_869 = vector.broadcast %add3A_868 : i32 to vector<16xi32>
      %add3A_870 = arith.addi %add3A_869, %iota3A : vector<16xi32>
      %gather3A_871 = tpu.vector_load_idx %arg5[%min3A_867, %add3A_870] : memref<200x128xf32, #tpu.memory_space<vmem>>[vector<16xi32>, vector<16xi32>], vector<16xf32>,
      %get3A_872 = arith.constant 112 : index
      %get3A_873 = tpu.vector_load %arg10[%get3A_872] {strides = array<i32>} : memref<128xf32, #tpu.memory_space<vmem>>, vector<16xf32>,
      %jit3A_874 = arith.constant 0.000000e+00 : f32
      %broadcast_in_dim3A_875 = vector.broadcast %jit3A_874 : f32 to vector<16xf32>
      %select_n3A_876 = arith.select %and3A_861, %gather3A_871, %broadcast_in_dim3A_875 : vector<16xi1>, vector<16xf32>
      %add3A_877 = arith.addf %get3A_873, %select_n3A_876 : vector<16xf32>
      %swap3A_878 = arith.constant 112 : index
      %swap3A_879 = tpu.vector_load %arg10[%swap3A_878] {strides = array<i32>} : memref<128xf32, #tpu.memory_space<vmem>>, vector<16xf32>,
      tpu.vector_store %arg10[%swap3A_878], %add3A_877 {strides = array<i32>} : memref<128xf32, #tpu.memory_space<vmem>>, vector<16xf32>,
      %add3A_880 = arith.constant 64 : i32
      %add3A_881 = arith.addi %add3A_537, %add3A_880 : i32
      %mul3A_882 = arith.constant 200 : i32
      %mul3A_883 = arith.muli %add3A_881, %mul3A_882 : i32
      %multiple_of3A_884 = tpu.assume_multiple %mul3A_883, 8 : i32
      %dma_start3A_885 = arith.constant 0 : i32
      %dma_start3A_886 = tpu.memref_slice %arg2[%multiple_of3A_884, %dma_start3A_885] : memref<100000x128xf32, #tpu.memory_space<hbm>> -> memref<200x128xf32, #tpu.memory_space<hbm>>
      %dma_start3A_887 = arith.constant 0 : i32
      %dma_start3A_888 = tpu.memref_slice %arg2[%multiple_of3A_884, %dma_start3A_887] : memref<100000x128xf32, #tpu.memory_space<hbm>> -> memref<200x128xf32, #tpu.memory_space<hbm>>
      tpu.enqueue_dma source(%dma_start3A_888 : memref<200x128xf32, #tpu.memory_space<hbm>>) target(%arg5 : memref<200x128xf32, #tpu.memory_space<vmem>>) target_semaphore(%arg13 : memref<!tpu.dma_semaphore, #tpu.memory_space<semaphore_mem>>)
      %dma_wait3A_889 = arith.constant 0 : i32
      %dma_wait3A_890 = arith.constant 0 : i32
      %dma_wait3A_891 = tpu.memref_slice %arg2[%dma_wait3A_889, %dma_wait3A_890] : memref<100000x128xf32, #tpu.memory_space<hbm>> -> memref<200x128xf32, #tpu.memory_space<hbm>>
      %dma_wait3A_892 = arith.constant 0 : i32
      %dma_wait3A_893 = arith.constant 0 : i32
      %dma_wait3A_894 = tpu.memref_slice %arg2[%dma_wait3A_892, %dma_wait3A_893] : memref<100000x128xf32, #tpu.memory_space<hbm>> -> memref<200x128xf32, #tpu.memory_space<hbm>>
      tpu.wait_dma2 semaphore(%arg14 : memref<!tpu.dma_semaphore, #tpu.memory_space<semaphore_mem>>) src(%dma_wait3A_894 : memref<200x128xf32, #tpu.memory_space<hbm>>) dst(%arg6 : memref<200x128xf32, #tpu.memory_space<vmem>>)
      %add3A_895 = arith.constant 32 : i32
      %add3A_896 = arith.addi %add3A_537, %add3A_895 : i32
      %mul3A_897 = arith.constant 200 : i32
      %mul3A_898 = arith.muli %add3A_896, %mul3A_897 : i32
      %get3A_899 = arith.constant 0 : index
      %get3A_900 = tpu.vector_load %arg8[%get3A_899] {strides = array<i32>} : memref<128xf32, #tpu.memory_space<vmem>>, vector<16xf32>,
      %get3A_901 = arith.constant 16 : index
      %get3A_902 = tpu.vector_load %arg8[%get3A_901] {strides = array<i32>} : memref<128xf32, #tpu.memory_space<vmem>>, vector<16xf32>,
      %get3A_903 = arith.constant 32 : index
      %get3A_904 = tpu.vector_load %arg8[%get3A_903] {strides = array<i32>} : memref<128xf32, #tpu.memory_space<vmem>>, vector<16xf32>,
      %get3A_905 = arith.constant 48 : index
      %get3A_906 = tpu.vector_load %arg8[%get3A_905] {strides = array<i32>} : memref<128xf32, #tpu.memory_space<vmem>>, vector<16xf32>,
      %get3A_907 = arith.constant 64 : index
      %get3A_908 = tpu.vector_load %arg8[%get3A_907] {strides = array<i32>} : memref<128xf32, #tpu.memory_space<vmem>>, vector<16xf32>,
      %get3A_909 = arith.constant 80 : index
      %get3A_910 = tpu.vector_load %arg8[%get3A_909] {strides = array<i32>} : memref<128xf32, #tpu.memory_space<vmem>>, vector<16xf32>,
      %get3A_911 = arith.constant 96 : index
      %get3A_912 = tpu.vector_load %arg8[%get3A_911] {strides = array<i32>} : memref<128xf32, #tpu.memory_space<vmem>>, vector<16xf32>,
      %get3A_913 = arith.constant 112 : index
      %get3A_914 = tpu.vector_load %arg8[%get3A_913] {strides = array<i32>} : memref<128xf32, #tpu.memory_space<vmem>>, vector<16xf32>,
      %get3A_915 = arith.constant 0 : index
      %get3A_916 = tpu.vector_load %arg11[%get3A_915] {strides = array<i32>} : memref<128xi32, #tpu.memory_space<vmem>>, vector<16xi32>,
      %get3A_917 = arith.constant 16 : index
      %get3A_918 = tpu.vector_load %arg11[%get3A_917] {strides = array<i32>} : memref<128xi32, #tpu.memory_space<vmem>>, vector<16xi32>,
      %get3A_919 = arith.constant 32 : index
      %get3A_920 = tpu.vector_load %arg11[%get3A_919] {strides = array<i32>} : memref<128xi32, #tpu.memory_space<vmem>>, vector<16xi32>,
      %get3A_921 = arith.constant 48 : index
      %get3A_922 = tpu.vector_load %arg11[%get3A_921] {strides = array<i32>} : memref<128xi32, #tpu.memory_space<vmem>>, vector<16xi32>,
      %get3A_923 = arith.constant 64 : index
      %get3A_924 = tpu.vector_load %arg11[%get3A_923] {strides = array<i32>} : memref<128xi32, #tpu.memory_space<vmem>>, vector<16xi32>,
      %get3A_925 = arith.constant 80 : index
      %get3A_926 = tpu.vector_load %arg11[%get3A_925] {strides = array<i32>} : memref<128xi32, #tpu.memory_space<vmem>>, vector<16xi32>,
      %get3A_927 = arith.constant 96 : index
      %get3A_928 = tpu.vector_load %arg11[%get3A_927] {strides = array<i32>} : memref<128xi32, #tpu.memory_space<vmem>>, vector<16xi32>,
      %get3A_929 = arith.constant 112 : index
      %get3A_930 = tpu.vector_load %arg11[%get3A_929] {strides = array<i32>} : memref<128xi32, #tpu.memory_space<vmem>>, vector<16xi32>,
      %get3A_931 = arith.constant 0 : index
      %get3A_932 = tpu.vector_load %arg9[%get3A_931] {strides = array<i32>} : memref<128xf32, #tpu.memory_space<vmem>>, vector<16xf32>,
      %get3A_933 = arith.constant 16 : index
      %get3A_934 = tpu.vector_load %arg9[%get3A_933] {strides = array<i32>} : memref<128xf32, #tpu.memory_space<vmem>>, vector<16xf32>,
      %get3A_935 = arith.constant 32 : index
      %get3A_936 = tpu.vector_load %arg9[%get3A_935] {strides = array<i32>} : memref<128xf32, #tpu.memory_space<vmem>>, vector<16xf32>,
      %get3A_937 = arith.constant 48 : index
      %get3A_938 = tpu.vector_load %arg9[%get3A_937] {strides = array<i32>} : memref<128xf32, #tpu.memory_space<vmem>>, vector<16xf32>,
      %get3A_939 = arith.constant 64 : index
      %get3A_940 = tpu.vector_load %arg9[%get3A_939] {strides = array<i32>} : memref<128xf32, #tpu.memory_space<vmem>>, vector<16xf32>,
      %get3A_941 = arith.constant 80 : index
      %get3A_942 = tpu.vector_load %arg9[%get3A_941] {strides = array<i32>} : memref<128xf32, #tpu.memory_space<vmem>>, vector<16xf32>,
      %get3A_943 = arith.constant 96 : index
      %get3A_944 = tpu.vector_load %arg9[%get3A_943] {strides = array<i32>} : memref<128xf32, #tpu.memory_space<vmem>>, vector<16xf32>,
      %get3A_945 = arith.constant 112 : index
      %get3A_946 = tpu.vector_load %arg9[%get3A_945] {strides = array<i32>} : memref<128xf32, #tpu.memory_space<vmem>>, vector<16xf32>,
      %scan3A_947 = arith.constant 0 : i32
      %scan3A_948 = arith.constant 200 : i32
      %scan3A_949 = arith.addi %scan3A_947, %scan3A_948 : i32
      %scan3A_950 = arith.constant 2 : i32
      %scan3A_951:24 = scf.for %scan3A_1238 = %scan3A_947 to %scan3A_949 step %scan3A_950 iter_args(%scan3A_1239 = %get3A_900, %scan3A_1240 = %get3A_902, %scan3A_1241 = %get3A_904, %scan3A_1242 = %get3A_906, %scan3A_1243 = %get3A_908, %scan3A_1244 = %get3A_910, %scan3A_1245 = %get3A_912, %scan3A_1246 = %get3A_914, %scan3A_1247 = %get3A_916, %scan3A_1248 = %get3A_918, %scan3A_1249 = %get3A_920, %scan3A_1250 = %get3A_922, %scan3A_1251 = %get3A_924, %scan3A_1252 = %get3A_926, %scan3A_1253 = %get3A_928, %scan3A_1254 = %get3A_930, %scan3A_1255 = %get3A_932, %scan3A_1256 = %get3A_934, %scan3A_1257 = %get3A_936, %scan3A_1258 = %get3A_938, %scan3A_1259 = %get3A_940, %scan3A_1260 = %get3A_942, %scan3A_1261 = %get3A_944, %scan3A_1262 = %get3A_946) -> (vector<16xf32>, vector<16xf32>, vector<16xf32>, vector<16xf32>, vector<16xf32>, vector<16xf32>, vector<16xf32>, vector<16xf32>, vector<16xi32>, vector<16xi32>, vector<16xi32>, vector<16xi32>, vector<16xi32>, vector<16xi32>, vector<16xi32>, vector<16xi32>, vector<16xf32>, vector<16xf32>, vector<16xf32>, vector<16xf32>, vector<16xf32>, vector<16xf32>, vector<16xf32>, vector<16xf32>)  : i32 {
        %broadcast_in_dim3A_1263 = arith.constant 0 : i32
        %broadcast_in_dim3A_1264 = vector.broadcast %broadcast_in_dim3A_1263 : i32 to vector<16xi32>
        %add3A_1265 = arith.addi %mul3A_898, %scan3A_1238 : i32
        %add3A_1266 = vector.broadcast %add3A_1265 : i32 to vector<16xi32>
        %add3A_1267 = arith.addi %broadcast_in_dim3A_1264, %add3A_1266 : vector<16xi32>
        %get3A_1268 = arith.index_cast %scan3A_1238 : i32 to index
        %get3A_1269 = arith.constant 0 : index
        %get3A_1270 = tpu.vector_load %arg6[%get3A_1268, %get3A_1269] {strides = array<i32>} : memref<200x128xf32, #tpu.memory_space<vmem>>, vector<16xf32>,
        %gt3A = arith.cmpf ogt, %get3A_1270, %scan3A_1239 : vector<16xf32>
        %select_n3A_1271 = arith.select %gt3A, %get3A_1270, %scan3A_1239 : vector<16xi1>, vector<16xf32>
        %select_n3A_1272 = arith.select %gt3A, %add3A_1267, %scan3A_1247 : vector<16xi1>, vector<16xi32>
        %exp3A = math.exp %get3A_1270 : vector<16xf32>
        %add3A_1273 = arith.addf %scan3A_1255, %exp3A : vector<16xf32>
        %get3A_1274 = arith.index_cast %scan3A_1238 : i32 to index
        %get3A_1275 = arith.constant 16 : index
        %get3A_1276 = tpu.vector_load %arg6[%get3A_1274, %get3A_1275] {strides = array<i32>} : memref<200x128xf32, #tpu.memory_space<vmem>>, vector<16xf32>,
        %gt3A_1277 = arith.cmpf ogt, %get3A_1276, %scan3A_1240 : vector<16xf32>
        %select_n3A_1278 = arith.select %gt3A_1277, %get3A_1276, %scan3A_1240 : vector<16xi1>, vector<16xf32>
        %select_n3A_1279 = arith.select %gt3A_1277, %add3A_1267, %scan3A_1248 : vector<16xi1>, vector<16xi32>
        %exp3A_1280 = math.exp %get3A_1276 : vector<16xf32>
        %add3A_1281 = arith.addf %scan3A_1256, %exp3A_1280 : vector<16xf32>
        %get3A_1282 = arith.index_cast %scan3A_1238 : i32 to index
        %get3A_1283 = arith.constant 32 : index
        %get3A_1284 = tpu.vector_load %arg6[%get3A_1282, %get3A_1283] {strides = array<i32>} : memref<200x128xf32, #tpu.memory_space<vmem>>, vector<16xf32>,
        %gt3A_1285 = arith.cmpf ogt, %get3A_1284, %scan3A_1241 : vector<16xf32>
        %select_n3A_1286 = arith.select %gt3A_1285, %get3A_1284, %scan3A_1241 : vector<16xi1>, vector<16xf32>
        %select_n3A_1287 = arith.select %gt3A_1285, %add3A_1267, %scan3A_1249 : vector<16xi1>, vector<16xi32>
        %exp3A_1288 = math.exp %get3A_1284 : vector<16xf32>
        %add3A_1289 = arith.addf %scan3A_1257, %exp3A_1288 : vector<16xf32>
        %get3A_1290 = arith.index_cast %scan3A_1238 : i32 to index
        %get3A_1291 = arith.constant 48 : index
        %get3A_1292 = tpu.vector_load %arg6[%get3A_1290, %get3A_1291] {strides = array<i32>} : memref<200x128xf32, #tpu.memory_space<vmem>>, vector<16xf32>,
        %gt3A_1293 = arith.cmpf ogt, %get3A_1292, %scan3A_1242 : vector<16xf32>
        %select_n3A_1294 = arith.select %gt3A_1293, %get3A_1292, %scan3A_1242 : vector<16xi1>, vector<16xf32>
        %select_n3A_1295 = arith.select %gt3A_1293, %add3A_1267, %scan3A_1250 : vector<16xi1>, vector<16xi32>
        %exp3A_1296 = math.exp %get3A_1292 : vector<16xf32>
        %add3A_1297 = arith.addf %scan3A_1258, %exp3A_1296 : vector<16xf32>
        %get3A_1298 = arith.index_cast %scan3A_1238 : i32 to index
        %get3A_1299 = arith.constant 64 : index
        %get3A_1300 = tpu.vector_load %arg6[%get3A_1298, %get3A_1299] {strides = array<i32>} : memref<200x128xf32, #tpu.memory_space<vmem>>, vector<16xf32>,
        %gt3A_1301 = arith.cmpf ogt, %get3A_1300, %scan3A_1243 : vector<16xf32>
        %select_n3A_1302 = arith.select %gt3A_1301, %get3A_1300, %scan3A_1243 : vector<16xi1>, vector<16xf32>
        %select_n3A_1303 = arith.select %gt3A_1301, %add3A_1267, %scan3A_1251 : vector<16xi1>, vector<16xi32>
        %exp3A_1304 = math.exp %get3A_1300 : vector<16xf32>
        %add3A_1305 = arith.addf %scan3A_1259, %exp3A_1304 : vector<16xf32>
        %get3A_1306 = arith.index_cast %scan3A_1238 : i32 to index
        %get3A_1307 = arith.constant 80 : index
        %get3A_1308 = tpu.vector_load %arg6[%get3A_1306, %get3A_1307] {strides = array<i32>} : memref<200x128xf32, #tpu.memory_space<vmem>>, vector<16xf32>,
        %gt3A_1309 = arith.cmpf ogt, %get3A_1308, %scan3A_1244 : vector<16xf32>
        %select_n3A_1310 = arith.select %gt3A_1309, %get3A_1308, %scan3A_1244 : vector<16xi1>, vector<16xf32>
        %select_n3A_1311 = arith.select %gt3A_1309, %add3A_1267, %scan3A_1252 : vector<16xi1>, vector<16xi32>
        %exp3A_1312 = math.exp %get3A_1308 : vector<16xf32>
        %add3A_1313 = arith.addf %scan3A_1260, %exp3A_1312 : vector<16xf32>
        %get3A_1314 = arith.index_cast %scan3A_1238 : i32 to index
        %get3A_1315 = arith.constant 96 : index
        %get3A_1316 = tpu.vector_load %arg6[%get3A_1314, %get3A_1315] {strides = array<i32>} : memref<200x128xf32, #tpu.memory_space<vmem>>, vector<16xf32>,
        %gt3A_1317 = arith.cmpf ogt, %get3A_1316, %scan3A_1245 : vector<16xf32>
        %select_n3A_1318 = arith.select %gt3A_1317, %get3A_1316, %scan3A_1245 : vector<16xi1>, vector<16xf32>
        %select_n3A_1319 = arith.select %gt3A_1317, %add3A_1267, %scan3A_1253 : vector<16xi1>, vector<16xi32>
        %exp3A_1320 = math.exp %get3A_1316 : vector<16xf32>
        %add3A_1321 = arith.addf %scan3A_1261, %exp3A_1320 : vector<16xf32>
        %get3A_1322 = arith.index_cast %scan3A_1238 : i32 to index
        %get3A_1323 = arith.constant 112 : index
        %get3A_1324 = tpu.vector_load %arg6[%get3A_1322, %get3A_1323] {strides = array<i32>} : memref<200x128xf32, #tpu.memory_space<vmem>>, vector<16xf32>,
        %gt3A_1325 = arith.cmpf ogt, %get3A_1324, %scan3A_1246 : vector<16xf32>
        %select_n3A_1326 = arith.select %gt3A_1325, %get3A_1324, %scan3A_1246 : vector<16xi1>, vector<16xf32>
        %select_n3A_1327 = arith.select %gt3A_1325, %add3A_1267, %scan3A_1254 : vector<16xi1>, vector<16xi32>
        %exp3A_1328 = math.exp %get3A_1324 : vector<16xf32>
        %add3A_1329 = arith.addf %scan3A_1262, %exp3A_1328 : vector<16xf32>
        %scan3A_1330 = arith.constant 1 : i32
        %scan3A_1331 = arith.addi %scan3A_1238, %scan3A_1330 : i32
        %broadcast_in_dim3A_1332 = arith.constant 0 : i32
        %broadcast_in_dim3A_1333 = vector.broadcast %broadcast_in_dim3A_1332 : i32 to vector<16xi32>
        %add3A_1334 = arith.addi %mul3A_898, %scan3A_1331 : i32
        %add3A_1335 = vector.broadcast %add3A_1334 : i32 to vector<16xi32>
        %add3A_1336 = arith.addi %broadcast_in_dim3A_1333, %add3A_1335 : vector<16xi32>
        %get3A_1337 = arith.index_cast %scan3A_1331 : i32 to index
        %get3A_1338 = arith.constant 0 : index
        %get3A_1339 = tpu.vector_load %arg6[%get3A_1337, %get3A_1338] {strides = array<i32>} : memref<200x128xf32, #tpu.memory_space<vmem>>, vector<16xf32>,
        %gt3A_1340 = arith.cmpf ogt, %get3A_1339, %select_n3A_1271 : vector<16xf32>
        %select_n3A_1341 = arith.select %gt3A_1340, %get3A_1339, %select_n3A_1271 : vector<16xi1>, vector<16xf32>
        %select_n3A_1342 = arith.select %gt3A_1340, %add3A_1336, %select_n3A_1272 : vector<16xi1>, vector<16xi32>
        %exp3A_1343 = math.exp %get3A_1339 : vector<16xf32>
        %add3A_1344 = arith.addf %add3A_1273, %exp3A_1343 : vector<16xf32>
        %get3A_1345 = arith.index_cast %scan3A_1331 : i32 to index
        %get3A_1346 = arith.constant 16 : index
        %get3A_1347 = tpu.vector_load %arg6[%get3A_1345, %get3A_1346] {strides = array<i32>} : memref<200x128xf32, #tpu.memory_space<vmem>>, vector<16xf32>,
        %gt3A_1348 = arith.cmpf ogt, %get3A_1347, %select_n3A_1278 : vector<16xf32>
        %select_n3A_1349 = arith.select %gt3A_1348, %get3A_1347, %select_n3A_1278 : vector<16xi1>, vector<16xf32>
        %select_n3A_1350 = arith.select %gt3A_1348, %add3A_1336, %select_n3A_1279 : vector<16xi1>, vector<16xi32>
        %exp3A_1351 = math.exp %get3A_1347 : vector<16xf32>
        %add3A_1352 = arith.addf %add3A_1281, %exp3A_1351 : vector<16xf32>
        %get3A_1353 = arith.index_cast %scan3A_1331 : i32 to index
        %get3A_1354 = arith.constant 32 : index
        %get3A_1355 = tpu.vector_load %arg6[%get3A_1353, %get3A_1354] {strides = array<i32>} : memref<200x128xf32, #tpu.memory_space<vmem>>, vector<16xf32>,
        %gt3A_1356 = arith.cmpf ogt, %get3A_1355, %select_n3A_1286 : vector<16xf32>
        %select_n3A_1357 = arith.select %gt3A_1356, %get3A_1355, %select_n3A_1286 : vector<16xi1>, vector<16xf32>
        %select_n3A_1358 = arith.select %gt3A_1356, %add3A_1336, %select_n3A_1287 : vector<16xi1>, vector<16xi32>
        %exp3A_1359 = math.exp %get3A_1355 : vector<16xf32>
        %add3A_1360 = arith.addf %add3A_1289, %exp3A_1359 : vector<16xf32>
        %get3A_1361 = arith.index_cast %scan3A_1331 : i32 to index
        %get3A_1362 = arith.constant 48 : index
        %get3A_1363 = tpu.vector_load %arg6[%get3A_1361, %get3A_1362] {strides = array<i32>} : memref<200x128xf32, #tpu.memory_space<vmem>>, vector<16xf32>,
        %gt3A_1364 = arith.cmpf ogt, %get3A_1363, %select_n3A_1294 : vector<16xf32>
        %select_n3A_1365 = arith.select %gt3A_1364, %get3A_1363, %select_n3A_1294 : vector<16xi1>, vector<16xf32>
        %select_n3A_1366 = arith.select %gt3A_1364, %add3A_1336, %select_n3A_1295 : vector<16xi1>, vector<16xi32>
        %exp3A_1367 = math.exp %get3A_1363 : vector<16xf32>
        %add3A_1368 = arith.addf %add3A_1297, %exp3A_1367 : vector<16xf32>
        %get3A_1369 = arith.index_cast %scan3A_1331 : i32 to index
        %get3A_1370 = arith.constant 64 : index
        %get3A_1371 = tpu.vector_load %arg6[%get3A_1369, %get3A_1370] {strides = array<i32>} : memref<200x128xf32, #tpu.memory_space<vmem>>, vector<16xf32>,
        %gt3A_1372 = arith.cmpf ogt, %get3A_1371, %select_n3A_1302 : vector<16xf32>
        %select_n3A_1373 = arith.select %gt3A_1372, %get3A_1371, %select_n3A_1302 : vector<16xi1>, vector<16xf32>
        %select_n3A_1374 = arith.select %gt3A_1372, %add3A_1336, %select_n3A_1303 : vector<16xi1>, vector<16xi32>
        %exp3A_1375 = math.exp %get3A_1371 : vector<16xf32>
        %add3A_1376 = arith.addf %add3A_1305, %exp3A_1375 : vector<16xf32>
        %get3A_1377 = arith.index_cast %scan3A_1331 : i32 to index
        %get3A_1378 = arith.constant 80 : index
        %get3A_1379 = tpu.vector_load %arg6[%get3A_1377, %get3A_1378] {strides = array<i32>} : memref<200x128xf32, #tpu.memory_space<vmem>>, vector<16xf32>,
        %gt3A_1380 = arith.cmpf ogt, %get3A_1379, %select_n3A_1310 : vector<16xf32>
        %select_n3A_1381 = arith.select %gt3A_1380, %get3A_1379, %select_n3A_1310 : vector<16xi1>, vector<16xf32>
        %select_n3A_1382 = arith.select %gt3A_1380, %add3A_1336, %select_n3A_1311 : vector<16xi1>, vector<16xi32>
        %exp3A_1383 = math.exp %get3A_1379 : vector<16xf32>
        %add3A_1384 = arith.addf %add3A_1313, %exp3A_1383 : vector<16xf32>
        %get3A_1385 = arith.index_cast %scan3A_1331 : i32 to index
        %get3A_1386 = arith.constant 96 : index
        %get3A_1387 = tpu.vector_load %arg6[%get3A_1385, %get3A_1386] {strides = array<i32>} : memref<200x128xf32, #tpu.memory_space<vmem>>, vector<16xf32>,
        %gt3A_1388 = arith.cmpf ogt, %get3A_1387, %select_n3A_1318 : vector<16xf32>
        %select_n3A_1389 = arith.select %gt3A_1388, %get3A_1387, %select_n3A_1318 : vector<16xi1>, vector<16xf32>
        %select_n3A_1390 = arith.select %gt3A_1388, %add3A_1336, %select_n3A_1319 : vector<16xi1>, vector<16xi32>
        %exp3A_1391 = math.exp %get3A_1387 : vector<16xf32>
        %add3A_1392 = arith.addf %add3A_1321, %exp3A_1391 : vector<16xf32>
        %get3A_1393 = arith.index_cast %scan3A_1331 : i32 to index
        %get3A_1394 = arith.constant 112 : index
        %get3A_1395 = tpu.vector_load %arg6[%get3A_1393, %get3A_1394] {strides = array<i32>} : memref<200x128xf32, #tpu.memory_space<vmem>>, vector<16xf32>,
        %gt3A_1396 = arith.cmpf ogt, %get3A_1395, %select_n3A_1326 : vector<16xf32>
        %select_n3A_1397 = arith.select %gt3A_1396, %get3A_1395, %select_n3A_1326 : vector<16xi1>, vector<16xf32>
        %select_n3A_1398 = arith.select %gt3A_1396, %add3A_1336, %select_n3A_1327 : vector<16xi1>, vector<16xi32>
        %exp3A_1399 = math.exp %get3A_1395 : vector<16xf32>
        %add3A_1400 = arith.addf %add3A_1329, %exp3A_1399 : vector<16xf32>
        scf.yield %select_n3A_1341, %select_n3A_1349, %select_n3A_1357, %select_n3A_1365, %select_n3A_1373, %select_n3A_1381, %select_n3A_1389, %select_n3A_1397, %select_n3A_1342, %select_n3A_1350, %select_n3A_1358, %select_n3A_1366, %select_n3A_1374, %select_n3A_1382, %select_n3A_1390, %select_n3A_1398, %add3A_1344, %add3A_1352, %add3A_1360, %add3A_1368, %add3A_1376, %add3A_1384, %add3A_1392, %add3A_1400 : vector<16xf32>, vector<16xf32>, vector<16xf32>, vector<16xf32>, vector<16xf32>, vector<16xf32>, vector<16xf32>, vector<16xf32>, vector<16xi32>, vector<16xi32>, vector<16xi32>, vector<16xi32>, vector<16xi32>, vector<16xi32>, vector<16xi32>, vector<16xi32>, vector<16xf32>, vector<16xf32>, vector<16xf32>, vector<16xf32>, vector<16xf32>, vector<16xf32>, vector<16xf32>, vector<16xf32>
      }
      %scan3A_952 = arith.constant 200 : i32
      %swap3A_953 = arith.constant 0 : index
      %swap3A_954 = tpu.vector_load %arg8[%swap3A_953] {strides = array<i32>} : memref<128xf32, #tpu.memory_space<vmem>>, vector<16xf32>,
      tpu.vector_store %arg8[%swap3A_953], %scan3A_951#0 {strides = array<i32>} : memref<128xf32, #tpu.memory_space<vmem>>, vector<16xf32>,
      %swap3A_955 = arith.constant 0 : index
      %swap3A_956 = tpu.vector_load %arg11[%swap3A_955] {strides = array<i32>} : memref<128xi32, #tpu.memory_space<vmem>>, vector<16xi32>,
      tpu.vector_store %arg11[%swap3A_955], %scan3A_951#8 {strides = array<i32>} : memref<128xi32, #tpu.memory_space<vmem>>, vector<16xi32>,
      %swap3A_957 = arith.constant 0 : index
      %swap3A_958 = tpu.vector_load %arg9[%swap3A_957] {strides = array<i32>} : memref<128xf32, #tpu.memory_space<vmem>>, vector<16xf32>,
      tpu.vector_store %arg9[%swap3A_957], %scan3A_951#16 {strides = array<i32>} : memref<128xf32, #tpu.memory_space<vmem>>, vector<16xf32>,
      %get3A_959 = arith.constant 0 : index
      %get3A_960 = tpu.vector_load %arg7[%get3A_959] {strides = array<i32>} : memref<128xi32, #tpu.memory_space<vmem>>, vector<16xi32>,
      %sub3A_961 = vector.broadcast %mul3A_898 : i32 to vector<16xi32>
      %sub3A_962 = arith.subi %get3A_960, %sub3A_961 : vector<16xi32>
      %ge3A_963 = arith.constant 0 : i32
      %ge3A_964 = vector.broadcast %ge3A_963 : i32 to vector<16xi32>
      %ge3A_965 = arith.cmpi sge, %sub3A_962, %ge3A_964 : vector<16xi32>
      %lt3A_966 = arith.constant 200 : i32
      %lt3A_967 = vector.broadcast %lt3A_966 : i32 to vector<16xi32>
      %lt3A_968 = arith.cmpi slt, %sub3A_962, %lt3A_967 : vector<16xi32>
      %and3A_969 = arith.andi %ge3A_965, %lt3A_968 : vector<16xi1>
      %jit3A_970 = arith.constant 0 : i32
      %jit3A_971 = arith.constant 199 : i32
      %max3A_972 = vector.broadcast %jit3A_970 : i32 to vector<16xi32>
      %max3A_973 = arith.maxsi %max3A_972, %sub3A_962 : vector<16xi32>
      %min3A_974 = vector.broadcast %jit3A_971 : i32 to vector<16xi32>
      %min3A_975 = arith.minsi %min3A_974, %max3A_973 : vector<16xi32>
      %add3A_976 = arith.constant 0 : i32
      %add3A_977 = vector.broadcast %add3A_976 : i32 to vector<16xi32>
      %add3A_978 = arith.addi %add3A_977, %iota3A : vector<16xi32>
      %gather3A_979 = tpu.vector_load_idx %arg6[%min3A_975, %add3A_978] : memref<200x128xf32, #tpu.memory_space<vmem>>[vector<16xi32>, vector<16xi32>], vector<16xf32>,
      %get3A_980 = arith.constant 0 : index
      %get3A_981 = tpu.vector_load %arg10[%get3A_980] {strides = array<i32>} : memref<128xf32, #tpu.memory_space<vmem>>, vector<16xf32>,
      %jit3A_982 = arith.constant 0.000000e+00 : f32
      %broadcast_in_dim3A_983 = vector.broadcast %jit3A_982 : f32 to vector<16xf32>
      %select_n3A_984 = arith.select %and3A_969, %gather3A_979, %broadcast_in_dim3A_983 : vector<16xi1>, vector<16xf32>
      %add3A_985 = arith.addf %get3A_981, %select_n3A_984 : vector<16xf32>
      %swap3A_986 = arith.constant 0 : index
      %swap3A_987 = tpu.vector_load %arg10[%swap3A_986] {strides = array<i32>} : memref<128xf32, #tpu.memory_space<vmem>>, vector<16xf32>,
      tpu.vector_store %arg10[%swap3A_986], %add3A_985 {strides = array<i32>} : memref<128xf32, #tpu.memory_space<vmem>>, vector<16xf32>,
      %swap3A_988 = arith.constant 16 : index
      %swap3A_989 = tpu.vector_load %arg8[%swap3A_988] {strides = array<i32>} : memref<128xf32, #tpu.memory_space<vmem>>, vector<16xf32>,
      tpu.vector_store %arg8[%swap3A_988], %scan3A_951#1 {strides = array<i32>} : memref<128xf32, #tpu.memory_space<vmem>>, vector<16xf32>,
      %swap3A_990 = arith.constant 16 : index
      %swap3A_991 = tpu.vector_load %arg11[%swap3A_990] {strides = array<i32>} : memref<128xi32, #tpu.memory_space<vmem>>, vector<16xi32>,
      tpu.vector_store %arg11[%swap3A_990], %scan3A_951#9 {strides = array<i32>} : memref<128xi32, #tpu.memory_space<vmem>>, vector<16xi32>,
      %swap3A_992 = arith.constant 16 : index
      %swap3A_993 = tpu.vector_load %arg9[%swap3A_992] {strides = array<i32>} : memref<128xf32, #tpu.memory_space<vmem>>, vector<16xf32>,
      tpu.vector_store %arg9[%swap3A_992], %scan3A_951#17 {strides = array<i32>} : memref<128xf32, #tpu.memory_space<vmem>>, vector<16xf32>,
      %get3A_994 = arith.constant 16 : index
      %get3A_995 = tpu.vector_load %arg7[%get3A_994] {strides = array<i32>} : memref<128xi32, #tpu.memory_space<vmem>>, vector<16xi32>,
      %sub3A_996 = vector.broadcast %mul3A_898 : i32 to vector<16xi32>
      %sub3A_997 = arith.subi %get3A_995, %sub3A_996 : vector<16xi32>
      %ge3A_998 = arith.constant 0 : i32
      %ge3A_999 = vector.broadcast %ge3A_998 : i32 to vector<16xi32>
      %ge3A_1000 = arith.cmpi sge, %sub3A_997, %ge3A_999 : vector<16xi32>
      %lt3A_1001 = arith.constant 200 : i32
      %lt3A_1002 = vector.broadcast %lt3A_1001 : i32 to vector<16xi32>
      %lt3A_1003 = arith.cmpi slt, %sub3A_997, %lt3A_1002 : vector<16xi32>
      %and3A_1004 = arith.andi %ge3A_1000, %lt3A_1003 : vector<16xi1>
      %jit3A_1005 = arith.constant 0 : i32
      %jit3A_1006 = arith.constant 199 : i32
      %max3A_1007 = vector.broadcast %jit3A_1005 : i32 to vector<16xi32>
      %max3A_1008 = arith.maxsi %max3A_1007, %sub3A_997 : vector<16xi32>
      %min3A_1009 = vector.broadcast %jit3A_1006 : i32 to vector<16xi32>
      %min3A_1010 = arith.minsi %min3A_1009, %max3A_1008 : vector<16xi32>
      %add3A_1011 = arith.constant 16 : i32
      %add3A_1012 = vector.broadcast %add3A_1011 : i32 to vector<16xi32>
      %add3A_1013 = arith.addi %add3A_1012, %iota3A : vector<16xi32>
      %gather3A_1014 = tpu.vector_load_idx %arg6[%min3A_1010, %add3A_1013] : memref<200x128xf32, #tpu.memory_space<vmem>>[vector<16xi32>, vector<16xi32>], vector<16xf32>,
      %get3A_1015 = arith.constant 16 : index
      %get3A_1016 = tpu.vector_load %arg10[%get3A_1015] {strides = array<i32>} : memref<128xf32, #tpu.memory_space<vmem>>, vector<16xf32>,
      %jit3A_1017 = arith.constant 0.000000e+00 : f32
      %broadcast_in_dim3A_1018 = vector.broadcast %jit3A_1017 : f32 to vector<16xf32>
      %select_n3A_1019 = arith.select %and3A_1004, %gather3A_1014, %broadcast_in_dim3A_1018 : vector<16xi1>, vector<16xf32>
      %add3A_1020 = arith.addf %get3A_1016, %select_n3A_1019 : vector<16xf32>
      %swap3A_1021 = arith.constant 16 : index
      %swap3A_1022 = tpu.vector_load %arg10[%swap3A_1021] {strides = array<i32>} : memref<128xf32, #tpu.memory_space<vmem>>, vector<16xf32>,
      tpu.vector_store %arg10[%swap3A_1021], %add3A_1020 {strides = array<i32>} : memref<128xf32, #tpu.memory_space<vmem>>, vector<16xf32>,
      %swap3A_1023 = arith.constant 32 : index
      %swap3A_1024 = tpu.vector_load %arg8[%swap3A_1023] {strides = array<i32>} : memref<128xf32, #tpu.memory_space<vmem>>, vector<16xf32>,
      tpu.vector_store %arg8[%swap3A_1023], %scan3A_951#2 {strides = array<i32>} : memref<128xf32, #tpu.memory_space<vmem>>, vector<16xf32>,
      %swap3A_1025 = arith.constant 32 : index
      %swap3A_1026 = tpu.vector_load %arg11[%swap3A_1025] {strides = array<i32>} : memref<128xi32, #tpu.memory_space<vmem>>, vector<16xi32>,
      tpu.vector_store %arg11[%swap3A_1025], %scan3A_951#10 {strides = array<i32>} : memref<128xi32, #tpu.memory_space<vmem>>, vector<16xi32>,
      %swap3A_1027 = arith.constant 32 : index
      %swap3A_1028 = tpu.vector_load %arg9[%swap3A_1027] {strides = array<i32>} : memref<128xf32, #tpu.memory_space<vmem>>, vector<16xf32>,
      tpu.vector_store %arg9[%swap3A_1027], %scan3A_951#18 {strides = array<i32>} : memref<128xf32, #tpu.memory_space<vmem>>, vector<16xf32>,
      %get3A_1029 = arith.constant 32 : index
      %get3A_1030 = tpu.vector_load %arg7[%get3A_1029] {strides = array<i32>} : memref<128xi32, #tpu.memory_space<vmem>>, vector<16xi32>,
      %sub3A_1031 = vector.broadcast %mul3A_898 : i32 to vector<16xi32>
      %sub3A_1032 = arith.subi %get3A_1030, %sub3A_1031 : vector<16xi32>
      %ge3A_1033 = arith.constant 0 : i32
      %ge3A_1034 = vector.broadcast %ge3A_1033 : i32 to vector<16xi32>
      %ge3A_1035 = arith.cmpi sge, %sub3A_1032, %ge3A_1034 : vector<16xi32>
      %lt3A_1036 = arith.constant 200 : i32
      %lt3A_1037 = vector.broadcast %lt3A_1036 : i32 to vector<16xi32>
      %lt3A_1038 = arith.cmpi slt, %sub3A_1032, %lt3A_1037 : vector<16xi32>
      %and3A_1039 = arith.andi %ge3A_1035, %lt3A_1038 : vector<16xi1>
      %jit3A_1040 = arith.constant 0 : i32
      %jit3A_1041 = arith.constant 199 : i32
      %max3A_1042 = vector.broadcast %jit3A_1040 : i32 to vector<16xi32>
      %max3A_1043 = arith.maxsi %max3A_1042, %sub3A_1032 : vector<16xi32>
      %min3A_1044 = vector.broadcast %jit3A_1041 : i32 to vector<16xi32>
      %min3A_1045 = arith.minsi %min3A_1044, %max3A_1043 : vector<16xi32>
      %add3A_1046 = arith.constant 32 : i32
      %add3A_1047 = vector.broadcast %add3A_1046 : i32 to vector<16xi32>
      %add3A_1048 = arith.addi %add3A_1047, %iota3A : vector<16xi32>
      %gather3A_1049 = tpu.vector_load_idx %arg6[%min3A_1045, %add3A_1048] : memref<200x128xf32, #tpu.memory_space<vmem>>[vector<16xi32>, vector<16xi32>], vector<16xf32>,
      %get3A_1050 = arith.constant 32 : index
      %get3A_1051 = tpu.vector_load %arg10[%get3A_1050] {strides = array<i32>} : memref<128xf32, #tpu.memory_space<vmem>>, vector<16xf32>,
      %jit3A_1052 = arith.constant 0.000000e+00 : f32
      %broadcast_in_dim3A_1053 = vector.broadcast %jit3A_1052 : f32 to vector<16xf32>
      %select_n3A_1054 = arith.select %and3A_1039, %gather3A_1049, %broadcast_in_dim3A_1053 : vector<16xi1>, vector<16xf32>
      %add3A_1055 = arith.addf %get3A_1051, %select_n3A_1054 : vector<16xf32>
      %swap3A_1056 = arith.constant 32 : index
      %swap3A_1057 = tpu.vector_load %arg10[%swap3A_1056] {strides = array<i32>} : memref<128xf32, #tpu.memory_space<vmem>>, vector<16xf32>,
      tpu.vector_store %arg10[%swap3A_1056], %add3A_1055 {strides = array<i32>} : memref<128xf32, #tpu.memory_space<vmem>>, vector<16xf32>,
      %swap3A_1058 = arith.constant 48 : index
      %swap3A_1059 = tpu.vector_load %arg8[%swap3A_1058] {strides = array<i32>} : memref<128xf32, #tpu.memory_space<vmem>>, vector<16xf32>,
      tpu.vector_store %arg8[%swap3A_1058], %scan3A_951#3 {strides = array<i32>} : memref<128xf32, #tpu.memory_space<vmem>>, vector<16xf32>,
      %swap3A_1060 = arith.constant 48 : index
      %swap3A_1061 = tpu.vector_load %arg11[%swap3A_1060] {strides = array<i32>} : memref<128xi32, #tpu.memory_space<vmem>>, vector<16xi32>,
      tpu.vector_store %arg11[%swap3A_1060], %scan3A_951#11 {strides = array<i32>} : memref<128xi32, #tpu.memory_space<vmem>>, vector<16xi32>,
      %swap3A_1062 = arith.constant 48 : index
      %swap3A_1063 = tpu.vector_load %arg9[%swap3A_1062] {strides = array<i32>} : memref<128xf32, #tpu.memory_space<vmem>>, vector<16xf32>,
      tpu.vector_store %arg9[%swap3A_1062], %scan3A_951#19 {strides = array<i32>} : memref<128xf32, #tpu.memory_space<vmem>>, vector<16xf32>,
      %get3A_1064 = arith.constant 48 : index
      %get3A_1065 = tpu.vector_load %arg7[%get3A_1064] {strides = array<i32>} : memref<128xi32, #tpu.memory_space<vmem>>, vector<16xi32>,
      %sub3A_1066 = vector.broadcast %mul3A_898 : i32 to vector<16xi32>
      %sub3A_1067 = arith.subi %get3A_1065, %sub3A_1066 : vector<16xi32>
      %ge3A_1068 = arith.constant 0 : i32
      %ge3A_1069 = vector.broadcast %ge3A_1068 : i32 to vector<16xi32>
      %ge3A_1070 = arith.cmpi sge, %sub3A_1067, %ge3A_1069 : vector<16xi32>
      %lt3A_1071 = arith.constant 200 : i32
      %lt3A_1072 = vector.broadcast %lt3A_1071 : i32 to vector<16xi32>
      %lt3A_1073 = arith.cmpi slt, %sub3A_1067, %lt3A_1072 : vector<16xi32>
      %and3A_1074 = arith.andi %ge3A_1070, %lt3A_1073 : vector<16xi1>
      %jit3A_1075 = arith.constant 0 : i32
      %jit3A_1076 = arith.constant 199 : i32
      %max3A_1077 = vector.broadcast %jit3A_1075 : i32 to vector<16xi32>
      %max3A_1078 = arith.maxsi %max3A_1077, %sub3A_1067 : vector<16xi32>
      %min3A_1079 = vector.broadcast %jit3A_1076 : i32 to vector<16xi32>
      %min3A_1080 = arith.minsi %min3A_1079, %max3A_1078 : vector<16xi32>
      %add3A_1081 = arith.constant 48 : i32
      %add3A_1082 = vector.broadcast %add3A_1081 : i32 to vector<16xi32>
      %add3A_1083 = arith.addi %add3A_1082, %iota3A : vector<16xi32>
      %gather3A_1084 = tpu.vector_load_idx %arg6[%min3A_1080, %add3A_1083] : memref<200x128xf32, #tpu.memory_space<vmem>>[vector<16xi32>, vector<16xi32>], vector<16xf32>,
      %get3A_1085 = arith.constant 48 : index
      %get3A_1086 = tpu.vector_load %arg10[%get3A_1085] {strides = array<i32>} : memref<128xf32, #tpu.memory_space<vmem>>, vector<16xf32>,
      %jit3A_1087 = arith.constant 0.000000e+00 : f32
      %broadcast_in_dim3A_1088 = vector.broadcast %jit3A_1087 : f32 to vector<16xf32>
      %select_n3A_1089 = arith.select %and3A_1074, %gather3A_1084, %broadcast_in_dim3A_1088 : vector<16xi1>, vector<16xf32>
      %add3A_1090 = arith.addf %get3A_1086, %select_n3A_1089 : vector<16xf32>
      %swap3A_1091 = arith.constant 48 : index
      %swap3A_1092 = tpu.vector_load %arg10[%swap3A_1091] {strides = array<i32>} : memref<128xf32, #tpu.memory_space<vmem>>, vector<16xf32>,
      tpu.vector_store %arg10[%swap3A_1091], %add3A_1090 {strides = array<i32>} : memref<128xf32, #tpu.memory_space<vmem>>, vector<16xf32>,
      %swap3A_1093 = arith.constant 64 : index
      %swap3A_1094 = tpu.vector_load %arg8[%swap3A_1093] {strides = array<i32>} : memref<128xf32, #tpu.memory_space<vmem>>, vector<16xf32>,
      tpu.vector_store %arg8[%swap3A_1093], %scan3A_951#4 {strides = array<i32>} : memref<128xf32, #tpu.memory_space<vmem>>, vector<16xf32>,
      %swap3A_1095 = arith.constant 64 : index
      %swap3A_1096 = tpu.vector_load %arg11[%swap3A_1095] {strides = array<i32>} : memref<128xi32, #tpu.memory_space<vmem>>, vector<16xi32>,
      tpu.vector_store %arg11[%swap3A_1095], %scan3A_951#12 {strides = array<i32>} : memref<128xi32, #tpu.memory_space<vmem>>, vector<16xi32>,
      %swap3A_1097 = arith.constant 64 : index
      %swap3A_1098 = tpu.vector_load %arg9[%swap3A_1097] {strides = array<i32>} : memref<128xf32, #tpu.memory_space<vmem>>, vector<16xf32>,
      tpu.vector_store %arg9[%swap3A_1097], %scan3A_951#20 {strides = array<i32>} : memref<128xf32, #tpu.memory_space<vmem>>, vector<16xf32>,
      %get3A_1099 = arith.constant 64 : index
      %get3A_1100 = tpu.vector_load %arg7[%get3A_1099] {strides = array<i32>} : memref<128xi32, #tpu.memory_space<vmem>>, vector<16xi32>,
      %sub3A_1101 = vector.broadcast %mul3A_898 : i32 to vector<16xi32>
      %sub3A_1102 = arith.subi %get3A_1100, %sub3A_1101 : vector<16xi32>
      %ge3A_1103 = arith.constant 0 : i32
      %ge3A_1104 = vector.broadcast %ge3A_1103 : i32 to vector<16xi32>
      %ge3A_1105 = arith.cmpi sge, %sub3A_1102, %ge3A_1104 : vector<16xi32>
      %lt3A_1106 = arith.constant 200 : i32
      %lt3A_1107 = vector.broadcast %lt3A_1106 : i32 to vector<16xi32>
      %lt3A_1108 = arith.cmpi slt, %sub3A_1102, %lt3A_1107 : vector<16xi32>
      %and3A_1109 = arith.andi %ge3A_1105, %lt3A_1108 : vector<16xi1>
      %jit3A_1110 = arith.constant 0 : i32
      %jit3A_1111 = arith.constant 199 : i32
      %max3A_1112 = vector.broadcast %jit3A_1110 : i32 to vector<16xi32>
      %max3A_1113 = arith.maxsi %max3A_1112, %sub3A_1102 : vector<16xi32>
      %min3A_1114 = vector.broadcast %jit3A_1111 : i32 to vector<16xi32>
      %min3A_1115 = arith.minsi %min3A_1114, %max3A_1113 : vector<16xi32>
      %add3A_1116 = arith.constant 64 : i32
      %add3A_1117 = vector.broadcast %add3A_1116 : i32 to vector<16xi32>
      %add3A_1118 = arith.addi %add3A_1117, %iota3A : vector<16xi32>
      %gather3A_1119 = tpu.vector_load_idx %arg6[%min3A_1115, %add3A_1118] : memref<200x128xf32, #tpu.memory_space<vmem>>[vector<16xi32>, vector<16xi32>], vector<16xf32>,
      %get3A_1120 = arith.constant 64 : index
      %get3A_1121 = tpu.vector_load %arg10[%get3A_1120] {strides = array<i32>} : memref<128xf32, #tpu.memory_space<vmem>>, vector<16xf32>,
      %jit3A_1122 = arith.constant 0.000000e+00 : f32
      %broadcast_in_dim3A_1123 = vector.broadcast %jit3A_1122 : f32 to vector<16xf32>
      %select_n3A_1124 = arith.select %and3A_1109, %gather3A_1119, %broadcast_in_dim3A_1123 : vector<16xi1>, vector<16xf32>
      %add3A_1125 = arith.addf %get3A_1121, %select_n3A_1124 : vector<16xf32>
      %swap3A_1126 = arith.constant 64 : index
      %swap3A_1127 = tpu.vector_load %arg10[%swap3A_1126] {strides = array<i32>} : memref<128xf32, #tpu.memory_space<vmem>>, vector<16xf32>,
      tpu.vector_store %arg10[%swap3A_1126], %add3A_1125 {strides = array<i32>} : memref<128xf32, #tpu.memory_space<vmem>>, vector<16xf32>,
      %swap3A_1128 = arith.constant 80 : index
      %swap3A_1129 = tpu.vector_load %arg8[%swap3A_1128] {strides = array<i32>} : memref<128xf32, #tpu.memory_space<vmem>>, vector<16xf32>,
      tpu.vector_store %arg8[%swap3A_1128], %scan3A_951#5 {strides = array<i32>} : memref<128xf32, #tpu.memory_space<vmem>>, vector<16xf32>,
      %swap3A_1130 = arith.constant 80 : index
      %swap3A_1131 = tpu.vector_load %arg11[%swap3A_1130] {strides = array<i32>} : memref<128xi32, #tpu.memory_space<vmem>>, vector<16xi32>,
      tpu.vector_store %arg11[%swap3A_1130], %scan3A_951#13 {strides = array<i32>} : memref<128xi32, #tpu.memory_space<vmem>>, vector<16xi32>,
      %swap3A_1132 = arith.constant 80 : index
      %swap3A_1133 = tpu.vector_load %arg9[%swap3A_1132] {strides = array<i32>} : memref<128xf32, #tpu.memory_space<vmem>>, vector<16xf32>,
      tpu.vector_store %arg9[%swap3A_1132], %scan3A_951#21 {strides = array<i32>} : memref<128xf32, #tpu.memory_space<vmem>>, vector<16xf32>,
      %get3A_1134 = arith.constant 80 : index
      %get3A_1135 = tpu.vector_load %arg7[%get3A_1134] {strides = array<i32>} : memref<128xi32, #tpu.memory_space<vmem>>, vector<16xi32>,
      %sub3A_1136 = vector.broadcast %mul3A_898 : i32 to vector<16xi32>
      %sub3A_1137 = arith.subi %get3A_1135, %sub3A_1136 : vector<16xi32>
      %ge3A_1138 = arith.constant 0 : i32
      %ge3A_1139 = vector.broadcast %ge3A_1138 : i32 to vector<16xi32>
      %ge3A_1140 = arith.cmpi sge, %sub3A_1137, %ge3A_1139 : vector<16xi32>
      %lt3A_1141 = arith.constant 200 : i32
      %lt3A_1142 = vector.broadcast %lt3A_1141 : i32 to vector<16xi32>
      %lt3A_1143 = arith.cmpi slt, %sub3A_1137, %lt3A_1142 : vector<16xi32>
      %and3A_1144 = arith.andi %ge3A_1140, %lt3A_1143 : vector<16xi1>
      %jit3A_1145 = arith.constant 0 : i32
      %jit3A_1146 = arith.constant 199 : i32
      %max3A_1147 = vector.broadcast %jit3A_1145 : i32 to vector<16xi32>
      %max3A_1148 = arith.maxsi %max3A_1147, %sub3A_1137 : vector<16xi32>
      %min3A_1149 = vector.broadcast %jit3A_1146 : i32 to vector<16xi32>
      %min3A_1150 = arith.minsi %min3A_1149, %max3A_1148 : vector<16xi32>
      %add3A_1151 = arith.constant 80 : i32
      %add3A_1152 = vector.broadcast %add3A_1151 : i32 to vector<16xi32>
      %add3A_1153 = arith.addi %add3A_1152, %iota3A : vector<16xi32>
      %gather3A_1154 = tpu.vector_load_idx %arg6[%min3A_1150, %add3A_1153] : memref<200x128xf32, #tpu.memory_space<vmem>>[vector<16xi32>, vector<16xi32>], vector<16xf32>,
      %get3A_1155 = arith.constant 80 : index
      %get3A_1156 = tpu.vector_load %arg10[%get3A_1155] {strides = array<i32>} : memref<128xf32, #tpu.memory_space<vmem>>, vector<16xf32>,
      %jit3A_1157 = arith.constant 0.000000e+00 : f32
      %broadcast_in_dim3A_1158 = vector.broadcast %jit3A_1157 : f32 to vector<16xf32>
      %select_n3A_1159 = arith.select %and3A_1144, %gather3A_1154, %broadcast_in_dim3A_1158 : vector<16xi1>, vector<16xf32>
      %add3A_1160 = arith.addf %get3A_1156, %select_n3A_1159 : vector<16xf32>
      %swap3A_1161 = arith.constant 80 : index
      %swap3A_1162 = tpu.vector_load %arg10[%swap3A_1161] {strides = array<i32>} : memref<128xf32, #tpu.memory_space<vmem>>, vector<16xf32>,
      tpu.vector_store %arg10[%swap3A_1161], %add3A_1160 {strides = array<i32>} : memref<128xf32, #tpu.memory_space<vmem>>, vector<16xf32>,
      %swap3A_1163 = arith.constant 96 : index
      %swap3A_1164 = tpu.vector_load %arg8[%swap3A_1163] {strides = array<i32>} : memref<128xf32, #tpu.memory_space<vmem>>, vector<16xf32>,
      tpu.vector_store %arg8[%swap3A_1163], %scan3A_951#6 {strides = array<i32>} : memref<128xf32, #tpu.memory_space<vmem>>, vector<16xf32>,
      %swap3A_1165 = arith.constant 96 : index
      %swap3A_1166 = tpu.vector_load %arg11[%swap3A_1165] {strides = array<i32>} : memref<128xi32, #tpu.memory_space<vmem>>, vector<16xi32>,
      tpu.vector_store %arg11[%swap3A_1165], %scan3A_951#14 {strides = array<i32>} : memref<128xi32, #tpu.memory_space<vmem>>, vector<16xi32>,
      %swap3A_1167 = arith.constant 96 : index
      %swap3A_1168 = tpu.vector_load %arg9[%swap3A_1167] {strides = array<i32>} : memref<128xf32, #tpu.memory_space<vmem>>, vector<16xf32>,
      tpu.vector_store %arg9[%swap3A_1167], %scan3A_951#22 {strides = array<i32>} : memref<128xf32, #tpu.memory_space<vmem>>, vector<16xf32>,
      %get3A_1169 = arith.constant 96 : index
      %get3A_1170 = tpu.vector_load %arg7[%get3A_1169] {strides = array<i32>} : memref<128xi32, #tpu.memory_space<vmem>>, vector<16xi32>,
      %sub3A_1171 = vector.broadcast %mul3A_898 : i32 to vector<16xi32>
      %sub3A_1172 = arith.subi %get3A_1170, %sub3A_1171 : vector<16xi32>
      %ge3A_1173 = arith.constant 0 : i32
      %ge3A_1174 = vector.broadcast %ge3A_1173 : i32 to vector<16xi32>
      %ge3A_1175 = arith.cmpi sge, %sub3A_1172, %ge3A_1174 : vector<16xi32>
      %lt3A_1176 = arith.constant 200 : i32
      %lt3A_1177 = vector.broadcast %lt3A_1176 : i32 to vector<16xi32>
      %lt3A_1178 = arith.cmpi slt, %sub3A_1172, %lt3A_1177 : vector<16xi32>
      %and3A_1179 = arith.andi %ge3A_1175, %lt3A_1178 : vector<16xi1>
      %jit3A_1180 = arith.constant 0 : i32
      %jit3A_1181 = arith.constant 199 : i32
      %max3A_1182 = vector.broadcast %jit3A_1180 : i32 to vector<16xi32>
      %max3A_1183 = arith.maxsi %max3A_1182, %sub3A_1172 : vector<16xi32>
      %min3A_1184 = vector.broadcast %jit3A_1181 : i32 to vector<16xi32>
      %min3A_1185 = arith.minsi %min3A_1184, %max3A_1183 : vector<16xi32>
      %add3A_1186 = arith.constant 96 : i32
      %add3A_1187 = vector.broadcast %add3A_1186 : i32 to vector<16xi32>
      %add3A_1188 = arith.addi %add3A_1187, %iota3A : vector<16xi32>
      %gather3A_1189 = tpu.vector_load_idx %arg6[%min3A_1185, %add3A_1188] : memref<200x128xf32, #tpu.memory_space<vmem>>[vector<16xi32>, vector<16xi32>], vector<16xf32>,
      %get3A_1190 = arith.constant 96 : index
      %get3A_1191 = tpu.vector_load %arg10[%get3A_1190] {strides = array<i32>} : memref<128xf32, #tpu.memory_space<vmem>>, vector<16xf32>,
      %jit3A_1192 = arith.constant 0.000000e+00 : f32
      %broadcast_in_dim3A_1193 = vector.broadcast %jit3A_1192 : f32 to vector<16xf32>
      %select_n3A_1194 = arith.select %and3A_1179, %gather3A_1189, %broadcast_in_dim3A_1193 : vector<16xi1>, vector<16xf32>
      %add3A_1195 = arith.addf %get3A_1191, %select_n3A_1194 : vector<16xf32>
      %swap3A_1196 = arith.constant 96 : index
      %swap3A_1197 = tpu.vector_load %arg10[%swap3A_1196] {strides = array<i32>} : memref<128xf32, #tpu.memory_space<vmem>>, vector<16xf32>,
      tpu.vector_store %arg10[%swap3A_1196], %add3A_1195 {strides = array<i32>} : memref<128xf32, #tpu.memory_space<vmem>>, vector<16xf32>,
      %swap3A_1198 = arith.constant 112 : index
      %swap3A_1199 = tpu.vector_load %arg8[%swap3A_1198] {strides = array<i32>} : memref<128xf32, #tpu.memory_space<vmem>>, vector<16xf32>,
      tpu.vector_store %arg8[%swap3A_1198], %scan3A_951#7 {strides = array<i32>} : memref<128xf32, #tpu.memory_space<vmem>>, vector<16xf32>,
      %swap3A_1200 = arith.constant 112 : index
      %swap3A_1201 = tpu.vector_load %arg11[%swap3A_1200] {strides = array<i32>} : memref<128xi32, #tpu.memory_space<vmem>>, vector<16xi32>,
      tpu.vector_store %arg11[%swap3A_1200], %scan3A_951#15 {strides = array<i32>} : memref<128xi32, #tpu.memory_space<vmem>>, vector<16xi32>,
      %swap3A_1202 = arith.constant 112 : index
      %swap3A_1203 = tpu.vector_load %arg9[%swap3A_1202] {strides = array<i32>} : memref<128xf32, #tpu.memory_space<vmem>>, vector<16xf32>,
      tpu.vector_store %arg9[%swap3A_1202], %scan3A_951#23 {strides = array<i32>} : memref<128xf32, #tpu.memory_space<vmem>>, vector<16xf32>,
      %get3A_1204 = arith.constant 112 : index
      %get3A_1205 = tpu.vector_load %arg7[%get3A_1204] {strides = array<i32>} : memref<128xi32, #tpu.memory_space<vmem>>, vector<16xi32>,
      %sub3A_1206 = vector.broadcast %mul3A_898 : i32 to vector<16xi32>
      %sub3A_1207 = arith.subi %get3A_1205, %sub3A_1206 : vector<16xi32>
      %ge3A_1208 = arith.constant 0 : i32
      %ge3A_1209 = vector.broadcast %ge3A_1208 : i32 to vector<16xi32>
      %ge3A_1210 = arith.cmpi sge, %sub3A_1207, %ge3A_1209 : vector<16xi32>
      %lt3A_1211 = arith.constant 200 : i32
      %lt3A_1212 = vector.broadcast %lt3A_1211 : i32 to vector<16xi32>
      %lt3A_1213 = arith.cmpi slt, %sub3A_1207, %lt3A_1212 : vector<16xi32>
      %and3A_1214 = arith.andi %ge3A_1210, %lt3A_1213 : vector<16xi1>
      %jit3A_1215 = arith.constant 0 : i32
      %jit3A_1216 = arith.constant 199 : i32
      %max3A_1217 = vector.broadcast %jit3A_1215 : i32 to vector<16xi32>
      %max3A_1218 = arith.maxsi %max3A_1217, %sub3A_1207 : vector<16xi32>
      %min3A_1219 = vector.broadcast %jit3A_1216 : i32 to vector<16xi32>
      %min3A_1220 = arith.minsi %min3A_1219, %max3A_1218 : vector<16xi32>
      %add3A_1221 = arith.constant 112 : i32
      %add3A_1222 = vector.broadcast %add3A_1221 : i32 to vector<16xi32>
      %add3A_1223 = arith.addi %add3A_1222, %iota3A : vector<16xi32>
      %gather3A_1224 = tpu.vector_load_idx %arg6[%min3A_1220, %add3A_1223] : memref<200x128xf32, #tpu.memory_space<vmem>>[vector<16xi32>, vector<16xi32>], vector<16xf32>,
      %get3A_1225 = arith.constant 112 : index
      %get3A_1226 = tpu.vector_load %arg10[%get3A_1225] {strides = array<i32>} : memref<128xf32, #tpu.memory_space<vmem>>, vector<16xf32>,
      %jit3A_1227 = arith.constant 0.000000e+00 : f32
      %broadcast_in_dim3A_1228 = vector.broadcast %jit3A_1227 : f32 to vector<16xf32>
      %select_n3A_1229 = arith.select %and3A_1214, %gather3A_1224, %broadcast_in_dim3A_1228 : vector<16xi1>, vector<16xf32>
      %add3A_1230 = arith.addf %get3A_1226, %select_n3A_1229 : vector<16xf32>
      %swap3A_1231 = arith.constant 112 : index
      %swap3A_1232 = tpu.vector_load %arg10[%swap3A_1231] {strides = array<i32>} : memref<128xf32, #tpu.memory_space<vmem>>, vector<16xf32>,
      tpu.vector_store %arg10[%swap3A_1231], %add3A_1230 {strides = array<i32>} : memref<128xf32, #tpu.memory_space<vmem>>, vector<16xf32>,
      %lt3A_1233 = arith.constant 6 : i32
      %lt3A_1234 = arith.cmpi slt, %scan3A_532, %lt3A_1233 : i32
      %convert_element_type3A_1235 = arith.extui %lt3A_1234 : i1 to i32
      %cond3A_1236 = arith.constant 0 : i32
      %cond3A_1237 = arith.cmpi ne, %convert_element_type3A_1235, %cond3A_1236 : i32
      scf.if %cond3A_1237 {
        %add3A_1238 = arith.constant 96 : i32
        %add3A_1239 = arith.addi %add3A_537, %add3A_1238 : i32
        %mul3A_1240 = arith.constant 200 : i32
        %mul3A_1241 = arith.muli %add3A_1239, %mul3A_1240 : i32
        %multiple_of3A_1242 = tpu.assume_multiple %mul3A_1241, 8 : i32
        %dma_start3A_1243 = arith.constant 0 : i32
        %dma_start3A_1244 = tpu.memref_slice %arg2[%multiple_of3A_1242, %dma_start3A_1243] : memref<100000x128xf32, #tpu.memory_space<hbm>> -> memref<200x128xf32, #tpu.memory_space<hbm>>
        %dma_start3A_1245 = arith.constant 0 : i32
        %dma_start3A_1246 = tpu.memref_slice %arg2[%multiple_of3A_1242, %dma_start3A_1245] : memref<100000x128xf32, #tpu.memory_space<hbm>> -> memref<200x128xf32, #tpu.memory_space<hbm>>
        tpu.enqueue_dma source(%dma_start3A_1246 : memref<200x128xf32, #tpu.memory_space<hbm>>) target(%arg6 : memref<200x128xf32, #tpu.memory_space<vmem>>) target_semaphore(%arg14 : memref<!tpu.dma_semaphore, #tpu.memory_space<semaphore_mem>>)
      } else {
      }
    }
    %scan3A_147 = arith.constant 7 : i32
    %lt3A = arith.constant 20 : i32
    %lt3A_148 = arith.cmpi slt, %add3A, %lt3A : i32
    %convert_element_type3A = arith.extui %lt3A_148 : i1 to i32
    %cond3A = arith.constant 0 : i32
    %cond3A_149 = arith.cmpi ne, %convert_element_type3A, %cond3A : i32
    scf.if %cond3A_149 {
      %mul3A_532 = arith.constant 200 : i32
      %mul3A_533 = arith.muli %add3A_142, %mul3A_532 : i32
      %multiple_of3A_534 = tpu.assume_multiple %mul3A_533, 8 : i32
      %dma_start3A_535 = arith.constant 0 : i32
      %dma_start3A_536 = tpu.memref_slice %arg2[%multiple_of3A_534, %dma_start3A_535] : memref<100000x128xf32, #tpu.memory_space<hbm>> -> memref<200x128xf32, #tpu.memory_space<hbm>>
      %dma_start3A_537 = arith.constant 0 : i32
      %dma_start3A_538 = tpu.memref_slice %arg2[%multiple_of3A_534, %dma_start3A_537] : memref<100000x128xf32, #tpu.memory_space<hbm>> -> memref<200x128xf32, #tpu.memory_space<hbm>>
      tpu.enqueue_dma source(%dma_start3A_538 : memref<200x128xf32, #tpu.memory_space<hbm>>) target(%arg6 : memref<200x128xf32, #tpu.memory_space<vmem>>) target_semaphore(%arg14 : memref<!tpu.dma_semaphore, #tpu.memory_space<semaphore_mem>>)
    } else {
    }
    %dma_wait3A = arith.constant 0 : i32
    %dma_wait3A_150 = arith.constant 0 : i32
    %dma_wait3A_151 = tpu.memref_slice %arg2[%dma_wait3A, %dma_wait3A_150] : memref<100000x128xf32, #tpu.memory_space<hbm>> -> memref<200x128xf32, #tpu.memory_space<hbm>>
    %dma_wait3A_152 = arith.constant 0 : i32
    %dma_wait3A_153 = arith.constant 0 : i32
    %dma_wait3A_154 = tpu.memref_slice %arg2[%dma_wait3A_152, %dma_wait3A_153] : memref<100000x128xf32, #tpu.memory_space<hbm>> -> memref<200x128xf32, #tpu.memory_space<hbm>>
    tpu.wait_dma2 semaphore(%arg13 : memref<!tpu.dma_semaphore, #tpu.memory_space<semaphore_mem>>) src(%dma_wait3A_154 : memref<200x128xf32, #tpu.memory_space<hbm>>) dst(%arg5 : memref<200x128xf32, #tpu.memory_space<vmem>>)
    %add3A_155 = arith.constant 448 : i32
    %add3A_156 = arith.addi %add3A_155, %add3A : i32
    %mul3A_157 = arith.constant 200 : i32
    %mul3A_158 = arith.muli %add3A_156, %mul3A_157 : i32
    %get3A = arith.constant 0 : index
    %get3A_159 = tpu.vector_load %arg8[%get3A] {strides = array<i32>} : memref<128xf32, #tpu.memory_space<vmem>>, vector<16xf32>,
    %get3A_160 = arith.constant 16 : index
    %get3A_161 = tpu.vector_load %arg8[%get3A_160] {strides = array<i32>} : memref<128xf32, #tpu.memory_space<vmem>>, vector<16xf32>,
    %get3A_162 = arith.constant 32 : index
    %get3A_163 = tpu.vector_load %arg8[%get3A_162] {strides = array<i32>} : memref<128xf32, #tpu.memory_space<vmem>>, vector<16xf32>,
    %get3A_164 = arith.constant 48 : index
    %get3A_165 = tpu.vector_load %arg8[%get3A_164] {strides = array<i32>} : memref<128xf32, #tpu.memory_space<vmem>>, vector<16xf32>,
    %get3A_166 = arith.constant 64 : index
    %get3A_167 = tpu.vector_load %arg8[%get3A_166] {strides = array<i32>} : memref<128xf32, #tpu.memory_space<vmem>>, vector<16xf32>,
    %get3A_168 = arith.constant 80 : index
    %get3A_169 = tpu.vector_load %arg8[%get3A_168] {strides = array<i32>} : memref<128xf32, #tpu.memory_space<vmem>>, vector<16xf32>,
    %get3A_170 = arith.constant 96 : index
    %get3A_171 = tpu.vector_load %arg8[%get3A_170] {strides = array<i32>} : memref<128xf32, #tpu.memory_space<vmem>>, vector<16xf32>,
    %get3A_172 = arith.constant 112 : index
    %get3A_173 = tpu.vector_load %arg8[%get3A_172] {strides = array<i32>} : memref<128xf32, #tpu.memory_space<vmem>>, vector<16xf32>,
    %get3A_174 = arith.constant 0 : index
    %get3A_175 = tpu.vector_load %arg11[%get3A_174] {strides = array<i32>} : memref<128xi32, #tpu.memory_space<vmem>>, vector<16xi32>,
    %get3A_176 = arith.constant 16 : index
    %get3A_177 = tpu.vector_load %arg11[%get3A_176] {strides = array<i32>} : memref<128xi32, #tpu.memory_space<vmem>>, vector<16xi32>,
    %get3A_178 = arith.constant 32 : index
    %get3A_179 = tpu.vector_load %arg11[%get3A_178] {strides = array<i32>} : memref<128xi32, #tpu.memory_space<vmem>>, vector<16xi32>,
    %get3A_180 = arith.constant 48 : index
    %get3A_181 = tpu.vector_load %arg11[%get3A_180] {strides = array<i32>} : memref<128xi32, #tpu.memory_space<vmem>>, vector<16xi32>,
    %get3A_182 = arith.constant 64 : index
    %get3A_183 = tpu.vector_load %arg11[%get3A_182] {strides = array<i32>} : memref<128xi32, #tpu.memory_space<vmem>>, vector<16xi32>,
    %get3A_184 = arith.constant 80 : index
    %get3A_185 = tpu.vector_load %arg11[%get3A_184] {strides = array<i32>} : memref<128xi32, #tpu.memory_space<vmem>>, vector<16xi32>,
    %get3A_186 = arith.constant 96 : index
    %get3A_187 = tpu.vector_load %arg11[%get3A_186] {strides = array<i32>} : memref<128xi32, #tpu.memory_space<vmem>>, vector<16xi32>,
    %get3A_188 = arith.constant 112 : index
    %get3A_189 = tpu.vector_load %arg11[%get3A_188] {strides = array<i32>} : memref<128xi32, #tpu.memory_space<vmem>>, vector<16xi32>,
    %get3A_190 = arith.constant 0 : index
    %get3A_191 = tpu.vector_load %arg9[%get3A_190] {strides = array<i32>} : memref<128xf32, #tpu.memory_space<vmem>>, vector<16xf32>,
    %get3A_192 = arith.constant 16 : index
    %get3A_193 = tpu.vector_load %arg9[%get3A_192] {strides = array<i32>} : memref<128xf32, #tpu.memory_space<vmem>>, vector<16xf32>,
    %get3A_194 = arith.constant 32 : index
    %get3A_195 = tpu.vector_load %arg9[%get3A_194] {strides = array<i32>} : memref<128xf32, #tpu.memory_space<vmem>>, vector<16xf32>,
    %get3A_196 = arith.constant 48 : index
    %get3A_197 = tpu.vector_load %arg9[%get3A_196] {strides = array<i32>} : memref<128xf32, #tpu.memory_space<vmem>>, vector<16xf32>,
    %get3A_198 = arith.constant 64 : index
    %get3A_199 = tpu.vector_load %arg9[%get3A_198] {strides = array<i32>} : memref<128xf32, #tpu.memory_space<vmem>>, vector<16xf32>,
    %get3A_200 = arith.constant 80 : index
    %get3A_201 = tpu.vector_load %arg9[%get3A_200] {strides = array<i32>} : memref<128xf32, #tpu.memory_space<vmem>>, vector<16xf32>,
    %get3A_202 = arith.constant 96 : index
    %get3A_203 = tpu.vector_load %arg9[%get3A_202] {strides = array<i32>} : memref<128xf32, #tpu.memory_space<vmem>>, vector<16xf32>,
    %get3A_204 = arith.constant 112 : index
    %get3A_205 = tpu.vector_load %arg9[%get3A_204] {strides = array<i32>} : memref<128xf32, #tpu.memory_space<vmem>>, vector<16xf32>,
    %scan3A_206 = arith.constant 0 : i32
    %scan3A_207 = arith.constant 200 : i32
    %scan3A_208 = arith.addi %scan3A_206, %scan3A_207 : i32
    %scan3A_209 = arith.constant 2 : i32
    %scan3A_210:24 = scf.for %scan3A_532 = %scan3A_206 to %scan3A_208 step %scan3A_209 iter_args(%scan3A_533 = %get3A_159, %scan3A_534 = %get3A_161, %scan3A_535 = %get3A_163, %scan3A_536 = %get3A_165, %scan3A_537 = %get3A_167, %scan3A_538 = %get3A_169, %scan3A_539 = %get3A_171, %scan3A_540 = %get3A_173, %scan3A_541 = %get3A_175, %scan3A_542 = %get3A_177, %scan3A_543 = %get3A_179, %scan3A_544 = %get3A_181, %scan3A_545 = %get3A_183, %scan3A_546 = %get3A_185, %scan3A_547 = %get3A_187, %scan3A_548 = %get3A_189, %scan3A_549 = %get3A_191, %scan3A_550 = %get3A_193, %scan3A_551 = %get3A_195, %scan3A_552 = %get3A_197, %scan3A_553 = %get3A_199, %scan3A_554 = %get3A_201, %scan3A_555 = %get3A_203, %scan3A_556 = %get3A_205) -> (vector<16xf32>, vector<16xf32>, vector<16xf32>, vector<16xf32>, vector<16xf32>, vector<16xf32>, vector<16xf32>, vector<16xf32>, vector<16xi32>, vector<16xi32>, vector<16xi32>, vector<16xi32>, vector<16xi32>, vector<16xi32>, vector<16xi32>, vector<16xi32>, vector<16xf32>, vector<16xf32>, vector<16xf32>, vector<16xf32>, vector<16xf32>, vector<16xf32>, vector<16xf32>, vector<16xf32>)  : i32 {
      %broadcast_in_dim3A_557 = arith.constant 0 : i32
      %broadcast_in_dim3A_558 = vector.broadcast %broadcast_in_dim3A_557 : i32 to vector<16xi32>
      %add3A_559 = arith.addi %mul3A_158, %scan3A_532 : i32
      %add3A_560 = vector.broadcast %add3A_559 : i32 to vector<16xi32>
      %add3A_561 = arith.addi %broadcast_in_dim3A_558, %add3A_560 : vector<16xi32>
      %get3A_562 = arith.index_cast %scan3A_532 : i32 to index
      %get3A_563 = arith.constant 0 : index
      %get3A_564 = tpu.vector_load %arg5[%get3A_562, %get3A_563] {strides = array<i32>} : memref<200x128xf32, #tpu.memory_space<vmem>>, vector<16xf32>,
      %gt3A = arith.cmpf ogt, %get3A_564, %scan3A_533 : vector<16xf32>
      %select_n3A_565 = arith.select %gt3A, %get3A_564, %scan3A_533 : vector<16xi1>, vector<16xf32>
      %select_n3A_566 = arith.select %gt3A, %add3A_561, %scan3A_541 : vector<16xi1>, vector<16xi32>
      %exp3A = math.exp %get3A_564 : vector<16xf32>
      %add3A_567 = arith.addf %scan3A_549, %exp3A : vector<16xf32>
      %get3A_568 = arith.index_cast %scan3A_532 : i32 to index
      %get3A_569 = arith.constant 16 : index
      %get3A_570 = tpu.vector_load %arg5[%get3A_568, %get3A_569] {strides = array<i32>} : memref<200x128xf32, #tpu.memory_space<vmem>>, vector<16xf32>,
      %gt3A_571 = arith.cmpf ogt, %get3A_570, %scan3A_534 : vector<16xf32>
      %select_n3A_572 = arith.select %gt3A_571, %get3A_570, %scan3A_534 : vector<16xi1>, vector<16xf32>
      %select_n3A_573 = arith.select %gt3A_571, %add3A_561, %scan3A_542 : vector<16xi1>, vector<16xi32>
      %exp3A_574 = math.exp %get3A_570 : vector<16xf32>
      %add3A_575 = arith.addf %scan3A_550, %exp3A_574 : vector<16xf32>
      %get3A_576 = arith.index_cast %scan3A_532 : i32 to index
      %get3A_577 = arith.constant 32 : index
      %get3A_578 = tpu.vector_load %arg5[%get3A_576, %get3A_577] {strides = array<i32>} : memref<200x128xf32, #tpu.memory_space<vmem>>, vector<16xf32>,
      %gt3A_579 = arith.cmpf ogt, %get3A_578, %scan3A_535 : vector<16xf32>
      %select_n3A_580 = arith.select %gt3A_579, %get3A_578, %scan3A_535 : vector<16xi1>, vector<16xf32>
      %select_n3A_581 = arith.select %gt3A_579, %add3A_561, %scan3A_543 : vector<16xi1>, vector<16xi32>
      %exp3A_582 = math.exp %get3A_578 : vector<16xf32>
      %add3A_583 = arith.addf %scan3A_551, %exp3A_582 : vector<16xf32>
      %get3A_584 = arith.index_cast %scan3A_532 : i32 to index
      %get3A_585 = arith.constant 48 : index
      %get3A_586 = tpu.vector_load %arg5[%get3A_584, %get3A_585] {strides = array<i32>} : memref<200x128xf32, #tpu.memory_space<vmem>>, vector<16xf32>,
      %gt3A_587 = arith.cmpf ogt, %get3A_586, %scan3A_536 : vector<16xf32>
      %select_n3A_588 = arith.select %gt3A_587, %get3A_586, %scan3A_536 : vector<16xi1>, vector<16xf32>
      %select_n3A_589 = arith.select %gt3A_587, %add3A_561, %scan3A_544 : vector<16xi1>, vector<16xi32>
      %exp3A_590 = math.exp %get3A_586 : vector<16xf32>
      %add3A_591 = arith.addf %scan3A_552, %exp3A_590 : vector<16xf32>
      %get3A_592 = arith.index_cast %scan3A_532 : i32 to index
      %get3A_593 = arith.constant 64 : index
      %get3A_594 = tpu.vector_load %arg5[%get3A_592, %get3A_593] {strides = array<i32>} : memref<200x128xf32, #tpu.memory_space<vmem>>, vector<16xf32>,
      %gt3A_595 = arith.cmpf ogt, %get3A_594, %scan3A_537 : vector<16xf32>
      %select_n3A_596 = arith.select %gt3A_595, %get3A_594, %scan3A_537 : vector<16xi1>, vector<16xf32>
      %select_n3A_597 = arith.select %gt3A_595, %add3A_561, %scan3A_545 : vector<16xi1>, vector<16xi32>
      %exp3A_598 = math.exp %get3A_594 : vector<16xf32>
      %add3A_599 = arith.addf %scan3A_553, %exp3A_598 : vector<16xf32>
      %get3A_600 = arith.index_cast %scan3A_532 : i32 to index
      %get3A_601 = arith.constant 80 : index
      %get3A_602 = tpu.vector_load %arg5[%get3A_600, %get3A_601] {strides = array<i32>} : memref<200x128xf32, #tpu.memory_space<vmem>>, vector<16xf32>,
      %gt3A_603 = arith.cmpf ogt, %get3A_602, %scan3A_538 : vector<16xf32>
      %select_n3A_604 = arith.select %gt3A_603, %get3A_602, %scan3A_538 : vector<16xi1>, vector<16xf32>
      %select_n3A_605 = arith.select %gt3A_603, %add3A_561, %scan3A_546 : vector<16xi1>, vector<16xi32>
      %exp3A_606 = math.exp %get3A_602 : vector<16xf32>
      %add3A_607 = arith.addf %scan3A_554, %exp3A_606 : vector<16xf32>
      %get3A_608 = arith.index_cast %scan3A_532 : i32 to index
      %get3A_609 = arith.constant 96 : index
      %get3A_610 = tpu.vector_load %arg5[%get3A_608, %get3A_609] {strides = array<i32>} : memref<200x128xf32, #tpu.memory_space<vmem>>, vector<16xf32>,
      %gt3A_611 = arith.cmpf ogt, %get3A_610, %scan3A_539 : vector<16xf32>
      %select_n3A_612 = arith.select %gt3A_611, %get3A_610, %scan3A_539 : vector<16xi1>, vector<16xf32>
      %select_n3A_613 = arith.select %gt3A_611, %add3A_561, %scan3A_547 : vector<16xi1>, vector<16xi32>
      %exp3A_614 = math.exp %get3A_610 : vector<16xf32>
      %add3A_615 = arith.addf %scan3A_555, %exp3A_614 : vector<16xf32>
      %get3A_616 = arith.index_cast %scan3A_532 : i32 to index
      %get3A_617 = arith.constant 112 : index
      %get3A_618 = tpu.vector_load %arg5[%get3A_616, %get3A_617] {strides = array<i32>} : memref<200x128xf32, #tpu.memory_space<vmem>>, vector<16xf32>,
      %gt3A_619 = arith.cmpf ogt, %get3A_618, %scan3A_540 : vector<16xf32>
      %select_n3A_620 = arith.select %gt3A_619, %get3A_618, %scan3A_540 : vector<16xi1>, vector<16xf32>
      %select_n3A_621 = arith.select %gt3A_619, %add3A_561, %scan3A_548 : vector<16xi1>, vector<16xi32>
      %exp3A_622 = math.exp %get3A_618 : vector<16xf32>
      %add3A_623 = arith.addf %scan3A_556, %exp3A_622 : vector<16xf32>
      %scan3A_624 = arith.constant 1 : i32
      %scan3A_625 = arith.addi %scan3A_532, %scan3A_624 : i32
      %broadcast_in_dim3A_626 = arith.constant 0 : i32
      %broadcast_in_dim3A_627 = vector.broadcast %broadcast_in_dim3A_626 : i32 to vector<16xi32>
      %add3A_628 = arith.addi %mul3A_158, %scan3A_625 : i32
      %add3A_629 = vector.broadcast %add3A_628 : i32 to vector<16xi32>
      %add3A_630 = arith.addi %broadcast_in_dim3A_627, %add3A_629 : vector<16xi32>
      %get3A_631 = arith.index_cast %scan3A_625 : i32 to index
      %get3A_632 = arith.constant 0 : index
      %get3A_633 = tpu.vector_load %arg5[%get3A_631, %get3A_632] {strides = array<i32>} : memref<200x128xf32, #tpu.memory_space<vmem>>, vector<16xf32>,
      %gt3A_634 = arith.cmpf ogt, %get3A_633, %select_n3A_565 : vector<16xf32>
      %select_n3A_635 = arith.select %gt3A_634, %get3A_633, %select_n3A_565 : vector<16xi1>, vector<16xf32>
      %select_n3A_636 = arith.select %gt3A_634, %add3A_630, %select_n3A_566 : vector<16xi1>, vector<16xi32>
      %exp3A_637 = math.exp %get3A_633 : vector<16xf32>
      %add3A_638 = arith.addf %add3A_567, %exp3A_637 : vector<16xf32>
      %get3A_639 = arith.index_cast %scan3A_625 : i32 to index
      %get3A_640 = arith.constant 16 : index
      %get3A_641 = tpu.vector_load %arg5[%get3A_639, %get3A_640] {strides = array<i32>} : memref<200x128xf32, #tpu.memory_space<vmem>>, vector<16xf32>,
      %gt3A_642 = arith.cmpf ogt, %get3A_641, %select_n3A_572 : vector<16xf32>
      %select_n3A_643 = arith.select %gt3A_642, %get3A_641, %select_n3A_572 : vector<16xi1>, vector<16xf32>
      %select_n3A_644 = arith.select %gt3A_642, %add3A_630, %select_n3A_573 : vector<16xi1>, vector<16xi32>
      %exp3A_645 = math.exp %get3A_641 : vector<16xf32>
      %add3A_646 = arith.addf %add3A_575, %exp3A_645 : vector<16xf32>
      %get3A_647 = arith.index_cast %scan3A_625 : i32 to index
      %get3A_648 = arith.constant 32 : index
      %get3A_649 = tpu.vector_load %arg5[%get3A_647, %get3A_648] {strides = array<i32>} : memref<200x128xf32, #tpu.memory_space<vmem>>, vector<16xf32>,
      %gt3A_650 = arith.cmpf ogt, %get3A_649, %select_n3A_580 : vector<16xf32>
      %select_n3A_651 = arith.select %gt3A_650, %get3A_649, %select_n3A_580 : vector<16xi1>, vector<16xf32>
      %select_n3A_652 = arith.select %gt3A_650, %add3A_630, %select_n3A_581 : vector<16xi1>, vector<16xi32>
      %exp3A_653 = math.exp %get3A_649 : vector<16xf32>
      %add3A_654 = arith.addf %add3A_583, %exp3A_653 : vector<16xf32>
      %get3A_655 = arith.index_cast %scan3A_625 : i32 to index
      %get3A_656 = arith.constant 48 : index
      %get3A_657 = tpu.vector_load %arg5[%get3A_655, %get3A_656] {strides = array<i32>} : memref<200x128xf32, #tpu.memory_space<vmem>>, vector<16xf32>,
      %gt3A_658 = arith.cmpf ogt, %get3A_657, %select_n3A_588 : vector<16xf32>
      %select_n3A_659 = arith.select %gt3A_658, %get3A_657, %select_n3A_588 : vector<16xi1>, vector<16xf32>
      %select_n3A_660 = arith.select %gt3A_658, %add3A_630, %select_n3A_589 : vector<16xi1>, vector<16xi32>
      %exp3A_661 = math.exp %get3A_657 : vector<16xf32>
      %add3A_662 = arith.addf %add3A_591, %exp3A_661 : vector<16xf32>
      %get3A_663 = arith.index_cast %scan3A_625 : i32 to index
      %get3A_664 = arith.constant 64 : index
      %get3A_665 = tpu.vector_load %arg5[%get3A_663, %get3A_664] {strides = array<i32>} : memref<200x128xf32, #tpu.memory_space<vmem>>, vector<16xf32>,
      %gt3A_666 = arith.cmpf ogt, %get3A_665, %select_n3A_596 : vector<16xf32>
      %select_n3A_667 = arith.select %gt3A_666, %get3A_665, %select_n3A_596 : vector<16xi1>, vector<16xf32>
      %select_n3A_668 = arith.select %gt3A_666, %add3A_630, %select_n3A_597 : vector<16xi1>, vector<16xi32>
      %exp3A_669 = math.exp %get3A_665 : vector<16xf32>
      %add3A_670 = arith.addf %add3A_599, %exp3A_669 : vector<16xf32>
      %get3A_671 = arith.index_cast %scan3A_625 : i32 to index
      %get3A_672 = arith.constant 80 : index
      %get3A_673 = tpu.vector_load %arg5[%get3A_671, %get3A_672] {strides = array<i32>} : memref<200x128xf32, #tpu.memory_space<vmem>>, vector<16xf32>,
      %gt3A_674 = arith.cmpf ogt, %get3A_673, %select_n3A_604 : vector<16xf32>
      %select_n3A_675 = arith.select %gt3A_674, %get3A_673, %select_n3A_604 : vector<16xi1>, vector<16xf32>
      %select_n3A_676 = arith.select %gt3A_674, %add3A_630, %select_n3A_605 : vector<16xi1>, vector<16xi32>
      %exp3A_677 = math.exp %get3A_673 : vector<16xf32>
      %add3A_678 = arith.addf %add3A_607, %exp3A_677 : vector<16xf32>
      %get3A_679 = arith.index_cast %scan3A_625 : i32 to index
      %get3A_680 = arith.constant 96 : index
      %get3A_681 = tpu.vector_load %arg5[%get3A_679, %get3A_680] {strides = array<i32>} : memref<200x128xf32, #tpu.memory_space<vmem>>, vector<16xf32>,
      %gt3A_682 = arith.cmpf ogt, %get3A_681, %select_n3A_612 : vector<16xf32>
      %select_n3A_683 = arith.select %gt3A_682, %get3A_681, %select_n3A_612 : vector<16xi1>, vector<16xf32>
      %select_n3A_684 = arith.select %gt3A_682, %add3A_630, %select_n3A_613 : vector<16xi1>, vector<16xi32>
      %exp3A_685 = math.exp %get3A_681 : vector<16xf32>
      %add3A_686 = arith.addf %add3A_615, %exp3A_685 : vector<16xf32>
      %get3A_687 = arith.index_cast %scan3A_625 : i32 to index
      %get3A_688 = arith.constant 112 : index
      %get3A_689 = tpu.vector_load %arg5[%get3A_687, %get3A_688] {strides = array<i32>} : memref<200x128xf32, #tpu.memory_space<vmem>>, vector<16xf32>,
      %gt3A_690 = arith.cmpf ogt, %get3A_689, %select_n3A_620 : vector<16xf32>
      %select_n3A_691 = arith.select %gt3A_690, %get3A_689, %select_n3A_620 : vector<16xi1>, vector<16xf32>
      %select_n3A_692 = arith.select %gt3A_690, %add3A_630, %select_n3A_621 : vector<16xi1>, vector<16xi32>
      %exp3A_693 = math.exp %get3A_689 : vector<16xf32>
      %add3A_694 = arith.addf %add3A_623, %exp3A_693 : vector<16xf32>
      scf.yield %select_n3A_635, %select_n3A_643, %select_n3A_651, %select_n3A_659, %select_n3A_667, %select_n3A_675, %select_n3A_683, %select_n3A_691, %select_n3A_636, %select_n3A_644, %select_n3A_652, %select_n3A_660, %select_n3A_668, %select_n3A_676, %select_n3A_684, %select_n3A_692, %add3A_638, %add3A_646, %add3A_654, %add3A_662, %add3A_670, %add3A_678, %add3A_686, %add3A_694 : vector<16xf32>, vector<16xf32>, vector<16xf32>, vector<16xf32>, vector<16xf32>, vector<16xf32>, vector<16xf32>, vector<16xf32>, vector<16xi32>, vector<16xi32>, vector<16xi32>, vector<16xi32>, vector<16xi32>, vector<16xi32>, vector<16xi32>, vector<16xi32>, vector<16xf32>, vector<16xf32>, vector<16xf32>, vector<16xf32>, vector<16xf32>, vector<16xf32>, vector<16xf32>, vector<16xf32>
    }
    %scan3A_211 = arith.constant 200 : i32
    %swap3A_212 = arith.constant 0 : index
    %swap3A_213 = tpu.vector_load %arg8[%swap3A_212] {strides = array<i32>} : memref<128xf32, #tpu.memory_space<vmem>>, vector<16xf32>,
    tpu.vector_store %arg8[%swap3A_212], %scan3A_210#0 {strides = array<i32>} : memref<128xf32, #tpu.memory_space<vmem>>, vector<16xf32>,
    %swap3A_214 = arith.constant 0 : index
    %swap3A_215 = tpu.vector_load %arg11[%swap3A_214] {strides = array<i32>} : memref<128xi32, #tpu.memory_space<vmem>>, vector<16xi32>,
    tpu.vector_store %arg11[%swap3A_214], %scan3A_210#8 {strides = array<i32>} : memref<128xi32, #tpu.memory_space<vmem>>, vector<16xi32>,
    %swap3A_216 = arith.constant 0 : index
    %swap3A_217 = tpu.vector_load %arg9[%swap3A_216] {strides = array<i32>} : memref<128xf32, #tpu.memory_space<vmem>>, vector<16xf32>,
    tpu.vector_store %arg9[%swap3A_216], %scan3A_210#16 {strides = array<i32>} : memref<128xf32, #tpu.memory_space<vmem>>, vector<16xf32>,
    %get3A_218 = arith.constant 0 : index
    %get3A_219 = tpu.vector_load %arg7[%get3A_218] {strides = array<i32>} : memref<128xi32, #tpu.memory_space<vmem>>, vector<16xi32>,
    %sub3A = vector.broadcast %mul3A_158 : i32 to vector<16xi32>
    %sub3A_220 = arith.subi %get3A_219, %sub3A : vector<16xi32>
    %ge3A = arith.constant 0 : i32
    %ge3A_221 = vector.broadcast %ge3A : i32 to vector<16xi32>
    %ge3A_222 = arith.cmpi sge, %sub3A_220, %ge3A_221 : vector<16xi32>
    %lt3A_223 = arith.constant 200 : i32
    %lt3A_224 = vector.broadcast %lt3A_223 : i32 to vector<16xi32>
    %lt3A_225 = arith.cmpi slt, %sub3A_220, %lt3A_224 : vector<16xi32>
    %and3A = arith.andi %ge3A_222, %lt3A_225 : vector<16xi1>
    %jit3A = arith.constant 0 : i32
    %jit3A_226 = arith.constant 199 : i32
    %max3A = vector.broadcast %jit3A : i32 to vector<16xi32>
    %max3A_227 = arith.maxsi %max3A, %sub3A_220 : vector<16xi32>
    %min3A = vector.broadcast %jit3A_226 : i32 to vector<16xi32>
    %min3A_228 = arith.minsi %min3A, %max3A_227 : vector<16xi32>
    %add3A_229 = arith.constant 0 : i32
    %add3A_230 = vector.broadcast %add3A_229 : i32 to vector<16xi32>
    %add3A_231 = arith.addi %add3A_230, %iota3A : vector<16xi32>
    %gather3A = tpu.vector_load_idx %arg5[%min3A_228, %add3A_231] : memref<200x128xf32, #tpu.memory_space<vmem>>[vector<16xi32>, vector<16xi32>], vector<16xf32>,
    %get3A_232 = arith.constant 0 : index
    %get3A_233 = tpu.vector_load %arg10[%get3A_232] {strides = array<i32>} : memref<128xf32, #tpu.memory_space<vmem>>, vector<16xf32>,
    %jit3A_234 = arith.constant 0.000000e+00 : f32
    %broadcast_in_dim3A_235 = vector.broadcast %jit3A_234 : f32 to vector<16xf32>
    %select_n3A = arith.select %and3A, %gather3A, %broadcast_in_dim3A_235 : vector<16xi1>, vector<16xf32>
    %add3A_236 = arith.addf %get3A_233, %select_n3A : vector<16xf32>
    %swap3A_237 = arith.constant 0 : index
    %swap3A_238 = tpu.vector_load %arg10[%swap3A_237] {strides = array<i32>} : memref<128xf32, #tpu.memory_space<vmem>>, vector<16xf32>,
    tpu.vector_store %arg10[%swap3A_237], %add3A_236 {strides = array<i32>} : memref<128xf32, #tpu.memory_space<vmem>>, vector<16xf32>,
    %swap3A_239 = arith.constant 16 : index
    %swap3A_240 = tpu.vector_load %arg8[%swap3A_239] {strides = array<i32>} : memref<128xf32, #tpu.memory_space<vmem>>, vector<16xf32>,
    tpu.vector_store %arg8[%swap3A_239], %scan3A_210#1 {strides = array<i32>} : memref<128xf32, #tpu.memory_space<vmem>>, vector<16xf32>,
    %swap3A_241 = arith.constant 16 : index
    %swap3A_242 = tpu.vector_load %arg11[%swap3A_241] {strides = array<i32>} : memref<128xi32, #tpu.memory_space<vmem>>, vector<16xi32>,
    tpu.vector_store %arg11[%swap3A_241], %scan3A_210#9 {strides = array<i32>} : memref<128xi32, #tpu.memory_space<vmem>>, vector<16xi32>,
    %swap3A_243 = arith.constant 16 : index
    %swap3A_244 = tpu.vector_load %arg9[%swap3A_243] {strides = array<i32>} : memref<128xf32, #tpu.memory_space<vmem>>, vector<16xf32>,
    tpu.vector_store %arg9[%swap3A_243], %scan3A_210#17 {strides = array<i32>} : memref<128xf32, #tpu.memory_space<vmem>>, vector<16xf32>,
    %get3A_245 = arith.constant 16 : index
    %get3A_246 = tpu.vector_load %arg7[%get3A_245] {strides = array<i32>} : memref<128xi32, #tpu.memory_space<vmem>>, vector<16xi32>,
    %sub3A_247 = vector.broadcast %mul3A_158 : i32 to vector<16xi32>
    %sub3A_248 = arith.subi %get3A_246, %sub3A_247 : vector<16xi32>
    %ge3A_249 = arith.constant 0 : i32
    %ge3A_250 = vector.broadcast %ge3A_249 : i32 to vector<16xi32>
    %ge3A_251 = arith.cmpi sge, %sub3A_248, %ge3A_250 : vector<16xi32>
    %lt3A_252 = arith.constant 200 : i32
    %lt3A_253 = vector.broadcast %lt3A_252 : i32 to vector<16xi32>
    %lt3A_254 = arith.cmpi slt, %sub3A_248, %lt3A_253 : vector<16xi32>
    %and3A_255 = arith.andi %ge3A_251, %lt3A_254 : vector<16xi1>
    %jit3A_256 = arith.constant 0 : i32
    %jit3A_257 = arith.constant 199 : i32
    %max3A_258 = vector.broadcast %jit3A_256 : i32 to vector<16xi32>
    %max3A_259 = arith.maxsi %max3A_258, %sub3A_248 : vector<16xi32>
    %min3A_260 = vector.broadcast %jit3A_257 : i32 to vector<16xi32>
    %min3A_261 = arith.minsi %min3A_260, %max3A_259 : vector<16xi32>
    %add3A_262 = arith.constant 16 : i32
    %add3A_263 = vector.broadcast %add3A_262 : i32 to vector<16xi32>
    %add3A_264 = arith.addi %add3A_263, %iota3A : vector<16xi32>
    %gather3A_265 = tpu.vector_load_idx %arg5[%min3A_261, %add3A_264] : memref<200x128xf32, #tpu.memory_space<vmem>>[vector<16xi32>, vector<16xi32>], vector<16xf32>,
    %get3A_266 = arith.constant 16 : index
    %get3A_267 = tpu.vector_load %arg10[%get3A_266] {strides = array<i32>} : memref<128xf32, #tpu.memory_space<vmem>>, vector<16xf32>,
    %jit3A_268 = arith.constant 0.000000e+00 : f32
    %broadcast_in_dim3A_269 = vector.broadcast %jit3A_268 : f32 to vector<16xf32>
    %select_n3A_270 = arith.select %and3A_255, %gather3A_265, %broadcast_in_dim3A_269 : vector<16xi1>, vector<16xf32>
    %add3A_271 = arith.addf %get3A_267, %select_n3A_270 : vector<16xf32>
    %swap3A_272 = arith.constant 16 : index
    %swap3A_273 = tpu.vector_load %arg10[%swap3A_272] {strides = array<i32>} : memref<128xf32, #tpu.memory_space<vmem>>, vector<16xf32>,
    tpu.vector_store %arg10[%swap3A_272], %add3A_271 {strides = array<i32>} : memref<128xf32, #tpu.memory_space<vmem>>, vector<16xf32>,
    %swap3A_274 = arith.constant 32 : index
    %swap3A_275 = tpu.vector_load %arg8[%swap3A_274] {strides = array<i32>} : memref<128xf32, #tpu.memory_space<vmem>>, vector<16xf32>,
    tpu.vector_store %arg8[%swap3A_274], %scan3A_210#2 {strides = array<i32>} : memref<128xf32, #tpu.memory_space<vmem>>, vector<16xf32>,
    %swap3A_276 = arith.constant 32 : index
    %swap3A_277 = tpu.vector_load %arg11[%swap3A_276] {strides = array<i32>} : memref<128xi32, #tpu.memory_space<vmem>>, vector<16xi32>,
    tpu.vector_store %arg11[%swap3A_276], %scan3A_210#10 {strides = array<i32>} : memref<128xi32, #tpu.memory_space<vmem>>, vector<16xi32>,
    %swap3A_278 = arith.constant 32 : index
    %swap3A_279 = tpu.vector_load %arg9[%swap3A_278] {strides = array<i32>} : memref<128xf32, #tpu.memory_space<vmem>>, vector<16xf32>,
    tpu.vector_store %arg9[%swap3A_278], %scan3A_210#18 {strides = array<i32>} : memref<128xf32, #tpu.memory_space<vmem>>, vector<16xf32>,
    %get3A_280 = arith.constant 32 : index
    %get3A_281 = tpu.vector_load %arg7[%get3A_280] {strides = array<i32>} : memref<128xi32, #tpu.memory_space<vmem>>, vector<16xi32>,
    %sub3A_282 = vector.broadcast %mul3A_158 : i32 to vector<16xi32>
    %sub3A_283 = arith.subi %get3A_281, %sub3A_282 : vector<16xi32>
    %ge3A_284 = arith.constant 0 : i32
    %ge3A_285 = vector.broadcast %ge3A_284 : i32 to vector<16xi32>
    %ge3A_286 = arith.cmpi sge, %sub3A_283, %ge3A_285 : vector<16xi32>
    %lt3A_287 = arith.constant 200 : i32
    %lt3A_288 = vector.broadcast %lt3A_287 : i32 to vector<16xi32>
    %lt3A_289 = arith.cmpi slt, %sub3A_283, %lt3A_288 : vector<16xi32>
    %and3A_290 = arith.andi %ge3A_286, %lt3A_289 : vector<16xi1>
    %jit3A_291 = arith.constant 0 : i32
    %jit3A_292 = arith.constant 199 : i32
    %max3A_293 = vector.broadcast %jit3A_291 : i32 to vector<16xi32>
    %max3A_294 = arith.maxsi %max3A_293, %sub3A_283 : vector<16xi32>
    %min3A_295 = vector.broadcast %jit3A_292 : i32 to vector<16xi32>
    %min3A_296 = arith.minsi %min3A_295, %max3A_294 : vector<16xi32>
    %add3A_297 = arith.constant 32 : i32
    %add3A_298 = vector.broadcast %add3A_297 : i32 to vector<16xi32>
    %add3A_299 = arith.addi %add3A_298, %iota3A : vector<16xi32>
    %gather3A_300 = tpu.vector_load_idx %arg5[%min3A_296, %add3A_299] : memref<200x128xf32, #tpu.memory_space<vmem>>[vector<16xi32>, vector<16xi32>], vector<16xf32>,
    %get3A_301 = arith.constant 32 : index
    %get3A_302 = tpu.vector_load %arg10[%get3A_301] {strides = array<i32>} : memref<128xf32, #tpu.memory_space<vmem>>, vector<16xf32>,
    %jit3A_303 = arith.constant 0.000000e+00 : f32
    %broadcast_in_dim3A_304 = vector.broadcast %jit3A_303 : f32 to vector<16xf32>
    %select_n3A_305 = arith.select %and3A_290, %gather3A_300, %broadcast_in_dim3A_304 : vector<16xi1>, vector<16xf32>
    %add3A_306 = arith.addf %get3A_302, %select_n3A_305 : vector<16xf32>
    %swap3A_307 = arith.constant 32 : index
    %swap3A_308 = tpu.vector_load %arg10[%swap3A_307] {strides = array<i32>} : memref<128xf32, #tpu.memory_space<vmem>>, vector<16xf32>,
    tpu.vector_store %arg10[%swap3A_307], %add3A_306 {strides = array<i32>} : memref<128xf32, #tpu.memory_space<vmem>>, vector<16xf32>,
    %swap3A_309 = arith.constant 48 : index
    %swap3A_310 = tpu.vector_load %arg8[%swap3A_309] {strides = array<i32>} : memref<128xf32, #tpu.memory_space<vmem>>, vector<16xf32>,
    tpu.vector_store %arg8[%swap3A_309], %scan3A_210#3 {strides = array<i32>} : memref<128xf32, #tpu.memory_space<vmem>>, vector<16xf32>,
    %swap3A_311 = arith.constant 48 : index
    %swap3A_312 = tpu.vector_load %arg11[%swap3A_311] {strides = array<i32>} : memref<128xi32, #tpu.memory_space<vmem>>, vector<16xi32>,
    tpu.vector_store %arg11[%swap3A_311], %scan3A_210#11 {strides = array<i32>} : memref<128xi32, #tpu.memory_space<vmem>>, vector<16xi32>,
    %swap3A_313 = arith.constant 48 : index
    %swap3A_314 = tpu.vector_load %arg9[%swap3A_313] {strides = array<i32>} : memref<128xf32, #tpu.memory_space<vmem>>, vector<16xf32>,
    tpu.vector_store %arg9[%swap3A_313], %scan3A_210#19 {strides = array<i32>} : memref<128xf32, #tpu.memory_space<vmem>>, vector<16xf32>,
    %get3A_315 = arith.constant 48 : index
    %get3A_316 = tpu.vector_load %arg7[%get3A_315] {strides = array<i32>} : memref<128xi32, #tpu.memory_space<vmem>>, vector<16xi32>,
    %sub3A_317 = vector.broadcast %mul3A_158 : i32 to vector<16xi32>
    %sub3A_318 = arith.subi %get3A_316, %sub3A_317 : vector<16xi32>
    %ge3A_319 = arith.constant 0 : i32
    %ge3A_320 = vector.broadcast %ge3A_319 : i32 to vector<16xi32>
    %ge3A_321 = arith.cmpi sge, %sub3A_318, %ge3A_320 : vector<16xi32>
    %lt3A_322 = arith.constant 200 : i32
    %lt3A_323 = vector.broadcast %lt3A_322 : i32 to vector<16xi32>
    %lt3A_324 = arith.cmpi slt, %sub3A_318, %lt3A_323 : vector<16xi32>
    %and3A_325 = arith.andi %ge3A_321, %lt3A_324 : vector<16xi1>
    %jit3A_326 = arith.constant 0 : i32
    %jit3A_327 = arith.constant 199 : i32
    %max3A_328 = vector.broadcast %jit3A_326 : i32 to vector<16xi32>
    %max3A_329 = arith.maxsi %max3A_328, %sub3A_318 : vector<16xi32>
    %min3A_330 = vector.broadcast %jit3A_327 : i32 to vector<16xi32>
    %min3A_331 = arith.minsi %min3A_330, %max3A_329 : vector<16xi32>
    %add3A_332 = arith.constant 48 : i32
    %add3A_333 = vector.broadcast %add3A_332 : i32 to vector<16xi32>
    %add3A_334 = arith.addi %add3A_333, %iota3A : vector<16xi32>
    %gather3A_335 = tpu.vector_load_idx %arg5[%min3A_331, %add3A_334] : memref<200x128xf32, #tpu.memory_space<vmem>>[vector<16xi32>, vector<16xi32>], vector<16xf32>,
    %get3A_336 = arith.constant 48 : index
    %get3A_337 = tpu.vector_load %arg10[%get3A_336] {strides = array<i32>} : memref<128xf32, #tpu.memory_space<vmem>>, vector<16xf32>,
    %jit3A_338 = arith.constant 0.000000e+00 : f32
    %broadcast_in_dim3A_339 = vector.broadcast %jit3A_338 : f32 to vector<16xf32>
    %select_n3A_340 = arith.select %and3A_325, %gather3A_335, %broadcast_in_dim3A_339 : vector<16xi1>, vector<16xf32>
    %add3A_341 = arith.addf %get3A_337, %select_n3A_340 : vector<16xf32>
    %swap3A_342 = arith.constant 48 : index
    %swap3A_343 = tpu.vector_load %arg10[%swap3A_342] {strides = array<i32>} : memref<128xf32, #tpu.memory_space<vmem>>, vector<16xf32>,
    tpu.vector_store %arg10[%swap3A_342], %add3A_341 {strides = array<i32>} : memref<128xf32, #tpu.memory_space<vmem>>, vector<16xf32>,
    %swap3A_344 = arith.constant 64 : index
    %swap3A_345 = tpu.vector_load %arg8[%swap3A_344] {strides = array<i32>} : memref<128xf32, #tpu.memory_space<vmem>>, vector<16xf32>,
    tpu.vector_store %arg8[%swap3A_344], %scan3A_210#4 {strides = array<i32>} : memref<128xf32, #tpu.memory_space<vmem>>, vector<16xf32>,
    %swap3A_346 = arith.constant 64 : index
    %swap3A_347 = tpu.vector_load %arg11[%swap3A_346] {strides = array<i32>} : memref<128xi32, #tpu.memory_space<vmem>>, vector<16xi32>,
    tpu.vector_store %arg11[%swap3A_346], %scan3A_210#12 {strides = array<i32>} : memref<128xi32, #tpu.memory_space<vmem>>, vector<16xi32>,
    %swap3A_348 = arith.constant 64 : index
    %swap3A_349 = tpu.vector_load %arg9[%swap3A_348] {strides = array<i32>} : memref<128xf32, #tpu.memory_space<vmem>>, vector<16xf32>,
    tpu.vector_store %arg9[%swap3A_348], %scan3A_210#20 {strides = array<i32>} : memref<128xf32, #tpu.memory_space<vmem>>, vector<16xf32>,
    %get3A_350 = arith.constant 64 : index
    %get3A_351 = tpu.vector_load %arg7[%get3A_350] {strides = array<i32>} : memref<128xi32, #tpu.memory_space<vmem>>, vector<16xi32>,
    %sub3A_352 = vector.broadcast %mul3A_158 : i32 to vector<16xi32>
    %sub3A_353 = arith.subi %get3A_351, %sub3A_352 : vector<16xi32>
    %ge3A_354 = arith.constant 0 : i32
    %ge3A_355 = vector.broadcast %ge3A_354 : i32 to vector<16xi32>
    %ge3A_356 = arith.cmpi sge, %sub3A_353, %ge3A_355 : vector<16xi32>
    %lt3A_357 = arith.constant 200 : i32
    %lt3A_358 = vector.broadcast %lt3A_357 : i32 to vector<16xi32>
    %lt3A_359 = arith.cmpi slt, %sub3A_353, %lt3A_358 : vector<16xi32>
    %and3A_360 = arith.andi %ge3A_356, %lt3A_359 : vector<16xi1>
    %jit3A_361 = arith.constant 0 : i32
    %jit3A_362 = arith.constant 199 : i32
    %max3A_363 = vector.broadcast %jit3A_361 : i32 to vector<16xi32>
    %max3A_364 = arith.maxsi %max3A_363, %sub3A_353 : vector<16xi32>
    %min3A_365 = vector.broadcast %jit3A_362 : i32 to vector<16xi32>
    %min3A_366 = arith.minsi %min3A_365, %max3A_364 : vector<16xi32>
    %add3A_367 = arith.constant 64 : i32
    %add3A_368 = vector.broadcast %add3A_367 : i32 to vector<16xi32>
    %add3A_369 = arith.addi %add3A_368, %iota3A : vector<16xi32>
    %gather3A_370 = tpu.vector_load_idx %arg5[%min3A_366, %add3A_369] : memref<200x128xf32, #tpu.memory_space<vmem>>[vector<16xi32>, vector<16xi32>], vector<16xf32>,
    %get3A_371 = arith.constant 64 : index
    %get3A_372 = tpu.vector_load %arg10[%get3A_371] {strides = array<i32>} : memref<128xf32, #tpu.memory_space<vmem>>, vector<16xf32>,
    %jit3A_373 = arith.constant 0.000000e+00 : f32
    %broadcast_in_dim3A_374 = vector.broadcast %jit3A_373 : f32 to vector<16xf32>
    %select_n3A_375 = arith.select %and3A_360, %gather3A_370, %broadcast_in_dim3A_374 : vector<16xi1>, vector<16xf32>
    %add3A_376 = arith.addf %get3A_372, %select_n3A_375 : vector<16xf32>
    %swap3A_377 = arith.constant 64 : index
    %swap3A_378 = tpu.vector_load %arg10[%swap3A_377] {strides = array<i32>} : memref<128xf32, #tpu.memory_space<vmem>>, vector<16xf32>,
    tpu.vector_store %arg10[%swap3A_377], %add3A_376 {strides = array<i32>} : memref<128xf32, #tpu.memory_space<vmem>>, vector<16xf32>,
    %swap3A_379 = arith.constant 80 : index
    %swap3A_380 = tpu.vector_load %arg8[%swap3A_379] {strides = array<i32>} : memref<128xf32, #tpu.memory_space<vmem>>, vector<16xf32>,
    tpu.vector_store %arg8[%swap3A_379], %scan3A_210#5 {strides = array<i32>} : memref<128xf32, #tpu.memory_space<vmem>>, vector<16xf32>,
    %swap3A_381 = arith.constant 80 : index
    %swap3A_382 = tpu.vector_load %arg11[%swap3A_381] {strides = array<i32>} : memref<128xi32, #tpu.memory_space<vmem>>, vector<16xi32>,
    tpu.vector_store %arg11[%swap3A_381], %scan3A_210#13 {strides = array<i32>} : memref<128xi32, #tpu.memory_space<vmem>>, vector<16xi32>,
    %swap3A_383 = arith.constant 80 : index
    %swap3A_384 = tpu.vector_load %arg9[%swap3A_383] {strides = array<i32>} : memref<128xf32, #tpu.memory_space<vmem>>, vector<16xf32>,
    tpu.vector_store %arg9[%swap3A_383], %scan3A_210#21 {strides = array<i32>} : memref<128xf32, #tpu.memory_space<vmem>>, vector<16xf32>,
    %get3A_385 = arith.constant 80 : index
    %get3A_386 = tpu.vector_load %arg7[%get3A_385] {strides = array<i32>} : memref<128xi32, #tpu.memory_space<vmem>>, vector<16xi32>,
    %sub3A_387 = vector.broadcast %mul3A_158 : i32 to vector<16xi32>
    %sub3A_388 = arith.subi %get3A_386, %sub3A_387 : vector<16xi32>
    %ge3A_389 = arith.constant 0 : i32
    %ge3A_390 = vector.broadcast %ge3A_389 : i32 to vector<16xi32>
    %ge3A_391 = arith.cmpi sge, %sub3A_388, %ge3A_390 : vector<16xi32>
    %lt3A_392 = arith.constant 200 : i32
    %lt3A_393 = vector.broadcast %lt3A_392 : i32 to vector<16xi32>
    %lt3A_394 = arith.cmpi slt, %sub3A_388, %lt3A_393 : vector<16xi32>
    %and3A_395 = arith.andi %ge3A_391, %lt3A_394 : vector<16xi1>
    %jit3A_396 = arith.constant 0 : i32
    %jit3A_397 = arith.constant 199 : i32
    %max3A_398 = vector.broadcast %jit3A_396 : i32 to vector<16xi32>
    %max3A_399 = arith.maxsi %max3A_398, %sub3A_388 : vector<16xi32>
    %min3A_400 = vector.broadcast %jit3A_397 : i32 to vector<16xi32>
    %min3A_401 = arith.minsi %min3A_400, %max3A_399 : vector<16xi32>
    %add3A_402 = arith.constant 80 : i32
    %add3A_403 = vector.broadcast %add3A_402 : i32 to vector<16xi32>
    %add3A_404 = arith.addi %add3A_403, %iota3A : vector<16xi32>
    %gather3A_405 = tpu.vector_load_idx %arg5[%min3A_401, %add3A_404] : memref<200x128xf32, #tpu.memory_space<vmem>>[vector<16xi32>, vector<16xi32>], vector<16xf32>,
    %get3A_406 = arith.constant 80 : index
    %get3A_407 = tpu.vector_load %arg10[%get3A_406] {strides = array<i32>} : memref<128xf32, #tpu.memory_space<vmem>>, vector<16xf32>,
    %jit3A_408 = arith.constant 0.000000e+00 : f32
    %broadcast_in_dim3A_409 = vector.broadcast %jit3A_408 : f32 to vector<16xf32>
    %select_n3A_410 = arith.select %and3A_395, %gather3A_405, %broadcast_in_dim3A_409 : vector<16xi1>, vector<16xf32>
    %add3A_411 = arith.addf %get3A_407, %select_n3A_410 : vector<16xf32>
    %swap3A_412 = arith.constant 80 : index
    %swap3A_413 = tpu.vector_load %arg10[%swap3A_412] {strides = array<i32>} : memref<128xf32, #tpu.memory_space<vmem>>, vector<16xf32>,
    tpu.vector_store %arg10[%swap3A_412], %add3A_411 {strides = array<i32>} : memref<128xf32, #tpu.memory_space<vmem>>, vector<16xf32>,
    %swap3A_414 = arith.constant 96 : index
    %swap3A_415 = tpu.vector_load %arg8[%swap3A_414] {strides = array<i32>} : memref<128xf32, #tpu.memory_space<vmem>>, vector<16xf32>,
    tpu.vector_store %arg8[%swap3A_414], %scan3A_210#6 {strides = array<i32>} : memref<128xf32, #tpu.memory_space<vmem>>, vector<16xf32>,
    %swap3A_416 = arith.constant 96 : index
    %swap3A_417 = tpu.vector_load %arg11[%swap3A_416] {strides = array<i32>} : memref<128xi32, #tpu.memory_space<vmem>>, vector<16xi32>,
    tpu.vector_store %arg11[%swap3A_416], %scan3A_210#14 {strides = array<i32>} : memref<128xi32, #tpu.memory_space<vmem>>, vector<16xi32>,
    %swap3A_418 = arith.constant 96 : index
    %swap3A_419 = tpu.vector_load %arg9[%swap3A_418] {strides = array<i32>} : memref<128xf32, #tpu.memory_space<vmem>>, vector<16xf32>,
    tpu.vector_store %arg9[%swap3A_418], %scan3A_210#22 {strides = array<i32>} : memref<128xf32, #tpu.memory_space<vmem>>, vector<16xf32>,
    %get3A_420 = arith.constant 96 : index
    %get3A_421 = tpu.vector_load %arg7[%get3A_420] {strides = array<i32>} : memref<128xi32, #tpu.memory_space<vmem>>, vector<16xi32>,
    %sub3A_422 = vector.broadcast %mul3A_158 : i32 to vector<16xi32>
    %sub3A_423 = arith.subi %get3A_421, %sub3A_422 : vector<16xi32>
    %ge3A_424 = arith.constant 0 : i32
    %ge3A_425 = vector.broadcast %ge3A_424 : i32 to vector<16xi32>
    %ge3A_426 = arith.cmpi sge, %sub3A_423, %ge3A_425 : vector<16xi32>
    %lt3A_427 = arith.constant 200 : i32
    %lt3A_428 = vector.broadcast %lt3A_427 : i32 to vector<16xi32>
    %lt3A_429 = arith.cmpi slt, %sub3A_423, %lt3A_428 : vector<16xi32>
    %and3A_430 = arith.andi %ge3A_426, %lt3A_429 : vector<16xi1>
    %jit3A_431 = arith.constant 0 : i32
    %jit3A_432 = arith.constant 199 : i32
    %max3A_433 = vector.broadcast %jit3A_431 : i32 to vector<16xi32>
    %max3A_434 = arith.maxsi %max3A_433, %sub3A_423 : vector<16xi32>
    %min3A_435 = vector.broadcast %jit3A_432 : i32 to vector<16xi32>
    %min3A_436 = arith.minsi %min3A_435, %max3A_434 : vector<16xi32>
    %add3A_437 = arith.constant 96 : i32
    %add3A_438 = vector.broadcast %add3A_437 : i32 to vector<16xi32>
    %add3A_439 = arith.addi %add3A_438, %iota3A : vector<16xi32>
    %gather3A_440 = tpu.vector_load_idx %arg5[%min3A_436, %add3A_439] : memref<200x128xf32, #tpu.memory_space<vmem>>[vector<16xi32>, vector<16xi32>], vector<16xf32>,
    %get3A_441 = arith.constant 96 : index
    %get3A_442 = tpu.vector_load %arg10[%get3A_441] {strides = array<i32>} : memref<128xf32, #tpu.memory_space<vmem>>, vector<16xf32>,
    %jit3A_443 = arith.constant 0.000000e+00 : f32
    %broadcast_in_dim3A_444 = vector.broadcast %jit3A_443 : f32 to vector<16xf32>
    %select_n3A_445 = arith.select %and3A_430, %gather3A_440, %broadcast_in_dim3A_444 : vector<16xi1>, vector<16xf32>
    %add3A_446 = arith.addf %get3A_442, %select_n3A_445 : vector<16xf32>
    %swap3A_447 = arith.constant 96 : index
    %swap3A_448 = tpu.vector_load %arg10[%swap3A_447] {strides = array<i32>} : memref<128xf32, #tpu.memory_space<vmem>>, vector<16xf32>,
    tpu.vector_store %arg10[%swap3A_447], %add3A_446 {strides = array<i32>} : memref<128xf32, #tpu.memory_space<vmem>>, vector<16xf32>,
    %swap3A_449 = arith.constant 112 : index
    %swap3A_450 = tpu.vector_load %arg8[%swap3A_449] {strides = array<i32>} : memref<128xf32, #tpu.memory_space<vmem>>, vector<16xf32>,
    tpu.vector_store %arg8[%swap3A_449], %scan3A_210#7 {strides = array<i32>} : memref<128xf32, #tpu.memory_space<vmem>>, vector<16xf32>,
    %swap3A_451 = arith.constant 112 : index
    %swap3A_452 = tpu.vector_load %arg11[%swap3A_451] {strides = array<i32>} : memref<128xi32, #tpu.memory_space<vmem>>, vector<16xi32>,
    tpu.vector_store %arg11[%swap3A_451], %scan3A_210#15 {strides = array<i32>} : memref<128xi32, #tpu.memory_space<vmem>>, vector<16xi32>,
    %swap3A_453 = arith.constant 112 : index
    %swap3A_454 = tpu.vector_load %arg9[%swap3A_453] {strides = array<i32>} : memref<128xf32, #tpu.memory_space<vmem>>, vector<16xf32>,
    tpu.vector_store %arg9[%swap3A_453], %scan3A_210#23 {strides = array<i32>} : memref<128xf32, #tpu.memory_space<vmem>>, vector<16xf32>,
    %get3A_455 = arith.constant 112 : index
    %get3A_456 = tpu.vector_load %arg7[%get3A_455] {strides = array<i32>} : memref<128xi32, #tpu.memory_space<vmem>>, vector<16xi32>,
    %sub3A_457 = vector.broadcast %mul3A_158 : i32 to vector<16xi32>
    %sub3A_458 = arith.subi %get3A_456, %sub3A_457 : vector<16xi32>
    %ge3A_459 = arith.constant 0 : i32
    %ge3A_460 = vector.broadcast %ge3A_459 : i32 to vector<16xi32>
    %ge3A_461 = arith.cmpi sge, %sub3A_458, %ge3A_460 : vector<16xi32>
    %lt3A_462 = arith.constant 200 : i32
    %lt3A_463 = vector.broadcast %lt3A_462 : i32 to vector<16xi32>
    %lt3A_464 = arith.cmpi slt, %sub3A_458, %lt3A_463 : vector<16xi32>
    %and3A_465 = arith.andi %ge3A_461, %lt3A_464 : vector<16xi1>
    %jit3A_466 = arith.constant 0 : i32
    %jit3A_467 = arith.constant 199 : i32
    %max3A_468 = vector.broadcast %jit3A_466 : i32 to vector<16xi32>
    %max3A_469 = arith.maxsi %max3A_468, %sub3A_458 : vector<16xi32>
    %min3A_470 = vector.broadcast %jit3A_467 : i32 to vector<16xi32>
    %min3A_471 = arith.minsi %min3A_470, %max3A_469 : vector<16xi32>
    %add3A_472 = arith.constant 112 : i32
    %add3A_473 = vector.broadcast %add3A_472 : i32 to vector<16xi32>
    %add3A_474 = arith.addi %add3A_473, %iota3A : vector<16xi32>
    %gather3A_475 = tpu.vector_load_idx %arg5[%min3A_471, %add3A_474] : memref<200x128xf32, #tpu.memory_space<vmem>>[vector<16xi32>, vector<16xi32>], vector<16xf32>,
    %get3A_476 = arith.constant 112 : index
    %get3A_477 = tpu.vector_load %arg10[%get3A_476] {strides = array<i32>} : memref<128xf32, #tpu.memory_space<vmem>>, vector<16xf32>,
    %jit3A_478 = arith.constant 0.000000e+00 : f32
    %broadcast_in_dim3A_479 = vector.broadcast %jit3A_478 : f32 to vector<16xf32>
    %select_n3A_480 = arith.select %and3A_465, %gather3A_475, %broadcast_in_dim3A_479 : vector<16xi1>, vector<16xf32>
    %add3A_481 = arith.addf %get3A_477, %select_n3A_480 : vector<16xf32>
    %swap3A_482 = arith.constant 112 : index
    %swap3A_483 = tpu.vector_load %arg10[%swap3A_482] {strides = array<i32>} : memref<128xf32, #tpu.memory_space<vmem>>, vector<16xf32>,
    tpu.vector_store %arg10[%swap3A_482], %add3A_481 {strides = array<i32>} : memref<128xf32, #tpu.memory_space<vmem>>, vector<16xf32>,
    %lt3A_484 = arith.constant 20 : i32
    %lt3A_485 = arith.cmpi slt, %add3A, %lt3A_484 : i32
    %convert_element_type3A_486 = arith.extui %lt3A_485 : i1 to i32
    %cond3A_487 = arith.constant 0 : i32
    %cond3A_488 = arith.cmpi ne, %convert_element_type3A_486, %cond3A_487 : i32
    scf.if %cond3A_488 {
      %dma_wait3A_532 = arith.constant 0 : i32
      %dma_wait3A_533 = arith.constant 0 : i32
      %dma_wait3A_534 = tpu.memref_slice %arg2[%dma_wait3A_532, %dma_wait3A_533] : memref<100000x128xf32, #tpu.memory_space<hbm>> -> memref<200x128xf32, #tpu.memory_space<hbm>>
      %dma_wait3A_535 = arith.constant 0 : i32
      %dma_wait3A_536 = arith.constant 0 : i32
      %dma_wait3A_537 = tpu.memref_slice %arg2[%dma_wait3A_535, %dma_wait3A_536] : memref<100000x128xf32, #tpu.memory_space<hbm>> -> memref<200x128xf32, #tpu.memory_space<hbm>>
      tpu.wait_dma2 semaphore(%arg14 : memref<!tpu.dma_semaphore, #tpu.memory_space<semaphore_mem>>) src(%dma_wait3A_537 : memref<200x128xf32, #tpu.memory_space<hbm>>) dst(%arg6 : memref<200x128xf32, #tpu.memory_space<vmem>>)
      %mul3A_538 = arith.constant 200 : i32
      %mul3A_539 = arith.muli %add3A_142, %mul3A_538 : i32
      %get3A_540 = arith.constant 0 : index
      %get3A_541 = tpu.vector_load %arg8[%get3A_540] {strides = array<i32>} : memref<128xf32, #tpu.memory_space<vmem>>, vector<16xf32>,
      %get3A_542 = arith.constant 16 : index
      %get3A_543 = tpu.vector_load %arg8[%get3A_542] {strides = array<i32>} : memref<128xf32, #tpu.memory_space<vmem>>, vector<16xf32>,
      %get3A_544 = arith.constant 32 : index
      %get3A_545 = tpu.vector_load %arg8[%get3A_544] {strides = array<i32>} : memref<128xf32, #tpu.memory_space<vmem>>, vector<16xf32>,
      %get3A_546 = arith.constant 48 : index
      %get3A_547 = tpu.vector_load %arg8[%get3A_546] {strides = array<i32>} : memref<128xf32, #tpu.memory_space<vmem>>, vector<16xf32>,
      %get3A_548 = arith.constant 64 : index
      %get3A_549 = tpu.vector_load %arg8[%get3A_548] {strides = array<i32>} : memref<128xf32, #tpu.memory_space<vmem>>, vector<16xf32>,
      %get3A_550 = arith.constant 80 : index
      %get3A_551 = tpu.vector_load %arg8[%get3A_550] {strides = array<i32>} : memref<128xf32, #tpu.memory_space<vmem>>, vector<16xf32>,
      %get3A_552 = arith.constant 96 : index
      %get3A_553 = tpu.vector_load %arg8[%get3A_552] {strides = array<i32>} : memref<128xf32, #tpu.memory_space<vmem>>, vector<16xf32>,
      %get3A_554 = arith.constant 112 : index
      %get3A_555 = tpu.vector_load %arg8[%get3A_554] {strides = array<i32>} : memref<128xf32, #tpu.memory_space<vmem>>, vector<16xf32>,
      %get3A_556 = arith.constant 0 : index
      %get3A_557 = tpu.vector_load %arg11[%get3A_556] {strides = array<i32>} : memref<128xi32, #tpu.memory_space<vmem>>, vector<16xi32>,
      %get3A_558 = arith.constant 16 : index
      %get3A_559 = tpu.vector_load %arg11[%get3A_558] {strides = array<i32>} : memref<128xi32, #tpu.memory_space<vmem>>, vector<16xi32>,
      %get3A_560 = arith.constant 32 : index
      %get3A_561 = tpu.vector_load %arg11[%get3A_560] {strides = array<i32>} : memref<128xi32, #tpu.memory_space<vmem>>, vector<16xi32>,
      %get3A_562 = arith.constant 48 : index
      %get3A_563 = tpu.vector_load %arg11[%get3A_562] {strides = array<i32>} : memref<128xi32, #tpu.memory_space<vmem>>, vector<16xi32>,
      %get3A_564 = arith.constant 64 : index
      %get3A_565 = tpu.vector_load %arg11[%get3A_564] {strides = array<i32>} : memref<128xi32, #tpu.memory_space<vmem>>, vector<16xi32>,
      %get3A_566 = arith.constant 80 : index
      %get3A_567 = tpu.vector_load %arg11[%get3A_566] {strides = array<i32>} : memref<128xi32, #tpu.memory_space<vmem>>, vector<16xi32>,
      %get3A_568 = arith.constant 96 : index
      %get3A_569 = tpu.vector_load %arg11[%get3A_568] {strides = array<i32>} : memref<128xi32, #tpu.memory_space<vmem>>, vector<16xi32>,
      %get3A_570 = arith.constant 112 : index
      %get3A_571 = tpu.vector_load %arg11[%get3A_570] {strides = array<i32>} : memref<128xi32, #tpu.memory_space<vmem>>, vector<16xi32>,
      %get3A_572 = arith.constant 0 : index
      %get3A_573 = tpu.vector_load %arg9[%get3A_572] {strides = array<i32>} : memref<128xf32, #tpu.memory_space<vmem>>, vector<16xf32>,
      %get3A_574 = arith.constant 16 : index
      %get3A_575 = tpu.vector_load %arg9[%get3A_574] {strides = array<i32>} : memref<128xf32, #tpu.memory_space<vmem>>, vector<16xf32>,
      %get3A_576 = arith.constant 32 : index
      %get3A_577 = tpu.vector_load %arg9[%get3A_576] {strides = array<i32>} : memref<128xf32, #tpu.memory_space<vmem>>, vector<16xf32>,
      %get3A_578 = arith.constant 48 : index
      %get3A_579 = tpu.vector_load %arg9[%get3A_578] {strides = array<i32>} : memref<128xf32, #tpu.memory_space<vmem>>, vector<16xf32>,
      %get3A_580 = arith.constant 64 : index
      %get3A_581 = tpu.vector_load %arg9[%get3A_580] {strides = array<i32>} : memref<128xf32, #tpu.memory_space<vmem>>, vector<16xf32>,
      %get3A_582 = arith.constant 80 : index
      %get3A_583 = tpu.vector_load %arg9[%get3A_582] {strides = array<i32>} : memref<128xf32, #tpu.memory_space<vmem>>, vector<16xf32>,
      %get3A_584 = arith.constant 96 : index
      %get3A_585 = tpu.vector_load %arg9[%get3A_584] {strides = array<i32>} : memref<128xf32, #tpu.memory_space<vmem>>, vector<16xf32>,
      %get3A_586 = arith.constant 112 : index
      %get3A_587 = tpu.vector_load %arg9[%get3A_586] {strides = array<i32>} : memref<128xf32, #tpu.memory_space<vmem>>, vector<16xf32>,
      %scan3A_588 = arith.constant 0 : i32
      %scan3A_589 = arith.constant 200 : i32
      %scan3A_590 = arith.addi %scan3A_588, %scan3A_589 : i32
      %scan3A_591 = arith.constant 2 : i32
      %scan3A_592:24 = scf.for %scan3A_874 = %scan3A_588 to %scan3A_590 step %scan3A_591 iter_args(%scan3A_875 = %get3A_541, %scan3A_876 = %get3A_543, %scan3A_877 = %get3A_545, %scan3A_878 = %get3A_547, %scan3A_879 = %get3A_549, %scan3A_880 = %get3A_551, %scan3A_881 = %get3A_553, %scan3A_882 = %get3A_555, %scan3A_883 = %get3A_557, %scan3A_884 = %get3A_559, %scan3A_885 = %get3A_561, %scan3A_886 = %get3A_563, %scan3A_887 = %get3A_565, %scan3A_888 = %get3A_567, %scan3A_889 = %get3A_569, %scan3A_890 = %get3A_571, %scan3A_891 = %get3A_573, %scan3A_892 = %get3A_575, %scan3A_893 = %get3A_577, %scan3A_894 = %get3A_579, %scan3A_895 = %get3A_581, %scan3A_896 = %get3A_583, %scan3A_897 = %get3A_585, %scan3A_898 = %get3A_587) -> (vector<16xf32>, vector<16xf32>, vector<16xf32>, vector<16xf32>, vector<16xf32>, vector<16xf32>, vector<16xf32>, vector<16xf32>, vector<16xi32>, vector<16xi32>, vector<16xi32>, vector<16xi32>, vector<16xi32>, vector<16xi32>, vector<16xi32>, vector<16xi32>, vector<16xf32>, vector<16xf32>, vector<16xf32>, vector<16xf32>, vector<16xf32>, vector<16xf32>, vector<16xf32>, vector<16xf32>)  : i32 {
        %broadcast_in_dim3A_899 = arith.constant 0 : i32
        %broadcast_in_dim3A_900 = vector.broadcast %broadcast_in_dim3A_899 : i32 to vector<16xi32>
        %add3A_901 = arith.addi %mul3A_539, %scan3A_874 : i32
        %add3A_902 = vector.broadcast %add3A_901 : i32 to vector<16xi32>
        %add3A_903 = arith.addi %broadcast_in_dim3A_900, %add3A_902 : vector<16xi32>
        %get3A_904 = arith.index_cast %scan3A_874 : i32 to index
        %get3A_905 = arith.constant 0 : index
        %get3A_906 = tpu.vector_load %arg6[%get3A_904, %get3A_905] {strides = array<i32>} : memref<200x128xf32, #tpu.memory_space<vmem>>, vector<16xf32>,
        %gt3A = arith.cmpf ogt, %get3A_906, %scan3A_875 : vector<16xf32>
        %select_n3A_907 = arith.select %gt3A, %get3A_906, %scan3A_875 : vector<16xi1>, vector<16xf32>
        %select_n3A_908 = arith.select %gt3A, %add3A_903, %scan3A_883 : vector<16xi1>, vector<16xi32>
        %exp3A = math.exp %get3A_906 : vector<16xf32>
        %add3A_909 = arith.addf %scan3A_891, %exp3A : vector<16xf32>
        %get3A_910 = arith.index_cast %scan3A_874 : i32 to index
        %get3A_911 = arith.constant 16 : index
        %get3A_912 = tpu.vector_load %arg6[%get3A_910, %get3A_911] {strides = array<i32>} : memref<200x128xf32, #tpu.memory_space<vmem>>, vector<16xf32>,
        %gt3A_913 = arith.cmpf ogt, %get3A_912, %scan3A_876 : vector<16xf32>
        %select_n3A_914 = arith.select %gt3A_913, %get3A_912, %scan3A_876 : vector<16xi1>, vector<16xf32>
        %select_n3A_915 = arith.select %gt3A_913, %add3A_903, %scan3A_884 : vector<16xi1>, vector<16xi32>
        %exp3A_916 = math.exp %get3A_912 : vector<16xf32>
        %add3A_917 = arith.addf %scan3A_892, %exp3A_916 : vector<16xf32>
        %get3A_918 = arith.index_cast %scan3A_874 : i32 to index
        %get3A_919 = arith.constant 32 : index
        %get3A_920 = tpu.vector_load %arg6[%get3A_918, %get3A_919] {strides = array<i32>} : memref<200x128xf32, #tpu.memory_space<vmem>>, vector<16xf32>,
        %gt3A_921 = arith.cmpf ogt, %get3A_920, %scan3A_877 : vector<16xf32>
        %select_n3A_922 = arith.select %gt3A_921, %get3A_920, %scan3A_877 : vector<16xi1>, vector<16xf32>
        %select_n3A_923 = arith.select %gt3A_921, %add3A_903, %scan3A_885 : vector<16xi1>, vector<16xi32>
        %exp3A_924 = math.exp %get3A_920 : vector<16xf32>
        %add3A_925 = arith.addf %scan3A_893, %exp3A_924 : vector<16xf32>
        %get3A_926 = arith.index_cast %scan3A_874 : i32 to index
        %get3A_927 = arith.constant 48 : index
        %get3A_928 = tpu.vector_load %arg6[%get3A_926, %get3A_927] {strides = array<i32>} : memref<200x128xf32, #tpu.memory_space<vmem>>, vector<16xf32>,
        %gt3A_929 = arith.cmpf ogt, %get3A_928, %scan3A_878 : vector<16xf32>
        %select_n3A_930 = arith.select %gt3A_929, %get3A_928, %scan3A_878 : vector<16xi1>, vector<16xf32>
        %select_n3A_931 = arith.select %gt3A_929, %add3A_903, %scan3A_886 : vector<16xi1>, vector<16xi32>
        %exp3A_932 = math.exp %get3A_928 : vector<16xf32>
        %add3A_933 = arith.addf %scan3A_894, %exp3A_932 : vector<16xf32>
        %get3A_934 = arith.index_cast %scan3A_874 : i32 to index
        %get3A_935 = arith.constant 64 : index
        %get3A_936 = tpu.vector_load %arg6[%get3A_934, %get3A_935] {strides = array<i32>} : memref<200x128xf32, #tpu.memory_space<vmem>>, vector<16xf32>,
        %gt3A_937 = arith.cmpf ogt, %get3A_936, %scan3A_879 : vector<16xf32>
        %select_n3A_938 = arith.select %gt3A_937, %get3A_936, %scan3A_879 : vector<16xi1>, vector<16xf32>
        %select_n3A_939 = arith.select %gt3A_937, %add3A_903, %scan3A_887 : vector<16xi1>, vector<16xi32>
        %exp3A_940 = math.exp %get3A_936 : vector<16xf32>
        %add3A_941 = arith.addf %scan3A_895, %exp3A_940 : vector<16xf32>
        %get3A_942 = arith.index_cast %scan3A_874 : i32 to index
        %get3A_943 = arith.constant 80 : index
        %get3A_944 = tpu.vector_load %arg6[%get3A_942, %get3A_943] {strides = array<i32>} : memref<200x128xf32, #tpu.memory_space<vmem>>, vector<16xf32>,
        %gt3A_945 = arith.cmpf ogt, %get3A_944, %scan3A_880 : vector<16xf32>
        %select_n3A_946 = arith.select %gt3A_945, %get3A_944, %scan3A_880 : vector<16xi1>, vector<16xf32>
        %select_n3A_947 = arith.select %gt3A_945, %add3A_903, %scan3A_888 : vector<16xi1>, vector<16xi32>
        %exp3A_948 = math.exp %get3A_944 : vector<16xf32>
        %add3A_949 = arith.addf %scan3A_896, %exp3A_948 : vector<16xf32>
        %get3A_950 = arith.index_cast %scan3A_874 : i32 to index
        %get3A_951 = arith.constant 96 : index
        %get3A_952 = tpu.vector_load %arg6[%get3A_950, %get3A_951] {strides = array<i32>} : memref<200x128xf32, #tpu.memory_space<vmem>>, vector<16xf32>,
        %gt3A_953 = arith.cmpf ogt, %get3A_952, %scan3A_881 : vector<16xf32>
        %select_n3A_954 = arith.select %gt3A_953, %get3A_952, %scan3A_881 : vector<16xi1>, vector<16xf32>
        %select_n3A_955 = arith.select %gt3A_953, %add3A_903, %scan3A_889 : vector<16xi1>, vector<16xi32>
        %exp3A_956 = math.exp %get3A_952 : vector<16xf32>
        %add3A_957 = arith.addf %scan3A_897, %exp3A_956 : vector<16xf32>
        %get3A_958 = arith.index_cast %scan3A_874 : i32 to index
        %get3A_959 = arith.constant 112 : index
        %get3A_960 = tpu.vector_load %arg6[%get3A_958, %get3A_959] {strides = array<i32>} : memref<200x128xf32, #tpu.memory_space<vmem>>, vector<16xf32>,
        %gt3A_961 = arith.cmpf ogt, %get3A_960, %scan3A_882 : vector<16xf32>
        %select_n3A_962 = arith.select %gt3A_961, %get3A_960, %scan3A_882 : vector<16xi1>, vector<16xf32>
        %select_n3A_963 = arith.select %gt3A_961, %add3A_903, %scan3A_890 : vector<16xi1>, vector<16xi32>
        %exp3A_964 = math.exp %get3A_960 : vector<16xf32>
        %add3A_965 = arith.addf %scan3A_898, %exp3A_964 : vector<16xf32>
        %scan3A_966 = arith.constant 1 : i32
        %scan3A_967 = arith.addi %scan3A_874, %scan3A_966 : i32
        %broadcast_in_dim3A_968 = arith.constant 0 : i32
        %broadcast_in_dim3A_969 = vector.broadcast %broadcast_in_dim3A_968 : i32 to vector<16xi32>
        %add3A_970 = arith.addi %mul3A_539, %scan3A_967 : i32
        %add3A_971 = vector.broadcast %add3A_970 : i32 to vector<16xi32>
        %add3A_972 = arith.addi %broadcast_in_dim3A_969, %add3A_971 : vector<16xi32>
        %get3A_973 = arith.index_cast %scan3A_967 : i32 to index
        %get3A_974 = arith.constant 0 : index
        %get3A_975 = tpu.vector_load %arg6[%get3A_973, %get3A_974] {strides = array<i32>} : memref<200x128xf32, #tpu.memory_space<vmem>>, vector<16xf32>,
        %gt3A_976 = arith.cmpf ogt, %get3A_975, %select_n3A_907 : vector<16xf32>
        %select_n3A_977 = arith.select %gt3A_976, %get3A_975, %select_n3A_907 : vector<16xi1>, vector<16xf32>
        %select_n3A_978 = arith.select %gt3A_976, %add3A_972, %select_n3A_908 : vector<16xi1>, vector<16xi32>
        %exp3A_979 = math.exp %get3A_975 : vector<16xf32>
        %add3A_980 = arith.addf %add3A_909, %exp3A_979 : vector<16xf32>
        %get3A_981 = arith.index_cast %scan3A_967 : i32 to index
        %get3A_982 = arith.constant 16 : index
        %get3A_983 = tpu.vector_load %arg6[%get3A_981, %get3A_982] {strides = array<i32>} : memref<200x128xf32, #tpu.memory_space<vmem>>, vector<16xf32>,
        %gt3A_984 = arith.cmpf ogt, %get3A_983, %select_n3A_914 : vector<16xf32>
        %select_n3A_985 = arith.select %gt3A_984, %get3A_983, %select_n3A_914 : vector<16xi1>, vector<16xf32>
        %select_n3A_986 = arith.select %gt3A_984, %add3A_972, %select_n3A_915 : vector<16xi1>, vector<16xi32>
        %exp3A_987 = math.exp %get3A_983 : vector<16xf32>
        %add3A_988 = arith.addf %add3A_917, %exp3A_987 : vector<16xf32>
        %get3A_989 = arith.index_cast %scan3A_967 : i32 to index
        %get3A_990 = arith.constant 32 : index
        %get3A_991 = tpu.vector_load %arg6[%get3A_989, %get3A_990] {strides = array<i32>} : memref<200x128xf32, #tpu.memory_space<vmem>>, vector<16xf32>,
        %gt3A_992 = arith.cmpf ogt, %get3A_991, %select_n3A_922 : vector<16xf32>
        %select_n3A_993 = arith.select %gt3A_992, %get3A_991, %select_n3A_922 : vector<16xi1>, vector<16xf32>
        %select_n3A_994 = arith.select %gt3A_992, %add3A_972, %select_n3A_923 : vector<16xi1>, vector<16xi32>
        %exp3A_995 = math.exp %get3A_991 : vector<16xf32>
        %add3A_996 = arith.addf %add3A_925, %exp3A_995 : vector<16xf32>
        %get3A_997 = arith.index_cast %scan3A_967 : i32 to index
        %get3A_998 = arith.constant 48 : index
        %get3A_999 = tpu.vector_load %arg6[%get3A_997, %get3A_998] {strides = array<i32>} : memref<200x128xf32, #tpu.memory_space<vmem>>, vector<16xf32>,
        %gt3A_1000 = arith.cmpf ogt, %get3A_999, %select_n3A_930 : vector<16xf32>
        %select_n3A_1001 = arith.select %gt3A_1000, %get3A_999, %select_n3A_930 : vector<16xi1>, vector<16xf32>
        %select_n3A_1002 = arith.select %gt3A_1000, %add3A_972, %select_n3A_931 : vector<16xi1>, vector<16xi32>
        %exp3A_1003 = math.exp %get3A_999 : vector<16xf32>
        %add3A_1004 = arith.addf %add3A_933, %exp3A_1003 : vector<16xf32>
        %get3A_1005 = arith.index_cast %scan3A_967 : i32 to index
        %get3A_1006 = arith.constant 64 : index
        %get3A_1007 = tpu.vector_load %arg6[%get3A_1005, %get3A_1006] {strides = array<i32>} : memref<200x128xf32, #tpu.memory_space<vmem>>, vector<16xf32>,
        %gt3A_1008 = arith.cmpf ogt, %get3A_1007, %select_n3A_938 : vector<16xf32>
        %select_n3A_1009 = arith.select %gt3A_1008, %get3A_1007, %select_n3A_938 : vector<16xi1>, vector<16xf32>
        %select_n3A_1010 = arith.select %gt3A_1008, %add3A_972, %select_n3A_939 : vector<16xi1>, vector<16xi32>
        %exp3A_1011 = math.exp %get3A_1007 : vector<16xf32>
        %add3A_1012 = arith.addf %add3A_941, %exp3A_1011 : vector<16xf32>
        %get3A_1013 = arith.index_cast %scan3A_967 : i32 to index
        %get3A_1014 = arith.constant 80 : index
        %get3A_1015 = tpu.vector_load %arg6[%get3A_1013, %get3A_1014] {strides = array<i32>} : memref<200x128xf32, #tpu.memory_space<vmem>>, vector<16xf32>,
        %gt3A_1016 = arith.cmpf ogt, %get3A_1015, %select_n3A_946 : vector<16xf32>
        %select_n3A_1017 = arith.select %gt3A_1016, %get3A_1015, %select_n3A_946 : vector<16xi1>, vector<16xf32>
        %select_n3A_1018 = arith.select %gt3A_1016, %add3A_972, %select_n3A_947 : vector<16xi1>, vector<16xi32>
        %exp3A_1019 = math.exp %get3A_1015 : vector<16xf32>
        %add3A_1020 = arith.addf %add3A_949, %exp3A_1019 : vector<16xf32>
        %get3A_1021 = arith.index_cast %scan3A_967 : i32 to index
        %get3A_1022 = arith.constant 96 : index
        %get3A_1023 = tpu.vector_load %arg6[%get3A_1021, %get3A_1022] {strides = array<i32>} : memref<200x128xf32, #tpu.memory_space<vmem>>, vector<16xf32>,
        %gt3A_1024 = arith.cmpf ogt, %get3A_1023, %select_n3A_954 : vector<16xf32>
        %select_n3A_1025 = arith.select %gt3A_1024, %get3A_1023, %select_n3A_954 : vector<16xi1>, vector<16xf32>
        %select_n3A_1026 = arith.select %gt3A_1024, %add3A_972, %select_n3A_955 : vector<16xi1>, vector<16xi32>
        %exp3A_1027 = math.exp %get3A_1023 : vector<16xf32>
        %add3A_1028 = arith.addf %add3A_957, %exp3A_1027 : vector<16xf32>
        %get3A_1029 = arith.index_cast %scan3A_967 : i32 to index
        %get3A_1030 = arith.constant 112 : index
        %get3A_1031 = tpu.vector_load %arg6[%get3A_1029, %get3A_1030] {strides = array<i32>} : memref<200x128xf32, #tpu.memory_space<vmem>>, vector<16xf32>,
        %gt3A_1032 = arith.cmpf ogt, %get3A_1031, %select_n3A_962 : vector<16xf32>
        %select_n3A_1033 = arith.select %gt3A_1032, %get3A_1031, %select_n3A_962 : vector<16xi1>, vector<16xf32>
        %select_n3A_1034 = arith.select %gt3A_1032, %add3A_972, %select_n3A_963 : vector<16xi1>, vector<16xi32>
        %exp3A_1035 = math.exp %get3A_1031 : vector<16xf32>
        %add3A_1036 = arith.addf %add3A_965, %exp3A_1035 : vector<16xf32>
        scf.yield %select_n3A_977, %select_n3A_985, %select_n3A_993, %select_n3A_1001, %select_n3A_1009, %select_n3A_1017, %select_n3A_1025, %select_n3A_1033, %select_n3A_978, %select_n3A_986, %select_n3A_994, %select_n3A_1002, %select_n3A_1010, %select_n3A_1018, %select_n3A_1026, %select_n3A_1034, %add3A_980, %add3A_988, %add3A_996, %add3A_1004, %add3A_1012, %add3A_1020, %add3A_1028, %add3A_1036 : vector<16xf32>, vector<16xf32>, vector<16xf32>, vector<16xf32>, vector<16xf32>, vector<16xf32>, vector<16xf32>, vector<16xf32>, vector<16xi32>, vector<16xi32>, vector<16xi32>, vector<16xi32>, vector<16xi32>, vector<16xi32>, vector<16xi32>, vector<16xi32>, vector<16xf32>, vector<16xf32>, vector<16xf32>, vector<16xf32>, vector<16xf32>, vector<16xf32>, vector<16xf32>, vector<16xf32>
      }
      %scan3A_593 = arith.constant 200 : i32
      %swap3A_594 = arith.constant 0 : index
      %swap3A_595 = tpu.vector_load %arg8[%swap3A_594] {strides = array<i32>} : memref<128xf32, #tpu.memory_space<vmem>>, vector<16xf32>,
      tpu.vector_store %arg8[%swap3A_594], %scan3A_592#0 {strides = array<i32>} : memref<128xf32, #tpu.memory_space<vmem>>, vector<16xf32>,
      %swap3A_596 = arith.constant 0 : index
      %swap3A_597 = tpu.vector_load %arg11[%swap3A_596] {strides = array<i32>} : memref<128xi32, #tpu.memory_space<vmem>>, vector<16xi32>,
      tpu.vector_store %arg11[%swap3A_596], %scan3A_592#8 {strides = array<i32>} : memref<128xi32, #tpu.memory_space<vmem>>, vector<16xi32>,
      %swap3A_598 = arith.constant 0 : index
      %swap3A_599 = tpu.vector_load %arg9[%swap3A_598] {strides = array<i32>} : memref<128xf32, #tpu.memory_space<vmem>>, vector<16xf32>,
      tpu.vector_store %arg9[%swap3A_598], %scan3A_592#16 {strides = array<i32>} : memref<128xf32, #tpu.memory_space<vmem>>, vector<16xf32>,
      %get3A_600 = arith.constant 0 : index
      %get3A_601 = tpu.vector_load %arg7[%get3A_600] {strides = array<i32>} : memref<128xi32, #tpu.memory_space<vmem>>, vector<16xi32>,
      %sub3A_602 = vector.broadcast %mul3A_539 : i32 to vector<16xi32>
      %sub3A_603 = arith.subi %get3A_601, %sub3A_602 : vector<16xi32>
      %ge3A_604 = arith.constant 0 : i32
      %ge3A_605 = vector.broadcast %ge3A_604 : i32 to vector<16xi32>
      %ge3A_606 = arith.cmpi sge, %sub3A_603, %ge3A_605 : vector<16xi32>
      %lt3A_607 = arith.constant 200 : i32
      %lt3A_608 = vector.broadcast %lt3A_607 : i32 to vector<16xi32>
      %lt3A_609 = arith.cmpi slt, %sub3A_603, %lt3A_608 : vector<16xi32>
      %and3A_610 = arith.andi %ge3A_606, %lt3A_609 : vector<16xi1>
      %jit3A_611 = arith.constant 0 : i32
      %jit3A_612 = arith.constant 199 : i32
      %max3A_613 = vector.broadcast %jit3A_611 : i32 to vector<16xi32>
      %max3A_614 = arith.maxsi %max3A_613, %sub3A_603 : vector<16xi32>
      %min3A_615 = vector.broadcast %jit3A_612 : i32 to vector<16xi32>
      %min3A_616 = arith.minsi %min3A_615, %max3A_614 : vector<16xi32>
      %add3A_617 = arith.constant 0 : i32
      %add3A_618 = vector.broadcast %add3A_617 : i32 to vector<16xi32>
      %add3A_619 = arith.addi %add3A_618, %iota3A : vector<16xi32>
      %gather3A_620 = tpu.vector_load_idx %arg6[%min3A_616, %add3A_619] : memref<200x128xf32, #tpu.memory_space<vmem>>[vector<16xi32>, vector<16xi32>], vector<16xf32>,
      %get3A_621 = arith.constant 0 : index
      %get3A_622 = tpu.vector_load %arg10[%get3A_621] {strides = array<i32>} : memref<128xf32, #tpu.memory_space<vmem>>, vector<16xf32>,
      %jit3A_623 = arith.constant 0.000000e+00 : f32
      %broadcast_in_dim3A_624 = vector.broadcast %jit3A_623 : f32 to vector<16xf32>
      %select_n3A_625 = arith.select %and3A_610, %gather3A_620, %broadcast_in_dim3A_624 : vector<16xi1>, vector<16xf32>
      %add3A_626 = arith.addf %get3A_622, %select_n3A_625 : vector<16xf32>
      %swap3A_627 = arith.constant 0 : index
      %swap3A_628 = tpu.vector_load %arg10[%swap3A_627] {strides = array<i32>} : memref<128xf32, #tpu.memory_space<vmem>>, vector<16xf32>,
      tpu.vector_store %arg10[%swap3A_627], %add3A_626 {strides = array<i32>} : memref<128xf32, #tpu.memory_space<vmem>>, vector<16xf32>,
      %swap3A_629 = arith.constant 16 : index
      %swap3A_630 = tpu.vector_load %arg8[%swap3A_629] {strides = array<i32>} : memref<128xf32, #tpu.memory_space<vmem>>, vector<16xf32>,
      tpu.vector_store %arg8[%swap3A_629], %scan3A_592#1 {strides = array<i32>} : memref<128xf32, #tpu.memory_space<vmem>>, vector<16xf32>,
      %swap3A_631 = arith.constant 16 : index
      %swap3A_632 = tpu.vector_load %arg11[%swap3A_631] {strides = array<i32>} : memref<128xi32, #tpu.memory_space<vmem>>, vector<16xi32>,
      tpu.vector_store %arg11[%swap3A_631], %scan3A_592#9 {strides = array<i32>} : memref<128xi32, #tpu.memory_space<vmem>>, vector<16xi32>,
      %swap3A_633 = arith.constant 16 : index
      %swap3A_634 = tpu.vector_load %arg9[%swap3A_633] {strides = array<i32>} : memref<128xf32, #tpu.memory_space<vmem>>, vector<16xf32>,
      tpu.vector_store %arg9[%swap3A_633], %scan3A_592#17 {strides = array<i32>} : memref<128xf32, #tpu.memory_space<vmem>>, vector<16xf32>,
      %get3A_635 = arith.constant 16 : index
      %get3A_636 = tpu.vector_load %arg7[%get3A_635] {strides = array<i32>} : memref<128xi32, #tpu.memory_space<vmem>>, vector<16xi32>,
      %sub3A_637 = vector.broadcast %mul3A_539 : i32 to vector<16xi32>
      %sub3A_638 = arith.subi %get3A_636, %sub3A_637 : vector<16xi32>
      %ge3A_639 = arith.constant 0 : i32
      %ge3A_640 = vector.broadcast %ge3A_639 : i32 to vector<16xi32>
      %ge3A_641 = arith.cmpi sge, %sub3A_638, %ge3A_640 : vector<16xi32>
      %lt3A_642 = arith.constant 200 : i32
      %lt3A_643 = vector.broadcast %lt3A_642 : i32 to vector<16xi32>
      %lt3A_644 = arith.cmpi slt, %sub3A_638, %lt3A_643 : vector<16xi32>
      %and3A_645 = arith.andi %ge3A_641, %lt3A_644 : vector<16xi1>
      %jit3A_646 = arith.constant 0 : i32
      %jit3A_647 = arith.constant 199 : i32
      %max3A_648 = vector.broadcast %jit3A_646 : i32 to vector<16xi32>
      %max3A_649 = arith.maxsi %max3A_648, %sub3A_638 : vector<16xi32>
      %min3A_650 = vector.broadcast %jit3A_647 : i32 to vector<16xi32>
      %min3A_651 = arith.minsi %min3A_650, %max3A_649 : vector<16xi32>
      %add3A_652 = arith.constant 16 : i32
      %add3A_653 = vector.broadcast %add3A_652 : i32 to vector<16xi32>
      %add3A_654 = arith.addi %add3A_653, %iota3A : vector<16xi32>
      %gather3A_655 = tpu.vector_load_idx %arg6[%min3A_651, %add3A_654] : memref<200x128xf32, #tpu.memory_space<vmem>>[vector<16xi32>, vector<16xi32>], vector<16xf32>,
      %get3A_656 = arith.constant 16 : index
      %get3A_657 = tpu.vector_load %arg10[%get3A_656] {strides = array<i32>} : memref<128xf32, #tpu.memory_space<vmem>>, vector<16xf32>,
      %jit3A_658 = arith.constant 0.000000e+00 : f32
      %broadcast_in_dim3A_659 = vector.broadcast %jit3A_658 : f32 to vector<16xf32>
      %select_n3A_660 = arith.select %and3A_645, %gather3A_655, %broadcast_in_dim3A_659 : vector<16xi1>, vector<16xf32>
      %add3A_661 = arith.addf %get3A_657, %select_n3A_660 : vector<16xf32>
      %swap3A_662 = arith.constant 16 : index
      %swap3A_663 = tpu.vector_load %arg10[%swap3A_662] {strides = array<i32>} : memref<128xf32, #tpu.memory_space<vmem>>, vector<16xf32>,
      tpu.vector_store %arg10[%swap3A_662], %add3A_661 {strides = array<i32>} : memref<128xf32, #tpu.memory_space<vmem>>, vector<16xf32>,
      %swap3A_664 = arith.constant 32 : index
      %swap3A_665 = tpu.vector_load %arg8[%swap3A_664] {strides = array<i32>} : memref<128xf32, #tpu.memory_space<vmem>>, vector<16xf32>,
      tpu.vector_store %arg8[%swap3A_664], %scan3A_592#2 {strides = array<i32>} : memref<128xf32, #tpu.memory_space<vmem>>, vector<16xf32>,
      %swap3A_666 = arith.constant 32 : index
      %swap3A_667 = tpu.vector_load %arg11[%swap3A_666] {strides = array<i32>} : memref<128xi32, #tpu.memory_space<vmem>>, vector<16xi32>,
      tpu.vector_store %arg11[%swap3A_666], %scan3A_592#10 {strides = array<i32>} : memref<128xi32, #tpu.memory_space<vmem>>, vector<16xi32>,
      %swap3A_668 = arith.constant 32 : index
      %swap3A_669 = tpu.vector_load %arg9[%swap3A_668] {strides = array<i32>} : memref<128xf32, #tpu.memory_space<vmem>>, vector<16xf32>,
      tpu.vector_store %arg9[%swap3A_668], %scan3A_592#18 {strides = array<i32>} : memref<128xf32, #tpu.memory_space<vmem>>, vector<16xf32>,
      %get3A_670 = arith.constant 32 : index
      %get3A_671 = tpu.vector_load %arg7[%get3A_670] {strides = array<i32>} : memref<128xi32, #tpu.memory_space<vmem>>, vector<16xi32>,
      %sub3A_672 = vector.broadcast %mul3A_539 : i32 to vector<16xi32>
      %sub3A_673 = arith.subi %get3A_671, %sub3A_672 : vector<16xi32>
      %ge3A_674 = arith.constant 0 : i32
      %ge3A_675 = vector.broadcast %ge3A_674 : i32 to vector<16xi32>
      %ge3A_676 = arith.cmpi sge, %sub3A_673, %ge3A_675 : vector<16xi32>
      %lt3A_677 = arith.constant 200 : i32
      %lt3A_678 = vector.broadcast %lt3A_677 : i32 to vector<16xi32>
      %lt3A_679 = arith.cmpi slt, %sub3A_673, %lt3A_678 : vector<16xi32>
      %and3A_680 = arith.andi %ge3A_676, %lt3A_679 : vector<16xi1>
      %jit3A_681 = arith.constant 0 : i32
      %jit3A_682 = arith.constant 199 : i32
      %max3A_683 = vector.broadcast %jit3A_681 : i32 to vector<16xi32>
      %max3A_684 = arith.maxsi %max3A_683, %sub3A_673 : vector<16xi32>
      %min3A_685 = vector.broadcast %jit3A_682 : i32 to vector<16xi32>
      %min3A_686 = arith.minsi %min3A_685, %max3A_684 : vector<16xi32>
      %add3A_687 = arith.constant 32 : i32
      %add3A_688 = vector.broadcast %add3A_687 : i32 to vector<16xi32>
      %add3A_689 = arith.addi %add3A_688, %iota3A : vector<16xi32>
      %gather3A_690 = tpu.vector_load_idx %arg6[%min3A_686, %add3A_689] : memref<200x128xf32, #tpu.memory_space<vmem>>[vector<16xi32>, vector<16xi32>], vector<16xf32>,
      %get3A_691 = arith.constant 32 : index
      %get3A_692 = tpu.vector_load %arg10[%get3A_691] {strides = array<i32>} : memref<128xf32, #tpu.memory_space<vmem>>, vector<16xf32>,
      %jit3A_693 = arith.constant 0.000000e+00 : f32
      %broadcast_in_dim3A_694 = vector.broadcast %jit3A_693 : f32 to vector<16xf32>
      %select_n3A_695 = arith.select %and3A_680, %gather3A_690, %broadcast_in_dim3A_694 : vector<16xi1>, vector<16xf32>
      %add3A_696 = arith.addf %get3A_692, %select_n3A_695 : vector<16xf32>
      %swap3A_697 = arith.constant 32 : index
      %swap3A_698 = tpu.vector_load %arg10[%swap3A_697] {strides = array<i32>} : memref<128xf32, #tpu.memory_space<vmem>>, vector<16xf32>,
      tpu.vector_store %arg10[%swap3A_697], %add3A_696 {strides = array<i32>} : memref<128xf32, #tpu.memory_space<vmem>>, vector<16xf32>,
      %swap3A_699 = arith.constant 48 : index
      %swap3A_700 = tpu.vector_load %arg8[%swap3A_699] {strides = array<i32>} : memref<128xf32, #tpu.memory_space<vmem>>, vector<16xf32>,
      tpu.vector_store %arg8[%swap3A_699], %scan3A_592#3 {strides = array<i32>} : memref<128xf32, #tpu.memory_space<vmem>>, vector<16xf32>,
      %swap3A_701 = arith.constant 48 : index
      %swap3A_702 = tpu.vector_load %arg11[%swap3A_701] {strides = array<i32>} : memref<128xi32, #tpu.memory_space<vmem>>, vector<16xi32>,
      tpu.vector_store %arg11[%swap3A_701], %scan3A_592#11 {strides = array<i32>} : memref<128xi32, #tpu.memory_space<vmem>>, vector<16xi32>,
      %swap3A_703 = arith.constant 48 : index
      %swap3A_704 = tpu.vector_load %arg9[%swap3A_703] {strides = array<i32>} : memref<128xf32, #tpu.memory_space<vmem>>, vector<16xf32>,
      tpu.vector_store %arg9[%swap3A_703], %scan3A_592#19 {strides = array<i32>} : memref<128xf32, #tpu.memory_space<vmem>>, vector<16xf32>,
      %get3A_705 = arith.constant 48 : index
      %get3A_706 = tpu.vector_load %arg7[%get3A_705] {strides = array<i32>} : memref<128xi32, #tpu.memory_space<vmem>>, vector<16xi32>,
      %sub3A_707 = vector.broadcast %mul3A_539 : i32 to vector<16xi32>
      %sub3A_708 = arith.subi %get3A_706, %sub3A_707 : vector<16xi32>
      %ge3A_709 = arith.constant 0 : i32
      %ge3A_710 = vector.broadcast %ge3A_709 : i32 to vector<16xi32>
      %ge3A_711 = arith.cmpi sge, %sub3A_708, %ge3A_710 : vector<16xi32>
      %lt3A_712 = arith.constant 200 : i32
      %lt3A_713 = vector.broadcast %lt3A_712 : i32 to vector<16xi32>
      %lt3A_714 = arith.cmpi slt, %sub3A_708, %lt3A_713 : vector<16xi32>
      %and3A_715 = arith.andi %ge3A_711, %lt3A_714 : vector<16xi1>
      %jit3A_716 = arith.constant 0 : i32
      %jit3A_717 = arith.constant 199 : i32
      %max3A_718 = vector.broadcast %jit3A_716 : i32 to vector<16xi32>
      %max3A_719 = arith.maxsi %max3A_718, %sub3A_708 : vector<16xi32>
      %min3A_720 = vector.broadcast %jit3A_717 : i32 to vector<16xi32>
      %min3A_721 = arith.minsi %min3A_720, %max3A_719 : vector<16xi32>
      %add3A_722 = arith.constant 48 : i32
      %add3A_723 = vector.broadcast %add3A_722 : i32 to vector<16xi32>
      %add3A_724 = arith.addi %add3A_723, %iota3A : vector<16xi32>
      %gather3A_725 = tpu.vector_load_idx %arg6[%min3A_721, %add3A_724] : memref<200x128xf32, #tpu.memory_space<vmem>>[vector<16xi32>, vector<16xi32>], vector<16xf32>,
      %get3A_726 = arith.constant 48 : index
      %get3A_727 = tpu.vector_load %arg10[%get3A_726] {strides = array<i32>} : memref<128xf32, #tpu.memory_space<vmem>>, vector<16xf32>,
      %jit3A_728 = arith.constant 0.000000e+00 : f32
      %broadcast_in_dim3A_729 = vector.broadcast %jit3A_728 : f32 to vector<16xf32>
      %select_n3A_730 = arith.select %and3A_715, %gather3A_725, %broadcast_in_dim3A_729 : vector<16xi1>, vector<16xf32>
      %add3A_731 = arith.addf %get3A_727, %select_n3A_730 : vector<16xf32>
      %swap3A_732 = arith.constant 48 : index
      %swap3A_733 = tpu.vector_load %arg10[%swap3A_732] {strides = array<i32>} : memref<128xf32, #tpu.memory_space<vmem>>, vector<16xf32>,
      tpu.vector_store %arg10[%swap3A_732], %add3A_731 {strides = array<i32>} : memref<128xf32, #tpu.memory_space<vmem>>, vector<16xf32>,
      %swap3A_734 = arith.constant 64 : index
      %swap3A_735 = tpu.vector_load %arg8[%swap3A_734] {strides = array<i32>} : memref<128xf32, #tpu.memory_space<vmem>>, vector<16xf32>,
      tpu.vector_store %arg8[%swap3A_734], %scan3A_592#4 {strides = array<i32>} : memref<128xf32, #tpu.memory_space<vmem>>, vector<16xf32>,
      %swap3A_736 = arith.constant 64 : index
      %swap3A_737 = tpu.vector_load %arg11[%swap3A_736] {strides = array<i32>} : memref<128xi32, #tpu.memory_space<vmem>>, vector<16xi32>,
      tpu.vector_store %arg11[%swap3A_736], %scan3A_592#12 {strides = array<i32>} : memref<128xi32, #tpu.memory_space<vmem>>, vector<16xi32>,
      %swap3A_738 = arith.constant 64 : index
      %swap3A_739 = tpu.vector_load %arg9[%swap3A_738] {strides = array<i32>} : memref<128xf32, #tpu.memory_space<vmem>>, vector<16xf32>,
      tpu.vector_store %arg9[%swap3A_738], %scan3A_592#20 {strides = array<i32>} : memref<128xf32, #tpu.memory_space<vmem>>, vector<16xf32>,
      %get3A_740 = arith.constant 64 : index
      %get3A_741 = tpu.vector_load %arg7[%get3A_740] {strides = array<i32>} : memref<128xi32, #tpu.memory_space<vmem>>, vector<16xi32>,
      %sub3A_742 = vector.broadcast %mul3A_539 : i32 to vector<16xi32>
      %sub3A_743 = arith.subi %get3A_741, %sub3A_742 : vector<16xi32>
      %ge3A_744 = arith.constant 0 : i32
      %ge3A_745 = vector.broadcast %ge3A_744 : i32 to vector<16xi32>
      %ge3A_746 = arith.cmpi sge, %sub3A_743, %ge3A_745 : vector<16xi32>
      %lt3A_747 = arith.constant 200 : i32
      %lt3A_748 = vector.broadcast %lt3A_747 : i32 to vector<16xi32>
      %lt3A_749 = arith.cmpi slt, %sub3A_743, %lt3A_748 : vector<16xi32>
      %and3A_750 = arith.andi %ge3A_746, %lt3A_749 : vector<16xi1>
      %jit3A_751 = arith.constant 0 : i32
      %jit3A_752 = arith.constant 199 : i32
      %max3A_753 = vector.broadcast %jit3A_751 : i32 to vector<16xi32>
      %max3A_754 = arith.maxsi %max3A_753, %sub3A_743 : vector<16xi32>
      %min3A_755 = vector.broadcast %jit3A_752 : i32 to vector<16xi32>
      %min3A_756 = arith.minsi %min3A_755, %max3A_754 : vector<16xi32>
      %add3A_757 = arith.constant 64 : i32
      %add3A_758 = vector.broadcast %add3A_757 : i32 to vector<16xi32>
      %add3A_759 = arith.addi %add3A_758, %iota3A : vector<16xi32>
      %gather3A_760 = tpu.vector_load_idx %arg6[%min3A_756, %add3A_759] : memref<200x128xf32, #tpu.memory_space<vmem>>[vector<16xi32>, vector<16xi32>], vector<16xf32>,
      %get3A_761 = arith.constant 64 : index
      %get3A_762 = tpu.vector_load %arg10[%get3A_761] {strides = array<i32>} : memref<128xf32, #tpu.memory_space<vmem>>, vector<16xf32>,
      %jit3A_763 = arith.constant 0.000000e+00 : f32
      %broadcast_in_dim3A_764 = vector.broadcast %jit3A_763 : f32 to vector<16xf32>
      %select_n3A_765 = arith.select %and3A_750, %gather3A_760, %broadcast_in_dim3A_764 : vector<16xi1>, vector<16xf32>
      %add3A_766 = arith.addf %get3A_762, %select_n3A_765 : vector<16xf32>
      %swap3A_767 = arith.constant 64 : index
      %swap3A_768 = tpu.vector_load %arg10[%swap3A_767] {strides = array<i32>} : memref<128xf32, #tpu.memory_space<vmem>>, vector<16xf32>,
      tpu.vector_store %arg10[%swap3A_767], %add3A_766 {strides = array<i32>} : memref<128xf32, #tpu.memory_space<vmem>>, vector<16xf32>,
      %swap3A_769 = arith.constant 80 : index
      %swap3A_770 = tpu.vector_load %arg8[%swap3A_769] {strides = array<i32>} : memref<128xf32, #tpu.memory_space<vmem>>, vector<16xf32>,
      tpu.vector_store %arg8[%swap3A_769], %scan3A_592#5 {strides = array<i32>} : memref<128xf32, #tpu.memory_space<vmem>>, vector<16xf32>,
      %swap3A_771 = arith.constant 80 : index
      %swap3A_772 = tpu.vector_load %arg11[%swap3A_771] {strides = array<i32>} : memref<128xi32, #tpu.memory_space<vmem>>, vector<16xi32>,
      tpu.vector_store %arg11[%swap3A_771], %scan3A_592#13 {strides = array<i32>} : memref<128xi32, #tpu.memory_space<vmem>>, vector<16xi32>,
      %swap3A_773 = arith.constant 80 : index
      %swap3A_774 = tpu.vector_load %arg9[%swap3A_773] {strides = array<i32>} : memref<128xf32, #tpu.memory_space<vmem>>, vector<16xf32>,
      tpu.vector_store %arg9[%swap3A_773], %scan3A_592#21 {strides = array<i32>} : memref<128xf32, #tpu.memory_space<vmem>>, vector<16xf32>,
      %get3A_775 = arith.constant 80 : index
      %get3A_776 = tpu.vector_load %arg7[%get3A_775] {strides = array<i32>} : memref<128xi32, #tpu.memory_space<vmem>>, vector<16xi32>,
      %sub3A_777 = vector.broadcast %mul3A_539 : i32 to vector<16xi32>
      %sub3A_778 = arith.subi %get3A_776, %sub3A_777 : vector<16xi32>
      %ge3A_779 = arith.constant 0 : i32
      %ge3A_780 = vector.broadcast %ge3A_779 : i32 to vector<16xi32>
      %ge3A_781 = arith.cmpi sge, %sub3A_778, %ge3A_780 : vector<16xi32>
      %lt3A_782 = arith.constant 200 : i32
      %lt3A_783 = vector.broadcast %lt3A_782 : i32 to vector<16xi32>
      %lt3A_784 = arith.cmpi slt, %sub3A_778, %lt3A_783 : vector<16xi32>
      %and3A_785 = arith.andi %ge3A_781, %lt3A_784 : vector<16xi1>
      %jit3A_786 = arith.constant 0 : i32
      %jit3A_787 = arith.constant 199 : i32
      %max3A_788 = vector.broadcast %jit3A_786 : i32 to vector<16xi32>
      %max3A_789 = arith.maxsi %max3A_788, %sub3A_778 : vector<16xi32>
      %min3A_790 = vector.broadcast %jit3A_787 : i32 to vector<16xi32>
      %min3A_791 = arith.minsi %min3A_790, %max3A_789 : vector<16xi32>
      %add3A_792 = arith.constant 80 : i32
      %add3A_793 = vector.broadcast %add3A_792 : i32 to vector<16xi32>
      %add3A_794 = arith.addi %add3A_793, %iota3A : vector<16xi32>
      %gather3A_795 = tpu.vector_load_idx %arg6[%min3A_791, %add3A_794] : memref<200x128xf32, #tpu.memory_space<vmem>>[vector<16xi32>, vector<16xi32>], vector<16xf32>,
      %get3A_796 = arith.constant 80 : index
      %get3A_797 = tpu.vector_load %arg10[%get3A_796] {strides = array<i32>} : memref<128xf32, #tpu.memory_space<vmem>>, vector<16xf32>,
      %jit3A_798 = arith.constant 0.000000e+00 : f32
      %broadcast_in_dim3A_799 = vector.broadcast %jit3A_798 : f32 to vector<16xf32>
      %select_n3A_800 = arith.select %and3A_785, %gather3A_795, %broadcast_in_dim3A_799 : vector<16xi1>, vector<16xf32>
      %add3A_801 = arith.addf %get3A_797, %select_n3A_800 : vector<16xf32>
      %swap3A_802 = arith.constant 80 : index
      %swap3A_803 = tpu.vector_load %arg10[%swap3A_802] {strides = array<i32>} : memref<128xf32, #tpu.memory_space<vmem>>, vector<16xf32>,
      tpu.vector_store %arg10[%swap3A_802], %add3A_801 {strides = array<i32>} : memref<128xf32, #tpu.memory_space<vmem>>, vector<16xf32>,
      %swap3A_804 = arith.constant 96 : index
      %swap3A_805 = tpu.vector_load %arg8[%swap3A_804] {strides = array<i32>} : memref<128xf32, #tpu.memory_space<vmem>>, vector<16xf32>,
      tpu.vector_store %arg8[%swap3A_804], %scan3A_592#6 {strides = array<i32>} : memref<128xf32, #tpu.memory_space<vmem>>, vector<16xf32>,
      %swap3A_806 = arith.constant 96 : index
      %swap3A_807 = tpu.vector_load %arg11[%swap3A_806] {strides = array<i32>} : memref<128xi32, #tpu.memory_space<vmem>>, vector<16xi32>,
      tpu.vector_store %arg11[%swap3A_806], %scan3A_592#14 {strides = array<i32>} : memref<128xi32, #tpu.memory_space<vmem>>, vector<16xi32>,
      %swap3A_808 = arith.constant 96 : index
      %swap3A_809 = tpu.vector_load %arg9[%swap3A_808] {strides = array<i32>} : memref<128xf32, #tpu.memory_space<vmem>>, vector<16xf32>,
      tpu.vector_store %arg9[%swap3A_808], %scan3A_592#22 {strides = array<i32>} : memref<128xf32, #tpu.memory_space<vmem>>, vector<16xf32>,
      %get3A_810 = arith.constant 96 : index
      %get3A_811 = tpu.vector_load %arg7[%get3A_810] {strides = array<i32>} : memref<128xi32, #tpu.memory_space<vmem>>, vector<16xi32>,
      %sub3A_812 = vector.broadcast %mul3A_539 : i32 to vector<16xi32>
      %sub3A_813 = arith.subi %get3A_811, %sub3A_812 : vector<16xi32>
      %ge3A_814 = arith.constant 0 : i32
      %ge3A_815 = vector.broadcast %ge3A_814 : i32 to vector<16xi32>
      %ge3A_816 = arith.cmpi sge, %sub3A_813, %ge3A_815 : vector<16xi32>
      %lt3A_817 = arith.constant 200 : i32
      %lt3A_818 = vector.broadcast %lt3A_817 : i32 to vector<16xi32>
      %lt3A_819 = arith.cmpi slt, %sub3A_813, %lt3A_818 : vector<16xi32>
      %and3A_820 = arith.andi %ge3A_816, %lt3A_819 : vector<16xi1>
      %jit3A_821 = arith.constant 0 : i32
      %jit3A_822 = arith.constant 199 : i32
      %max3A_823 = vector.broadcast %jit3A_821 : i32 to vector<16xi32>
      %max3A_824 = arith.maxsi %max3A_823, %sub3A_813 : vector<16xi32>
      %min3A_825 = vector.broadcast %jit3A_822 : i32 to vector<16xi32>
      %min3A_826 = arith.minsi %min3A_825, %max3A_824 : vector<16xi32>
      %add3A_827 = arith.constant 96 : i32
      %add3A_828 = vector.broadcast %add3A_827 : i32 to vector<16xi32>
      %add3A_829 = arith.addi %add3A_828, %iota3A : vector<16xi32>
      %gather3A_830 = tpu.vector_load_idx %arg6[%min3A_826, %add3A_829] : memref<200x128xf32, #tpu.memory_space<vmem>>[vector<16xi32>, vector<16xi32>], vector<16xf32>,
      %get3A_831 = arith.constant 96 : index
      %get3A_832 = tpu.vector_load %arg10[%get3A_831] {strides = array<i32>} : memref<128xf32, #tpu.memory_space<vmem>>, vector<16xf32>,
      %jit3A_833 = arith.constant 0.000000e+00 : f32
      %broadcast_in_dim3A_834 = vector.broadcast %jit3A_833 : f32 to vector<16xf32>
      %select_n3A_835 = arith.select %and3A_820, %gather3A_830, %broadcast_in_dim3A_834 : vector<16xi1>, vector<16xf32>
      %add3A_836 = arith.addf %get3A_832, %select_n3A_835 : vector<16xf32>
      %swap3A_837 = arith.constant 96 : index
      %swap3A_838 = tpu.vector_load %arg10[%swap3A_837] {strides = array<i32>} : memref<128xf32, #tpu.memory_space<vmem>>, vector<16xf32>,
      tpu.vector_store %arg10[%swap3A_837], %add3A_836 {strides = array<i32>} : memref<128xf32, #tpu.memory_space<vmem>>, vector<16xf32>,
      %swap3A_839 = arith.constant 112 : index
      %swap3A_840 = tpu.vector_load %arg8[%swap3A_839] {strides = array<i32>} : memref<128xf32, #tpu.memory_space<vmem>>, vector<16xf32>,
      tpu.vector_store %arg8[%swap3A_839], %scan3A_592#7 {strides = array<i32>} : memref<128xf32, #tpu.memory_space<vmem>>, vector<16xf32>,
      %swap3A_841 = arith.constant 112 : index
      %swap3A_842 = tpu.vector_load %arg11[%swap3A_841] {strides = array<i32>} : memref<128xi32, #tpu.memory_space<vmem>>, vector<16xi32>,
      tpu.vector_store %arg11[%swap3A_841], %scan3A_592#15 {strides = array<i32>} : memref<128xi32, #tpu.memory_space<vmem>>, vector<16xi32>,
      %swap3A_843 = arith.constant 112 : index
      %swap3A_844 = tpu.vector_load %arg9[%swap3A_843] {strides = array<i32>} : memref<128xf32, #tpu.memory_space<vmem>>, vector<16xf32>,
      tpu.vector_store %arg9[%swap3A_843], %scan3A_592#23 {strides = array<i32>} : memref<128xf32, #tpu.memory_space<vmem>>, vector<16xf32>,
      %get3A_845 = arith.constant 112 : index
      %get3A_846 = tpu.vector_load %arg7[%get3A_845] {strides = array<i32>} : memref<128xi32, #tpu.memory_space<vmem>>, vector<16xi32>,
      %sub3A_847 = vector.broadcast %mul3A_539 : i32 to vector<16xi32>
      %sub3A_848 = arith.subi %get3A_846, %sub3A_847 : vector<16xi32>
      %ge3A_849 = arith.constant 0 : i32
      %ge3A_850 = vector.broadcast %ge3A_849 : i32 to vector<16xi32>
      %ge3A_851 = arith.cmpi sge, %sub3A_848, %ge3A_850 : vector<16xi32>
      %lt3A_852 = arith.constant 200 : i32
      %lt3A_853 = vector.broadcast %lt3A_852 : i32 to vector<16xi32>
      %lt3A_854 = arith.cmpi slt, %sub3A_848, %lt3A_853 : vector<16xi32>
      %and3A_855 = arith.andi %ge3A_851, %lt3A_854 : vector<16xi1>
      %jit3A_856 = arith.constant 0 : i32
      %jit3A_857 = arith.constant 199 : i32
      %max3A_858 = vector.broadcast %jit3A_856 : i32 to vector<16xi32>
      %max3A_859 = arith.maxsi %max3A_858, %sub3A_848 : vector<16xi32>
      %min3A_860 = vector.broadcast %jit3A_857 : i32 to vector<16xi32>
      %min3A_861 = arith.minsi %min3A_860, %max3A_859 : vector<16xi32>
      %add3A_862 = arith.constant 112 : i32
      %add3A_863 = vector.broadcast %add3A_862 : i32 to vector<16xi32>
      %add3A_864 = arith.addi %add3A_863, %iota3A : vector<16xi32>
      %gather3A_865 = tpu.vector_load_idx %arg6[%min3A_861, %add3A_864] : memref<200x128xf32, #tpu.memory_space<vmem>>[vector<16xi32>, vector<16xi32>], vector<16xf32>,
      %get3A_866 = arith.constant 112 : index
      %get3A_867 = tpu.vector_load %arg10[%get3A_866] {strides = array<i32>} : memref<128xf32, #tpu.memory_space<vmem>>, vector<16xf32>,
      %jit3A_868 = arith.constant 0.000000e+00 : f32
      %broadcast_in_dim3A_869 = vector.broadcast %jit3A_868 : f32 to vector<16xf32>
      %select_n3A_870 = arith.select %and3A_855, %gather3A_865, %broadcast_in_dim3A_869 : vector<16xi1>, vector<16xf32>
      %add3A_871 = arith.addf %get3A_867, %select_n3A_870 : vector<16xf32>
      %swap3A_872 = arith.constant 112 : index
      %swap3A_873 = tpu.vector_load %arg10[%swap3A_872] {strides = array<i32>} : memref<128xf32, #tpu.memory_space<vmem>>, vector<16xf32>,
      tpu.vector_store %arg10[%swap3A_872], %add3A_871 {strides = array<i32>} : memref<128xf32, #tpu.memory_space<vmem>>, vector<16xf32>,
    } else {
    }
    %get3A_489 = arith.constant 0 : index
    %get3A_490 = tpu.vector_load %arg11[%get3A_489] {strides = array<i32>} : memref<128xi32, #tpu.memory_space<vmem>>, vector<16xi32>,
    %convert_element_type3A_491 = arith.sitofp %get3A_490 : vector<16xi32> to vector<16xf32>
    %swap3A_492 = arith.constant 0 : index
    %swap3A_493 = tpu.vector_load %arg12[%swap3A_492] {strides = array<i32>} : memref<128xf32, #tpu.memory_space<vmem>>, vector<16xf32>,
    tpu.vector_store %arg12[%swap3A_492], %convert_element_type3A_491 {strides = array<i32>} : memref<128xf32, #tpu.memory_space<vmem>>, vector<16xf32>,
    %get3A_494 = arith.constant 16 : index
    %get3A_495 = tpu.vector_load %arg11[%get3A_494] {strides = array<i32>} : memref<128xi32, #tpu.memory_space<vmem>>, vector<16xi32>,
    %convert_element_type3A_496 = arith.sitofp %get3A_495 : vector<16xi32> to vector<16xf32>
    %swap3A_497 = arith.constant 16 : index
    %swap3A_498 = tpu.vector_load %arg12[%swap3A_497] {strides = array<i32>} : memref<128xf32, #tpu.memory_space<vmem>>, vector<16xf32>,
    tpu.vector_store %arg12[%swap3A_497], %convert_element_type3A_496 {strides = array<i32>} : memref<128xf32, #tpu.memory_space<vmem>>, vector<16xf32>,
    %get3A_499 = arith.constant 32 : index
    %get3A_500 = tpu.vector_load %arg11[%get3A_499] {strides = array<i32>} : memref<128xi32, #tpu.memory_space<vmem>>, vector<16xi32>,
    %convert_element_type3A_501 = arith.sitofp %get3A_500 : vector<16xi32> to vector<16xf32>
    %swap3A_502 = arith.constant 32 : index
    %swap3A_503 = tpu.vector_load %arg12[%swap3A_502] {strides = array<i32>} : memref<128xf32, #tpu.memory_space<vmem>>, vector<16xf32>,
    tpu.vector_store %arg12[%swap3A_502], %convert_element_type3A_501 {strides = array<i32>} : memref<128xf32, #tpu.memory_space<vmem>>, vector<16xf32>,
    %get3A_504 = arith.constant 48 : index
    %get3A_505 = tpu.vector_load %arg11[%get3A_504] {strides = array<i32>} : memref<128xi32, #tpu.memory_space<vmem>>, vector<16xi32>,
    %convert_element_type3A_506 = arith.sitofp %get3A_505 : vector<16xi32> to vector<16xf32>
    %swap3A_507 = arith.constant 48 : index
    %swap3A_508 = tpu.vector_load %arg12[%swap3A_507] {strides = array<i32>} : memref<128xf32, #tpu.memory_space<vmem>>, vector<16xf32>,
    tpu.vector_store %arg12[%swap3A_507], %convert_element_type3A_506 {strides = array<i32>} : memref<128xf32, #tpu.memory_space<vmem>>, vector<16xf32>,
    %get3A_509 = arith.constant 64 : index
    %get3A_510 = tpu.vector_load %arg11[%get3A_509] {strides = array<i32>} : memref<128xi32, #tpu.memory_space<vmem>>, vector<16xi32>,
    %convert_element_type3A_511 = arith.sitofp %get3A_510 : vector<16xi32> to vector<16xf32>
    %swap3A_512 = arith.constant 64 : index
    %swap3A_513 = tpu.vector_load %arg12[%swap3A_512] {strides = array<i32>} : memref<128xf32, #tpu.memory_space<vmem>>, vector<16xf32>,
    tpu.vector_store %arg12[%swap3A_512], %convert_element_type3A_511 {strides = array<i32>} : memref<128xf32, #tpu.memory_space<vmem>>, vector<16xf32>,
    %get3A_514 = arith.constant 80 : index
    %get3A_515 = tpu.vector_load %arg11[%get3A_514] {strides = array<i32>} : memref<128xi32, #tpu.memory_space<vmem>>, vector<16xi32>,
    %convert_element_type3A_516 = arith.sitofp %get3A_515 : vector<16xi32> to vector<16xf32>
    %swap3A_517 = arith.constant 80 : index
    %swap3A_518 = tpu.vector_load %arg12[%swap3A_517] {strides = array<i32>} : memref<128xf32, #tpu.memory_space<vmem>>, vector<16xf32>,
    tpu.vector_store %arg12[%swap3A_517], %convert_element_type3A_516 {strides = array<i32>} : memref<128xf32, #tpu.memory_space<vmem>>, vector<16xf32>,
    %get3A_519 = arith.constant 96 : index
    %get3A_520 = tpu.vector_load %arg11[%get3A_519] {strides = array<i32>} : memref<128xi32, #tpu.memory_space<vmem>>, vector<16xi32>,
    %convert_element_type3A_521 = arith.sitofp %get3A_520 : vector<16xi32> to vector<16xf32>
    %swap3A_522 = arith.constant 96 : index
    %swap3A_523 = tpu.vector_load %arg12[%swap3A_522] {strides = array<i32>} : memref<128xf32, #tpu.memory_space<vmem>>, vector<16xf32>,
    tpu.vector_store %arg12[%swap3A_522], %convert_element_type3A_521 {strides = array<i32>} : memref<128xf32, #tpu.memory_space<vmem>>, vector<16xf32>,
    %get3A_524 = arith.constant 112 : index
    %get3A_525 = tpu.vector_load %arg11[%get3A_524] {strides = array<i32>} : memref<128xi32, #tpu.memory_space<vmem>>, vector<16xi32>,
    %convert_element_type3A_526 = arith.sitofp %get3A_525 : vector<16xi32> to vector<16xf32>
    %swap3A_527 = arith.constant 112 : index
    %swap3A_528 = tpu.vector_load %arg12[%swap3A_527] {strides = array<i32>} : memref<128xf32, #tpu.memory_space<vmem>>, vector<16xf32>,
    tpu.vector_store %arg12[%swap3A_527], %convert_element_type3A_526 {strides = array<i32>} : memref<128xf32, #tpu.memory_space<vmem>>, vector<16xf32>,
    %run_scoped3A = arith.constant 0 : i32
    "tpu.region"() ({
      %run_scoped3A_532 = tpu.sem_alloc : memref<!tpu.dma_semaphore, #tpu.memory_space<semaphore_mem>>
      %dma_start3A_533 = arith.constant 0 : i32
      %dma_start3A_534 = tpu.memref_slice %arg4[%run_scoped3A, %add3A, %dma_start3A_533] : memref<4x32x128xf32, #tpu.memory_space<hbm>> -> memref<1x1x128xf32, #tpu.memory_space<hbm>>
      %dma_start3A_535 = tpu.memref_squeeze %dma_start3A_534 : memref<1x1x128xf32, #tpu.memory_space<hbm>> -> memref<128xf32, #tpu.memory_space<hbm>>
      %dma_start3A_536 = arith.constant 0 : i32
      %dma_start3A_537 = tpu.memref_slice %arg4[%run_scoped3A, %add3A, %dma_start3A_536] : memref<4x32x128xf32, #tpu.memory_space<hbm>> -> memref<1x1x128xf32, #tpu.memory_space<hbm>>
      %dma_start3A_538 = tpu.memref_squeeze %dma_start3A_537 : memref<1x1x128xf32, #tpu.memory_space<hbm>> -> memref<128xf32, #tpu.memory_space<hbm>>
      tpu.enqueue_dma source(%arg8 : memref<128xf32, #tpu.memory_space<vmem>>) target(%dma_start3A_538 : memref<128xf32, #tpu.memory_space<hbm>>) target_semaphore(%run_scoped3A_532 : memref<!tpu.dma_semaphore, #tpu.memory_space<semaphore_mem>>)
      %dma_wait3A_539 = arith.constant 0 : i32
      %dma_wait3A_540 = tpu.memref_slice %arg4[%run_scoped3A, %add3A, %dma_wait3A_539] : memref<4x32x128xf32, #tpu.memory_space<hbm>> -> memref<1x1x128xf32, #tpu.memory_space<hbm>>
      %dma_wait3A_541 = tpu.memref_squeeze %dma_wait3A_540 : memref<1x1x128xf32, #tpu.memory_space<hbm>> -> memref<128xf32, #tpu.memory_space<hbm>>
      %dma_wait3A_542 = arith.constant 0 : i32
      %dma_wait3A_543 = tpu.memref_slice %arg4[%run_scoped3A, %add3A, %dma_wait3A_542] : memref<4x32x128xf32, #tpu.memory_space<hbm>> -> memref<1x1x128xf32, #tpu.memory_space<hbm>>
      %dma_wait3A_544 = tpu.memref_squeeze %dma_wait3A_543 : memref<1x1x128xf32, #tpu.memory_space<hbm>> -> memref<128xf32, #tpu.memory_space<hbm>>
      tpu.wait_dma2 semaphore(%run_scoped3A_532 : memref<!tpu.dma_semaphore, #tpu.memory_space<semaphore_mem>>) src(%arg8 : memref<128xf32, #tpu.memory_space<vmem>>) dst(%dma_wait3A_544 : memref<128xf32, #tpu.memory_space<hbm>>)
      tpu.yield
    }) : () -> ()
    %run_scoped3A_529 = arith.constant 1 : i32
    "tpu.region"() ({
      %run_scoped3A_532 = tpu.sem_alloc : memref<!tpu.dma_semaphore, #tpu.memory_space<semaphore_mem>>
      %dma_start3A_533 = arith.constant 0 : i32
      %dma_start3A_534 = tpu.memref_slice %arg4[%run_scoped3A_529, %add3A, %dma_start3A_533] : memref<4x32x128xf32, #tpu.memory_space<hbm>> -> memref<1x1x128xf32, #tpu.memory_space<hbm>>
      %dma_start3A_535 = tpu.memref_squeeze %dma_start3A_534 : memref<1x1x128xf32, #tpu.memory_space<hbm>> -> memref<128xf32, #tpu.memory_space<hbm>>
      %dma_start3A_536 = arith.constant 0 : i32
      %dma_start3A_537 = tpu.memref_slice %arg4[%run_scoped3A_529, %add3A, %dma_start3A_536] : memref<4x32x128xf32, #tpu.memory_space<hbm>> -> memref<1x1x128xf32, #tpu.memory_space<hbm>>
      %dma_start3A_538 = tpu.memref_squeeze %dma_start3A_537 : memref<1x1x128xf32, #tpu.memory_space<hbm>> -> memref<128xf32, #tpu.memory_space<hbm>>
      tpu.enqueue_dma source(%arg9 : memref<128xf32, #tpu.memory_space<vmem>>) target(%dma_start3A_538 : memref<128xf32, #tpu.memory_space<hbm>>) target_semaphore(%run_scoped3A_532 : memref<!tpu.dma_semaphore, #tpu.memory_space<semaphore_mem>>)
      %dma_wait3A_539 = arith.constant 0 : i32
      %dma_wait3A_540 = tpu.memref_slice %arg4[%run_scoped3A_529, %add3A, %dma_wait3A_539] : memref<4x32x128xf32, #tpu.memory_space<hbm>> -> memref<1x1x128xf32, #tpu.memory_space<hbm>>
      %dma_wait3A_541 = tpu.memref_squeeze %dma_wait3A_540 : memref<1x1x128xf32, #tpu.memory_space<hbm>> -> memref<128xf32, #tpu.memory_space<hbm>>
      %dma_wait3A_542 = arith.constant 0 : i32
      %dma_wait3A_543 = tpu.memref_slice %arg4[%run_scoped3A_529, %add3A, %dma_wait3A_542] : memref<4x32x128xf32, #tpu.memory_space<hbm>> -> memref<1x1x128xf32, #tpu.memory_space<hbm>>
      %dma_wait3A_544 = tpu.memref_squeeze %dma_wait3A_543 : memref<1x1x128xf32, #tpu.memory_space<hbm>> -> memref<128xf32, #tpu.memory_space<hbm>>
      tpu.wait_dma2 semaphore(%run_scoped3A_532 : memref<!tpu.dma_semaphore, #tpu.memory_space<semaphore_mem>>) src(%arg9 : memref<128xf32, #tpu.memory_space<vmem>>) dst(%dma_wait3A_544 : memref<128xf32, #tpu.memory_space<hbm>>)
      tpu.yield
    }) : () -> ()
    %run_scoped3A_530 = arith.constant 2 : i32
    "tpu.region"() ({
      %run_scoped3A_532 = tpu.sem_alloc : memref<!tpu.dma_semaphore, #tpu.memory_space<semaphore_mem>>
      %dma_start3A_533 = arith.constant 0 : i32
      %dma_start3A_534 = tpu.memref_slice %arg4[%run_scoped3A_530, %add3A, %dma_start3A_533] : memref<4x32x128xf32, #tpu.memory_space<hbm>> -> memref<1x1x128xf32, #tpu.memory_space<hbm>>
      %dma_start3A_535 = tpu.memref_squeeze %dma_start3A_534 : memref<1x1x128xf32, #tpu.memory_space<hbm>> -> memref<128xf32, #tpu.memory_space<hbm>>
      %dma_start3A_536 = arith.constant 0 : i32
      %dma_start3A_537 = tpu.memref_slice %arg4[%run_scoped3A_530, %add3A, %dma_start3A_536] : memref<4x32x128xf32, #tpu.memory_space<hbm>> -> memref<1x1x128xf32, #tpu.memory_space<hbm>>
      %dma_start3A_538 = tpu.memref_squeeze %dma_start3A_537 : memref<1x1x128xf32, #tpu.memory_space<hbm>> -> memref<128xf32, #tpu.memory_space<hbm>>
      tpu.enqueue_dma source(%arg12 : memref<128xf32, #tpu.memory_space<vmem>>) target(%dma_start3A_538 : memref<128xf32, #tpu.memory_space<hbm>>) target_semaphore(%run_scoped3A_532 : memref<!tpu.dma_semaphore, #tpu.memory_space<semaphore_mem>>)
      %dma_wait3A_539 = arith.constant 0 : i32
      %dma_wait3A_540 = tpu.memref_slice %arg4[%run_scoped3A_530, %add3A, %dma_wait3A_539] : memref<4x32x128xf32, #tpu.memory_space<hbm>> -> memref<1x1x128xf32, #tpu.memory_space<hbm>>
      %dma_wait3A_541 = tpu.memref_squeeze %dma_wait3A_540 : memref<1x1x128xf32, #tpu.memory_space<hbm>> -> memref<128xf32, #tpu.memory_space<hbm>>
      %dma_wait3A_542 = arith.constant 0 : i32
      %dma_wait3A_543 = tpu.memref_slice %arg4[%run_scoped3A_530, %add3A, %dma_wait3A_542] : memref<4x32x128xf32, #tpu.memory_space<hbm>> -> memref<1x1x128xf32, #tpu.memory_space<hbm>>
      %dma_wait3A_544 = tpu.memref_squeeze %dma_wait3A_543 : memref<1x1x128xf32, #tpu.memory_space<hbm>> -> memref<128xf32, #tpu.memory_space<hbm>>
      tpu.wait_dma2 semaphore(%run_scoped3A_532 : memref<!tpu.dma_semaphore, #tpu.memory_space<semaphore_mem>>) src(%arg12 : memref<128xf32, #tpu.memory_space<vmem>>) dst(%dma_wait3A_544 : memref<128xf32, #tpu.memory_space<hbm>>)
      tpu.yield
    }) : () -> ()
    %run_scoped3A_531 = arith.constant 3 : i32
    "tpu.region"() ({
      %run_scoped3A_532 = tpu.sem_alloc : memref<!tpu.dma_semaphore, #tpu.memory_space<semaphore_mem>>
      %dma_start3A_533 = arith.constant 0 : i32
      %dma_start3A_534 = tpu.memref_slice %arg4[%run_scoped3A_531, %add3A, %dma_start3A_533] : memref<4x32x128xf32, #tpu.memory_space<hbm>> -> memref<1x1x128xf32, #tpu.memory_space<hbm>>
      %dma_start3A_535 = tpu.memref_squeeze %dma_start3A_534 : memref<1x1x128xf32, #tpu.memory_space<hbm>> -> memref<128xf32, #tpu.memory_space<hbm>>
      %dma_start3A_536 = arith.constant 0 : i32
      %dma_start3A_537 = tpu.memref_slice %arg4[%run_scoped3A_531, %add3A, %dma_start3A_536] : memref<4x32x128xf32, #tpu.memory_space<hbm>> -> memref<1x1x128xf32, #tpu.memory_space<hbm>>
      %dma_start3A_538 = tpu.memref_squeeze %dma_start3A_537 : memref<1x1x128xf32, #tpu.memory_space<hbm>> -> memref<128xf32, #tpu.memory_space<hbm>>
      tpu.enqueue_dma source(%arg10 : memref<128xf32, #tpu.memory_space<vmem>>) target(%dma_start3A_538 : memref<128xf32, #tpu.memory_space<hbm>>) target_semaphore(%run_scoped3A_532 : memref<!tpu.dma_semaphore, #tpu.memory_space<semaphore_mem>>)
      %dma_wait3A_539 = arith.constant 0 : i32
      %dma_wait3A_540 = tpu.memref_slice %arg4[%run_scoped3A_531, %add3A, %dma_wait3A_539] : memref<4x32x128xf32, #tpu.memory_space<hbm>> -> memref<1x1x128xf32, #tpu.memory_space<hbm>>
      %dma_wait3A_541 = tpu.memref_squeeze %dma_wait3A_540 : memref<1x1x128xf32, #tpu.memory_space<hbm>> -> memref<128xf32, #tpu.memory_space<hbm>>
      %dma_wait3A_542 = arith.constant 0 : i32
      %dma_wait3A_543 = tpu.memref_slice %arg4[%run_scoped3A_531, %add3A, %dma_wait3A_542] : memref<4x32x128xf32, #tpu.memory_space<hbm>> -> memref<1x1x128xf32, #tpu.memory_space<hbm>>
      %dma_wait3A_544 = tpu.memref_squeeze %dma_wait3A_543 : memref<1x1x128xf32, #tpu.memory_space<hbm>> -> memref<128xf32, #tpu.memory_space<hbm>>
      tpu.wait_dma2 semaphore(%run_scoped3A_532 : memref<!tpu.dma_semaphore, #tpu.memory_space<semaphore_mem>>) src(%arg10 : memref<128xf32, #tpu.memory_space<vmem>>) dst(%dma_wait3A_544 : memref<128xf32, #tpu.memory_space<hbm>>)
      tpu.yield
    }) : () -> ()
    return
  }
}

module attributes {stable_mosaic.version = 14 : i64} {
  func.func @_finish_body(%arg0: memref<4x32x128xf32, #tpu.memory_space<vmem>>, %arg1: memref<1x128xf32, #tpu.memory_space<vmem>>, %arg2: memref<1x128xi32, #tpu.memory_space<vmem>>) attributes {dimension_semantics = [], scalar_prefetch = 0 : i64, scratch_operands = 0 : i64, tpu.core_type = #tpu.core_type<tc>} {
    %get3A = arith.constant 0 : index
    %get3A_0 = arith.constant 0 : index
    %get3A_1 = arith.constant 0 : index
    %get3A_2 = vector.load %arg0[%get3A, %get3A_0, %get3A_1] : memref<4x32x128xf32, #tpu.memory_space<vmem>>, vector<1x32x128xf32>
    %get3A_3 = vector.shape_cast %get3A_2 : vector<1x32x128xf32> to vector<32x128xf32>
    %reduce_max3A = arith.constant dense<0xFF800000> : vector<128xf32>
    %reduce_max3A_4 = vector.multi_reduction <maximumf>, %get3A_3, %reduce_max3A [0] : vector<32x128xf32> to vector<128xf32>
    %broadcast_in_dim3A = vector.shape_cast %reduce_max3A_4 : vector<128xf32> to vector<1x128xf32>
    %get3A_5 = arith.constant 1 : index
    %get3A_6 = arith.constant 0 : index
    %get3A_7 = arith.constant 0 : index
    %get3A_8 = vector.load %arg0[%get3A_5, %get3A_6, %get3A_7] : memref<4x32x128xf32, #tpu.memory_space<vmem>>, vector<1x32x128xf32>
    %get3A_9 = vector.shape_cast %get3A_8 : vector<1x32x128xf32> to vector<32x128xf32>
    %reduce_sum3A = arith.constant dense<0.000000e+00> : vector<128xf32>
    %reduce_sum3A_10 = vector.multi_reduction <add>, %get3A_9, %reduce_sum3A [0] : vector<32x128xf32> to vector<128xf32>
    %broadcast_in_dim3A_11 = vector.shape_cast %reduce_sum3A_10 : vector<128xf32> to vector<1x128xf32>
    %eq3A = vector.broadcast %broadcast_in_dim3A : vector<1x128xf32> to vector<32x128xf32>
    %eq3A_12 = arith.cmpf oeq, %get3A_3, %eq3A : vector<32x128xf32>
    %get3A_13 = arith.constant 2 : index
    %get3A_14 = arith.constant 0 : index
    %get3A_15 = arith.constant 0 : index
    %get3A_16 = vector.load %arg0[%get3A_13, %get3A_14, %get3A_15] : memref<4x32x128xf32, #tpu.memory_space<vmem>>, vector<1x32x128xf32>
    %get3A_17 = vector.shape_cast %get3A_16 : vector<1x32x128xf32> to vector<32x128xf32>
    %jit3A = arith.constant 1.000000e+05 : f32
    %broadcast_in_dim3A_18 = vector.broadcast %jit3A : f32 to vector<32x128xf32>
    %select_n3A = arith.select %eq3A_12, %get3A_17, %broadcast_in_dim3A_18 : vector<32x128xi1>, vector<32x128xf32>
    %reduce_min3A = arith.constant dense<0x7F800000> : vector<128xf32>
    %reduce_min3A_19 = vector.multi_reduction <minimumf>, %select_n3A, %reduce_min3A [0] : vector<32x128xf32> to vector<128xf32>
    %broadcast_in_dim3A_20 = vector.shape_cast %reduce_min3A_19 : vector<128xf32> to vector<1x128xf32>
    %get3A_21 = arith.constant 3 : index
    %get3A_22 = arith.constant 0 : index
    %get3A_23 = arith.constant 0 : index
    %get3A_24 = vector.load %arg0[%get3A_21, %get3A_22, %get3A_23] : memref<4x32x128xf32, #tpu.memory_space<vmem>>, vector<1x32x128xf32>
    %get3A_25 = vector.shape_cast %get3A_24 : vector<1x32x128xf32> to vector<32x128xf32>
    %reduce_sum3A_26 = arith.constant dense<0.000000e+00> : vector<128xf32>
    %reduce_sum3A_27 = vector.multi_reduction <add>, %get3A_25, %reduce_sum3A_26 [0] : vector<32x128xf32> to vector<128xf32>
    %broadcast_in_dim3A_28 = vector.shape_cast %reduce_sum3A_27 : vector<128xf32> to vector<1x128xf32>
    %log3A = math.log %broadcast_in_dim3A_11 : vector<1x128xf32>
    %sub3A = arith.subf %broadcast_in_dim3A_28, %log3A : vector<1x128xf32>
    %swap3A = arith.constant 0 : index
    %swap3A_29 = arith.constant 0 : index
    %swap3A_30 = vector.load %arg1[%swap3A, %swap3A_29] : memref<1x128xf32, #tpu.memory_space<vmem>>, vector<1x128xf32>
    tpu.vector_store %arg1[%swap3A, %swap3A_29], %sub3A {strides = array<i32>} : memref<1x128xf32, #tpu.memory_space<vmem>>, vector<1x128xf32>,
    %convert_element_type3A = arith.fptosi %broadcast_in_dim3A_20 : vector<1x128xf32> to vector<1x128xi32>
    %swap3A_31 = arith.constant 0 : index
    %swap3A_32 = arith.constant 0 : index
    %swap3A_33 = vector.load %arg2[%swap3A_31, %swap3A_32] : memref<1x128xi32, #tpu.memory_space<vmem>>, vector<1x128xi32>
    tpu.vector_store %arg2[%swap3A_31, %swap3A_32], %convert_element_type3A {strides = array<i32>} : memref<1x128xi32, #tpu.memory_space<vmem>>, vector<1x128xi32>,
    return
  }
}

</mosaic_0001>

<sc_bundles>
// kernel: kernel.4.cloned.1.call-start
scs
__scs_entry_jumppad:
0x0: {  	(pc) =	sbr.rel $0x88, $3  }
0x1: {  	(tag) =	ssettag $0x0;
	lr =	simm.s32 $0x1  }
0x2: {  	[smem:$0x3F9F] =	sst lr;
	_ =	strace $0xD0000000  }
0x3: {  	_ = 	snop  }
0x4: {  	_ = 	snop  }
0x5: {  	_ = 	snop  }
0x6: {  	_ = 	snop  }
0x7: {  	_ = 	snop  }
__scs_overlays_trampoline_lowered:
0x8: {  	[smem:$0x3FAE] =	sst s0  }
0x9: {  	[smem:$0x3FAF] =	sst s1  }
0xa: {  	[smem:$0x3FB0] =	sst s2  }
0xb: {  	[smem:$0x3FB1] =	sst s3  }
0xc: {  	[smem:$0x3FB2] =	sst s4  }
0xd: {  	[smem:$0x3FB3] =	sst s5  }
0xe: {  	[smem:$0x3FB4] =	sst s6  }
0xf: {  	[smem:$0x3FB5] =	sst s7  }
0x10: {  	[smem:$0x3FB6] =	sst s8  }
0x11: {  	[smem:$0x3FB7] =	sst s9;
	s0 =	simm.s32 @!p0 $0x0  }
0x12: {  	s1 =	sld [smem:$0x3F9D];
	s0 =	simm.s32 @p0 $0x1  }
0x13: {  	[smem:$0x3FB8] =	sst s0;
	s0 =	simm.s32 @!p1 $0x0  }
0x14: {  	s2 =	sld [smem:$0x3F9C];
	s0 =	simm.s32 @p1 $0x1  }
0x15: {  	[smem:$0x3FB9] =	sst s0;
	s0 =	simm.s32 @!p2 $0x0  }
0x16: {  	s3 =	sld [smem:$0x3FDB];
	s0 =	simm.s32 @p2 $0x1  }
0x17: {  	s4 =	simm.s32 $0x1BF5;
	[smem:$0x3FBB] =	sst s0  }
0x18: {  	s0 =	sld [smem:$0x3F9E];
	_ =	swait.ge [sflag:s4], $0x0  }
0x19: {  	s7 =	sld [smem:$0x3F9F]  }
0x1a: {  	s8 =	sadd.s32 $0xFFFFE003, lr  }
0x1b: {  	s9 =	sadd.s32 $0xFFFFFEF7, lr;
	s5 =	simm.s32 $0xFFFFFFFF;
	p2 =	slt.u32 s8, $0xFFFFF086  }
0x1c: {  	p1 =	slt.u32 s9, $0xF7A;
	s5 =	simm.s32 @!p2 $0x0  }
0x1d: {  	s5 =	simm.s32 @p1 $0x1;
	p0 =	seq.s32 s7, s2  }
0x1e: {  	s7 =	smul.u32 @!p0 $0xF7A, s2;
	p2 =	seq.s32 @!p0 s5, $0x0  }
0x1f: {  	s9 =	smul.u32 $0xF7A, s1;
	s8 =	simm.s32 @!p0 $0x1BF5;
	p2 =	por !p2, p0  }
0x20: {  	[sflag:s8] =	ssyncset.s32 @!p0 $0xFFFFF086;
	s6 =	sadd.s32 @!p0 s3, s7;
	s7 =	simm.s32 @!p0 $0x108  }
0x21: {  	s3 =	sadd.s32 s3, s9;
	s6 =	sadd.s32 @!p0 $0x88, s6;
	s7 =	simm.s32 @p2 $0x1082  }
0x22: {  	[simem:s7], [sflag:s8] =	dma.local @!p0 [hbm:s6], $0xF7A  }
0x23: {  	s9 =	sor.u32 $0xD0000000, s2;
	s6 =	simm.s32 $0x108;
	_ =	swait.ge @!p0 [sflag:s8], $0x0  }
0x24: {  	s3 =	sadd.s32 $0x88, s3;
	s6 =	simm.s32 @!p1 $0x1082;
	[sflag:s4] =	ssyncset.s32 $0xFFFFF086  }
0x25: {  	[simem:s6], [sflag:s4] =	dma.local [hbm:s3], $0xF7A  }
0x26: {  	[smem:$0x3F9F] =	sst s1;
	(tag) =	ssettag s2;
	_ =	strace s9  }
0x27: {  	s1 =	sld [smem:$0x3FAF]  }
0x28: {  	s2 =	sld [smem:$0x3FB0]  }
0x29: {  	s4 =	sld [smem:$0x3FB2]  }
0x2a: {  	p0 =	seq.s32 s5, $0x0;
	s5 =	sld [smem:$0x3FB3]  }
0x2b: {  	s6 =	sld [smem:$0x3FB4]  }
0x2c: {  	s7 =	sld [smem:$0x3FB5]  }
0x2d: {  	s3 =	simm.s32 $0x108;
	s8 =	sld [smem:$0x3FB6]  }
0x2e: {  	s3 =	simm.s32 @!p0 $0x1082;
	s9 =	sld [smem:$0x3FB7]  }
0x2f: {  	lr =	sadd.s32 s0, s3;
	s0 =	sld [smem:$0x3FAE]  }
0x30: {  	s3 =	sld [smem:$0x3FB1]  }
0x31: {  	[smem:$0x3FBA] =	sst s10  }
0x32: {  	s10 =	sld [smem:$0x3FB8];
	_ =	sdelay $0x3  }
0x33: {  	p0 =	seq.s32 s10, $0x1;
	s10 =	sld [smem:$0x3FBA];
	_ =	sdelay $0x3  }
0x34: {  	[smem:$0x3FBA] =	sst s10  }
0x35: {  	s10 =	sld [smem:$0x3FB9];
	_ =	sdelay $0x3  }
0x36: {  	p1 =	seq.s32 s10, $0x1;
	s10 =	sld [smem:$0x3FBA];
	_ =	sdelay $0x3  }
0x37: {  	[smem:$0x3FBA] =	sst s10  }
0x38: {  	s10 =	sld [smem:$0x3FBB]  }
0x39: {  	_ = 	snop;
	(pc) =	sbr.ind lr, $3  }
0x3a: {  	_ = 	snop  }
0x3b: {  	_ = 	snop  }
0x3c: {  	p2 =	seq.s32 s10, $0x1;
	s10 =	sld [smem:$0x3FBA]  }
0x3d: {  	_ =	shalt  }
0x3e: {  	_ =	shalt  }
0x3f: {  	_ =	shalt  }
0x40: {  	_ =	shalt  }
0x41: {  	_ =	shalt  }
0x42: {  	_ =	shalt  }
0x43: {  	_ =	shalt  }
0x44: {  	_ =	shalt  }
0x45: {  	_ =	shalt  }
0x46: {  	_ =	shalt  }
0x47: {  	_ =	shalt  }
0x48: {  	_ =	shalt  }
0x49: {  	_ =	shalt  }
0x4a: {  	_ =	shalt  }
0x4b: {  	_ =	shalt  }
0x4c: {  	_ =	shalt  }
0x4d: {  	_ =	shalt  }
0x4e: {  	_ =	shalt  }
0x4f: {  	_ =	shalt  }
0x50: {  	_ =	shalt  }
0x51: {  	_ =	shalt  }
0x52: {  	_ =	shalt  }
0x53: {  	_ =	shalt  }
0x54: {  	_ =	shalt  }
0x55: {  	_ =	shalt  }
0x56: {  	_ =	shalt  }
0x57: {  	_ =	shalt  }
0x58: {  	_ =	shalt  }
0x59: {  	_ =	shalt  }
0x5a: {  	_ =	shalt  }
0x5b: {  	_ =	shalt  }
0x5c: {  	_ =	shalt  }
0x5d: {  	_ =	shalt  }
0x5e: {  	_ =	shalt  }
0x5f: {  	_ =	shalt  }
0x60: {  	_ =	shalt  }
0x61: {  	_ =	shalt  }
0x62: {  	_ =	shalt  }
0x63: {  	_ =	shalt  }
0x64: {  	_ =	shalt  }
0x65: {  	_ =	shalt  }
0x66: {  	_ =	shalt  }
0x67: {  	_ =	shalt  }
0x68: {  	_ =	shalt  }
0x69: {  	_ =	shalt  }
0x6a: {  	_ =	shalt  }
0x6b: {  	_ =	shalt  }
0x6c: {  	_ =	shalt  }
0x6d: {  	_ =	shalt  }
0x6e: {  	_ =	shalt  }
0x6f: {  	_ =	shalt  }
0x70: {  	_ =	shalt  }
0x71: {  	_ =	shalt  }
0x72: {  	_ =	shalt  }
0x73: {  	_ =	shalt  }
0x74: {  	_ =	shalt  }
0x75: {  	_ =	shalt  }
0x76: {  	_ =	shalt  }
0x77: {  	_ =	shalt  }
0x78: {  	_ =	shalt  }
0x79: {  	_ =	shalt  }
0x7a: {  	_ =	shalt  }
0x7b: {  	_ =	shalt  }
0x7c: {  	_ =	shalt  }
0x7d: {  	_ =	shalt  }
0x7e: {  	_ =	shalt  }
0x7f: {  	_ =	shalt  }
0x80: {  	_ =	shalt  }
0x81: {  	_ =	shalt  }
0x82: {  	_ =	shalt  }
0x83: {  	_ =	shalt  }
0x84: {  	_ =	shalt  }
0x85: {  	_ =	shalt  }
0x86: {  	_ =	shalt  }
0x87: {  	_ =	shalt  }
.Lfunc_end0:
.L_simem_size_0:
called_computation_lowered:
.L_overlay_start_0:
0x88: {  	s2 =	sld [smem:$0x3FD9]  }
0x89: {  	s3 =	sld [smem:$0x3FFE];
	_ =	sdelay $0x1  }
0x8a: {  	s1 =	srdreg.scid  }
0x8b: {  	s0 =	sand.u32 $0x1, s1  }
0x8c: {  	s17 =	sshll.u32 s0, $0xA;
	s2 =	sadd.s32 s3, s2  }
0x8d: {  	s2 =	sadd.s32 s2, s17  }
0x8e: {  	[smem:$0x3FC6] =	sst s2  }
0x8f: {  	_ = 	snop  }
0x90: {  	s2 =	sld [smem:$0x3FC9]  }
0x91: {  	s18 =	sld [smem:$0x3FC8];
	(tm) =	ssettm $0x1  }
0x92: {  	s4 =	sld [smem:$0x3FFB];
	_ =	sdelay $0x3  }
0x93: {  	_ =	strace s4  }
0x94: {  	s4 =	sld [smem:$0x3FFC];
	_ =	sdelay $0x3  }
0x95: {  	_ =	strace s4  }
0x96: {  	s4 =	sld [smem:$0x3FFD];
	_ =	sdelay $0x3  }
0x97: {  	_ =	strace s4  }
0x98: {  	_ =	strace $0x8FFFFFFF  }
0x99: {  	s19 =	sld [smem:$0x3FDB];
	_ =	sdelay $0x1  }
0x9a: {  	s5 =	simm.s32 $_scs_section_size  }
0x9b: {  	s6 =	simm.s32 $_size__tile_overlayer_lowered;
	s7 =	simm.s32 $_tile_overlayer_lowered  }
0x9c: {  	s22 =	simm.s32 $0x1BFF;
	s21 =	sshll.u32 s7, $0x1;
	s4 =	sadd.s32 s5, s19  }
0x9d: {  	s8 =	simm.s32 $0x0;
	s20 =	sshll.u32 s6, $0x1;
	s6 =	sadd.s32 s21, s4  }
0x9e: {  	[timem:s8], [sflag:s22] =	dma.local [hbm:s6], s20  }
0x9f: {  	_ =	swait.ge [sflag:s22], s20  }
0xa0: {  	s5 =	ssub.s32 $0x0, s20;
	[sflag:s22] =	ssyncset.done $0x0  }
0xa1: {  	[sflag:s22] =	ssyncadd.s32 s5;
	_ =	sdelay $0x1  }
0xa2: {  	s23 =	simm.s32 $0x1B8B  }
0xa3: {  	_ =	swait.ge [sflag:s23], $0x1  }
0xa4: {  	[sflag:s23] =	ssyncset.done $0x0  }
0xa5: {  	s25 =	simm.s32 $0x1B8E;
	s24 =	sld [smem:$0x3FFE];
	[sflag:s23] =	ssyncadd.s32 $0xFFFFFFFF  }
0xa6: {  	s26 =	simm.s32 $execute0_lowered;
	[smem:$0x3FD2] =	sst s25  }
0xa7: {  	s6 =	sshll.u32 s26, $0x1;
	_ =	strace $0x80000046;
	[dreg:$0x1] =	wrdreg $0xFFFFFFFF  }
0xa8: {  	s28 =	simm.s32 $_size_execute0_lowered;
	s4 =	sadd.s32 s4, s6;
	[dreg:$0x0] =	wrdreg $0x0  }
0xa9: {  	s6 =	sshll.u32 s28, $0x1;
	[dreg:$0x2] =	wrdreg s4  }
0xaa: {  	[dreg:$0x3] =	wrdreg s6  }
0xab: {  	[dreg:$0x4] =	wrdreg $0xC0  }
0xac: {  	_ =	task [dreg:s8], $0x5FFFF  }
0xad: {  	[dreg:$0x1] =	wrdreg $0xFFFFFFFF  }
0xae: {  	[dreg:$0x0] =	wrdreg $0x60  }
0xaf: {  	[dreg:$0x2] =	wrdreg s2  }
0xb0: {  	[dreg:$0x3] =	wrdreg s18  }
0xb1: {  	[dreg:$0x4] =	wrdreg s24  }
0xb2: {  	[dreg:$0x5] =	wrdreg $0x9  }
0xb3: {  	_ =	task.clear_ibuf [dreg:s8], $0x6FFFF;
	_ =	strace $0x90000046  }
0xb4: {  	s29 =	simm.s32 $0x9;
	_ =	strace $0x80000048  }
0xb5: {  	_ =	swait.ge [sflag:s29], $0x1  }
0xb6: {  	[sflag:s29] =	ssyncadd.s32 $0xFFFFFFFF  }
0xb7: {  	_ =	strace $0x90000048  }
0xb8: {  	_ =	sfence  }
0xb9: {  	s30 =	sld [smem:$0x0];
	_ =	sdelay $0x2  }
0xba: {  	s31 =	sshll.u32 s1, $0xD;
	s1 =	sshrl.u32 s1, $0x2  }
0xbb: {  	s3 =	sand.u32 $0x4000, s31;
	s1 =	sadd.s32 s1, s30  }
0xbc: {  	s0 =	sor.u32 s3, s0;
	s1 =	sshll.u32 s1, $0x11  }
0xbd: {  	s0 =	sor.u32 s1, s0  }
0xbe: {  	s0 =	sadd.s32 $0x8F2B, s0  }
0xbf: {  	[sflag:s0] =	ssyncadd.remote.s32 $0x1  }
0xc0: {  	_ =	sfence.sel $0xFFFF  }
0xc1: {  	[dreg:$0x0] =	wrdreg $0xFFFFFFFF;
	(pc) =	sbr.abs _section_cstart, $3  }
0xc2: {  	[dreg:$0x1] =	wrdreg $0xFFFFFFFF  }
0xc3: {  	_ =	task.clear_ibuf [dreg:s8], $0x2FFFF;
	_ =	strace $0x9FFFFFFF  }
0xc4: {  	(tm) =	ssettm $0x7FFFFFFF  }
0xc5: {  	_ =	shalt  }
tec
execute0_lowered:
.L_overlay_start_1:
0x0: {  	(tag) =	ssettag $0x1  }
0x1: {  	s1 =	rddreg [dreg:$0x0];
	s0 =	srdreg.scid  }
0x2: {  	s3 =	stileid.u32;
	s2 =	rddreg [dreg:$0x2];
	s4 =	simm.s32 $0x0  }
0x3: {  	s15 =	simm.s32 $0xC800;
	s16 =	simm.s32 $0x3;
	s17 =	simm.s32 $0x6400  }
0x4: {  	s18 =	simm.s32 $0x1;
	s19 =	simm.s32 $0x2;
	s22 =	simm.s32 $0xCA80  }
0x5: {  	s0 =	sand.u32 $0x1, s0;
	s5 =	sshll.u32 s3, $0x1;
	s14 =	smul.u32 $0x190, s3  }
0x6: {  	s5 =	sor.u32 s0, s5;
	s7 =	ssub.s32 $0x2, s0;
	s0 =	smul.u32 $0xC8, s0  }
0x7: {  	s23 =	simm.s32 $0xC980;
	s24 =	simm.s32 $0x0;
	s29 =	smul.u32 $0x6400, s5  }
0x8: {  	[smem:$0x7FF] =	sst s4;
	p0 =	sgt.u32 s3, $0x9;
	s8 =	smul.u32 $0xC80, s5  }
0x9: {  	_ =	strace $0x80000047;
	s9 =	sor.u32 $0x1E0, s5;
	s31 =	smul.u32 $0xC8, s5  }
0xa: {  	s6 =	sshll.u32 s5, $0x4;
	s10 =	sshrl.u32 s7, $0x1;
	s11 =	smul.u32 $0xC80, s9  }
0xb: {  	s2 =	sadd.s32 s6, s2;
	s13 =	ssub.s32 s7, s10;
	s20 =	smul.u32 $0xC8, s9  }
.Ltmp0:
0xc: {  	s14 =	sadd.s32 s0, s14;
	s6 =	sshrl.u32 s29, $0x3;
	(pc) =	sbr.rel .LBB2_1-.Ltmp0, $4  }
0xd: {  	s21 =	sadd.s32 $0x15E00, s31;
	s9 =	sadd.s32 $0x800, s2;
	s10 =	sadd.s32 $0xA00, s2  }
0xe: {  	s12 =	sadd.s32 $0xE00, s2;
	s13 =	smax.u32 s13, $0x1;
	s30 =	sadd.s32 s1, s6  }
0xf: {  	v2 =	vimm.f32 $-3.402823470e+38;
	v3 =	vimm.f32 $0.0e+00;
	v4 =	vimm.s32 $0x0;
	s6 =	sadd.s32 s1, s8;
	s8 =	sadd.s32 s1, s11;
	s11 =	sadd.s32 $0xC00, s2  }
0x10: {  	v5 =	vlaneseq.u32;
	v0 =	vmov s21;
	v1 =	vmov s20;
	s20 =	simm.s32 $0xC880;
	s21 =	simm.s32 $0xC900;
	s7 =	sadd.s32 $0x19000, s30  }
.LBB2_14:
0x11: {  	v6 =	vld [tilespmem:$0xCA00]  }
0x12: {  	v7 =	vld [tilespmem:$0xCA10]  }
0x13: {  	v8 =	vld [tilespmem:$0xCA20]  }
0x14: {  	v9 =	vld [tilespmem:$0xCA30]  }
0x15: {  	v10 =	vld [tilespmem:$0xCA40]  }
0x16: {  	v11 =	vld [tilespmem:$0xCA50];
	v6 =	vcvt.s32.f32 v6  }
0x17: {  	v12 =	vld [tilespmem:$0xCA60];
	v7 =	vcvt.s32.f32 v7  }
0x18: {  	v63 =	vld [tilespmem:$0xCA70];
	[tilespmem:$0xCA80] =	vst v6;
	v6 =	vcvt.s32.f32 v8  }
0x19: {  	[tilespmem:$0xCA90] =	vst v7;
	v7 =	vcvt.s32.f32 v9  }
0x1a: {  	[tilespmem:$0xCAA0] =	vst v6;
	v6 =	vcvt.s32.f32 v10  }
0x1b: {  	[tilespmem:$0xCAB0] =	vst v7;
	v7 =	vcvt.s32.f32 v11  }
0x1c: {  	[tilespmem:$0xCAC0] =	vst v6;
	v6 =	vcvt.s32.f32 v12  }
0x1d: {  	[tilespmem:$0xCAD0] =	vst v7;
	v7 =	vcvt.s32.f32 v63  }
0x1e: {  	[tilespmem:$0xCAE0] =	vst v6  }
0x1f: {  	[tilespmem:$0xCAF0] =	vst v7  }
0x20: {  	[hbm4b:s9+s4] =	stream.linear.scatter [tilespmem:s20], [sflag:$0x3], $0x80, $0x38;
	[tilespmem:$0xCB00] =	vst v63  }
0x21: {  	_ =	swait.ge [sflag:s16], $0x80  }
0x22: {  	[sflag:s16] =	ssyncset.done $0x0  }
0x23: {  	[sflag:s16] =	ssyncadd.s32 $0xFFFFFF80  }
0x24: {  	[hbm4b:s10+s4] =	stream.linear.scatter [tilespmem:s21], [sflag:$0x3], $0x80, $0x38;
	[tilespmem:$0xCB00] =	vst v63  }
0x25: {  	_ =	swait.ge [sflag:s16], $0x80  }
0x26: {  	[sflag:s16] =	ssyncset.done $0x0  }
0x27: {  	[sflag:s16] =	ssyncadd.s32 $0xFFFFFF80  }
0x28: {  	[hbm4b:s11+s4] =	stream.linear.scatter [tilespmem:s22], [sflag:$0x3], $0x80, $0x38;
	[tilespmem:$0xCB00] =	vst v63  }
0x29: {  	s24 =	sadd.s32 $0x1, s24;
	_ =	swait.ge [sflag:s16], $0x80  }
0x2a: {  	p1 =	sne.s32 s24, s13;
	[sflag:s16] =	ssyncset.done $0x0  }
.Ltmp1:
0x2b: {  	[sflag:s16] =	ssyncadd.s32 $0xFFFFFF80;
	(pc) =	sbr.rel @!p1 .LBB2_15-.Ltmp1, $4  }
0x2c: {  	[hbm4b:s12+s4] =	stream.linear.scatter [tilespmem:s23], [sflag:$0x3], $0x80, $0x38;
	[tilespmem:$0xCB00] =	vst v63  }
0x2d: {  	_ =	swait.ge [sflag:s16], $0x80  }
0x2e: {  	[sflag:s16] =	ssyncset.done $0x0  }
0x2f: {  	[sflag:s16] =	ssyncadd.s32 $0xFFFFFF80  }
.LBB2_1:
0x30: {  	s0 =	rddreg [dreg:$0x1]  }
0x31: {  	[tilespmem:s15], [sflag:$0x3] =	stream.linear.gather [hbm4b:s0+s4], $0x80, $0x38;
	[tilespmem:$0xCB00] =	vst v63  }
0x32: {  	_ =	swait.ge [sflag:s16], $0x80  }
0x33: {  	[sflag:s16] =	ssyncset.done $0x0  }
0x34: {  	[sflag:s16] =	ssyncadd.s32 $0xFFFFFF80  }
0x35: {  	[tilespmem:$0xC880] =	vst v2  }
0x36: {  	[tilespmem:$0xC900] =	vst v3  }
0x37: {  	[tilespmem:$0xC980] =	vst v3  }
0x38: {  	[tilespmem:$0xCA00] =	vst v4  }
0x39: {  	[tilespmem:$0xC890] =	vst v2  }
0x3a: {  	[tilespmem:$0xC910] =	vst v3  }
0x3b: {  	[tilespmem:$0xC990] =	vst v3  }
0x3c: {  	[tilespmem:$0xCA10] =	vst v4  }
0x3d: {  	[tilespmem:$0xC8A0] =	vst v2  }
0x3e: {  	[tilespmem:$0xC920] =	vst v3  }
0x3f: {  	[tilespmem:$0xC9A0] =	vst v3  }
0x40: {  	[tilespmem:$0xCA20] =	vst v4  }
0x41: {  	[tilespmem:$0xC8B0] =	vst v2  }
0x42: {  	[tilespmem:$0xC930] =	vst v3  }
0x43: {  	[tilespmem:$0xC9B0] =	vst v3  }
0x44: {  	[tilespmem:$0xCA30] =	vst v4  }
0x45: {  	[tilespmem:$0xC8C0] =	vst v2  }
0x46: {  	[tilespmem:$0xC940] =	vst v3  }
0x47: {  	[tilespmem:$0xC9C0] =	vst v3  }
0x48: {  	[tilespmem:$0xCA40] =	vst v4  }
0x49: {  	[tilespmem:$0xC8D0] =	vst v2  }
0x4a: {  	[tilespmem:$0xC950] =	vst v3  }
0x4b: {  	[tilespmem:$0xC9D0] =	vst v3  }
0x4c: {  	[tilespmem:$0xCA50] =	vst v4  }
0x4d: {  	[tilespmem:$0xC8E0] =	vst v2  }
0x4e: {  	[tilespmem:$0xC960] =	vst v3  }
0x4f: {  	[tilespmem:$0xC9E0] =	vst v3  }
0x50: {  	[tilespmem:$0xCA60] =	vst v4  }
0x51: {  	[tilespmem:$0xC8F0] =	vst v2  }
0x52: {  	[tilespmem:$0xC970] =	vst v3  }
0x53: {  	[tilespmem:$0xC9F0] =	vst v3  }
0x54: {  	[tilespmem:$0xCA70] =	vst v4  }
0x55: {  	[tilespmem:s4], [sflag:$0x1] =	stream.linear.gather [hbm4b:s6+s4], $0x6400, $0x38;
	[tilespmem:$0xCB00] =	vst v63  }
0x56: {  	s25 =	smov.u32 s14;
	s26 =	simm.s32 $0x0  }
0x57: {  	[tilespmem:s17], [sflag:$0x2] =	stream.linear.gather [hbm4b:s7+s4], $0x6400, $0x38;
	[tilespmem:$0xCB00] =	vst v63  }
.LBB2_2:
0x58: {  	_ =	swait.ge [sflag:s18], $0x6400  }
0x59: {  	[sflag:s18] =	ssyncset.done $0x0  }
0x5a: {  	[sflag:s18] =	ssyncadd.s32 $0xFFFF9C00  }
0x5b: {  	v6 =	vld [tilespmem:$0xC880]  }
0x5c: {  	v8 =	vld [tilespmem:$0xC890]  }
0x5d: {  	v16 =	vld [tilespmem:$0xC8A0]  }
0x5e: {  	v11 =	vld [tilespmem:$0xC8B0]  }
0x5f: {  	v13 =	vld [tilespmem:$0xC8D0]  }
0x60: {  	v12 =	vld [tilespmem:$0xC8E0]  }
0x61: {  	s0 =	simm.s32 $0x80;
	v15 =	vld [tilespmem:$0xCA00]  }
0x62: {  	v18 =	vld [tilespmem:s0+$0xFFFFFF80]  }
0x63: {  	v10 =	vld [tilespmem:s0+$0x40]  }
0x64: {  	v19 =	vld [tilespmem:s0+$0x10]  }
0x65: {  	v20 =	vld [tilespmem:s0+$0x60]  }
0x66: {  	v21 =	vld [tilespmem:s0+$0xFFFFFFB0]  }
0x67: {  	v23 =	vld [tilespmem:s0+$0xFFFFFF90]  }
0x68: {  	v9 =	vld [tilespmem:s0+$0x30]  }
0x69: {  	v37 =	vld [tilespmem:s0+$0xFFFFFFC0]  }
0x6a: {  	v40 =	vld [tilespmem:$0xC8C0]  }
0x6b: {  	v7 =	vld [tilespmem:s0+$0x20];
	v22 =	vmul.f32 $1.442695020e+00, v18  }
0x6c: {  	v36 =	vld [tilespmem:s0+$0x0];
	v24 =	vmul.f32 $1.442695020e+00, v10;
	vm0 =	vgt.f32 v18, v6;
	v26 =	vmul.f32 $1.442695020e+00, v19  }
0x6d: {  	v25 =	vld [tilespmem:s0+$0x70];
	v33 =	vmul.f32 $1.442695020e+00, v21;
	vm1 =	vgt.f32 v23, v8;
	v35 =	vmul.f32 $1.442695020e+00, v23  }
0x6e: {  	s2 =	sadd.s32 $0xFFFFFFFE, s25;
	v30 =	vmul.f32 $1.442695020e+00, v9;
	v42 =	vmul.f32 $1.442695020e+00, v37;
	v8 =	vsel vm1, v23, v8;
	v23 =	vld [tilespmem:s0+$0x50]  }
0x6f: {  	s30 =	sadd.s32 $0x2, s2;
	vm5 =	vgt.f32 v37, v40;
	v6 =	vsel vm0, v18, v6;
	(erf) = vpow2.f32 v22;
	v22 =	vld [tilespmem:s0+$0xFFFFFFE0]  }
0x70: {  	v17 =	vld [tilespmem:$0xCA60];
	v18 =	vmul.f32 $1.442695020e+00, v7;
	v31 =	vsel vm0, s30, v15;
	vm0 =	vgt.f32 v21, v11  }
0x71: {  	v15 =	vld [tilespmem:s0+$0xFFFFFFD0];
	vm2 =	vgt.f32 v19, v8;
	v28 =	vsel vm0, v21, v11;
	v11 =	vmul.f32 $1.442695020e+00, v36  }
0x72: {  	v14 =	vld [tilespmem:$0xC8F0];
	vm6 =	vgt.f32 v36, v6;
	(erf) = vpow2.f32 v24;
	v24 =	vmul.f32 $1.442695020e+00, v20  }
0x73: {  	v27 =	vld [tilespmem:$0xC900];
	v8 =	vsel vm2, v19, v8;
	v19 =	vmul.f32 $1.442695020e+00, v25;
	(erf) = vpow2.f32 v18  }
0x74: {  	v18 =	vld [tilespmem:$0xCA50];
	(erf) = vpow2.f32 v24;
	v21 =	vmul.f32 $1.442695020e+00, v23;
	vm3 =	vgt.f32 v22, v12  }
0x75: {  	v38 =	vld [tilespmem:s0+$0xFFFFFFA0];
	(erf) = vpow2.f32 v26;
	v29 =	vmul.f32 $1.442695020e+00, v22;
	v12 =	vsel vm3, v22, v12  }
0x76: {  	v17 =	vsel vm3, s30, v17;
	v22 =	vld [tilespmem:s0+$0xFFFFFFF0];
	vm3 =	vgt.f32 v15, v13;
	(erf) = vpow2.f32 v21  }
0x77: {  	s31 =	sadd.s32 $0x3, s2;
	v32 =	vld [tilespmem:$0xCA70];
	vm4 =	vgt.f32 v20, v12;
	v34 =	vsel vm3, v15, v13;
	v15 =	vmul.f32 $1.442695020e+00, v15  }
0x78: {  	v24 =	vld [tilespmem:$0xCA20];
	(erf) = vpow2.f32 v11;
	v12 =	vsel vm4, v20, v12;
	v13 =	vsel vm4, s31, v17  }
0x79: {  	v26 =	vld [tilespmem:$0xCA10];
	v17 =	vsel vm3, s30, v18;
	vm3 =	vgt.f32 v23, v34;
	(erf) = vpow2.f32 v19  }
0x7a: {  	v18 =	vmul.f32 $1.442695020e+00, v38;
	v19 =	vld [tilespmem:$0xCA40];
	v20 =	vpop (erf);
	v11 =	vsel vm3, s31, v17;
	(erf) = vpow2.f32 v15  }
0x7b: {  	v21 =	vld [tilespmem:$0xC940];
	v17 =	vsel vm3, v23, v34;
	v39 =	vadd.f32 v20, v27;
	vm4 =	vgt.f32 v22, v14  }
0x7c: {  	v20 =	vld [tilespmem:$0xCA30];
	(erf) = vpow2.f32 v18;
	v41 =	vmul.f32 $1.442695020e+00, v22;
	v14 =	vsel vm4, v22, v14;
	v22 =	vpop (erf)  }
0x7d: {  	v27 =	vld [tilespmem:$0xC920];
	(erf) = vpow2.f32 v29;
	v43 =	vsel vm4, s30, v32;
	vm3 =	vgt.f32 v25, v14;
	v34 =	vpop (erf)  }
0x7e: {  	v18 =	vld [tilespmem:$0xC960];
	vm4 =	vgt.f32 v38, v16;
	v14 =	vsel vm3, v25, v14;
	v25 =	vpop (erf);
	(erf) = vpow2.f32 v35  }
0x7f: {  	v29 =	vld [tilespmem:$0xC930];
	v23 =	vsel vm5, s30, v19;
	v35 =	vsel vm5, v37, v40;
	(erf) = vpow2.f32 v33;
	v37 =	vpop (erf)  }
0x80: {  	s3 =	sshll.u32 s26, $0x6;
	v19 =	vld [tilespmem:$0xC950];
	v38 =	vsel vm4, v38, v16;
	v40 =	vsel vm6, v36, v6;
	(erf) = vpow2.f32 v42;
	v33 =	vpop (erf)  }
0x81: {  	s29 =	sor.u32 s5, s3;
	v32 =	vld [tilespmem:$0xC910];
	v15 =	vsel vm3, s31, v43;
	vm3 =	vgt.f32 v10, v35;
	(erf) = vpow2.f32 v41;
	v6 =	vpop (erf)  }
0x82: {  	s2 =	simm.s32 $0x0;
	s28 =	smul.u32 $0xC8, s29;
	s0 =	simm.s32 $0x180;
	v16 =	vld [tilespmem:$0xC970];
	vm5 =	vgt.f32 v7, v38;
	v23 =	vsel vm3, s31, v23;
	v41 =	vsel vm6, s31, v31;
	v31 =	vpop (erf)  }
.LBB2_3:
0x83: {  	v36 =	vld [tilespmem:s0+$0xFFFFFF80];
	v24 =	vsel vm4, s30, v24;
	v39 =	vadd.f32 v6, v39;
	v6 =	vsel vm3, v10, v35;
	s3 =	smov.u32 s2;
	s2 =	sadd.s32 $0x2, s2  }
0x84: {  	v20 =	vsel vm0, s30, v20;
	vm0 =	vgt.f32 v9, v28;
	v35 =	vld [tilespmem:s0+$0x70];
	p1 =	slt.u32 s2, $0xC6;
	v42 =	vpop (erf);
	(erf) = vpow2.f32 v30  }
0x85: {  	v28 =	vsel vm0, v9, v28;
	v20 =	vsel vm0, s31, v20;
	v10 =	vld [tilespmem:s0+$0x40];
	v19 =	vadd.f32 v42, v19;
	v9 =	vpop (erf)  }
0x86: {  	v26 =	vsel vm1, s30, v26;
	v24 =	vsel vm5, s31, v24;
	v42 =	vld [tilespmem:s0+$0x10];
	v44 =	vadd.f32 v9, v27;
	v27 =	vpop (erf)  }
0x87: {  	v38 =	vsel vm5, v7, v38;
	v43 =	vld [tilespmem:s0+$0x60];
	v18 =	vadd.f32 v27, v18;
	v19 =	vadd.f32 v33, v19;
	v30 =	vpop (erf)  }
0x88: {  	v26 =	vsel vm2, s31, v26;
	v33 =	vmul.f32 $1.442695020e+00, v36;
	v7 =	vld [tilespmem:s0+$0x20];
	v27 =	vadd.f32 v34, v44;
	v9 =	vpop (erf)  }
0x89: {  	vm0 =	vgt.f32 v36, v40;
	v30 =	vadd.f32 v30, v32;
	v34 =	vld [tilespmem:s0+$0xFFFFFFB0];
	v29 =	vadd.f32 v9, v29;
	v9 =	vpop (erf)  }
0x8a: {  	v18 =	vadd.f32 v25, v18;
	v44 =	vld [tilespmem:s0+$0xFFFFFF90];
	v32 =	vmul.f32 $1.442695020e+00, v10;
	v21 =	vadd.f32 v9, v21;
	v25 =	vpop (erf)  }
0x8b: {  	v45 =	vmul.f32 $1.442695020e+00, v42;
	v9 =	vld [tilespmem:s0+$0x30];
	(erf) = vpow2.f32 v33;
	v16 =	vadd.f32 v25, v16  }
0x8c: {  	s3 =	sadd.s32 s3, s25;
	v33 =	vsel vm0, v36, v40;
	v25 =	vld [tilespmem:s0+$0xFFFFFFE0];
	(erf) = vpow2.f32 v32;
	v32 =	vadd.f32 v37, v30  }
0x8d: {  	s30 =	sadd.s32 $0x2, s3;
	v37 =	vmul.f32 $1.442695020e+00, v43;
	v21 =	vadd.f32 v22, v21;
	v36 =	vld [tilespmem:s0+$0xFFFFFFA0];
	v30 =	vmul.f32 $1.442695020e+00, v7;
	v22 =	vpop (erf)  }
0x8e: {  	v41 =	vsel vm0, s30, v41;
	v16 =	vadd.f32 v31, v16;
	v40 =	vmul.f32 $1.442695020e+00, v34;
	v46 =	vld [tilespmem:s0+$0xFFFFFFD0]  }
0x8f: {  	v29 =	vadd.f32 v22, v29;
	vm1 =	vgt.f32 v44, v8;
	v31 =	vmul.f32 $1.442695020e+00, v44;
	v47 =	vld [tilespmem:s0+$0x0]  }
0x90: {  	s31 =	sadd.s32 $0x3, s3;
	vm0 =	vgt.f32 v34, v28;
	v8 =	vsel vm1, v44, v8;
	v44 =	vld [tilespmem:s0+$0x50];
	(erf) = vpow2.f32 v30  }
0x91: {  	v30 =	vmul.f32 $1.442695020e+00, v9;
	v48 =	vld [tilespmem:s0+$0xFFFFFFC0];
	vm3 =	vgt.f32 v25, v12;
	vm2 =	vgt.f32 v42, v8  }
0x92: {  	v49 =	vmul.f32 $1.442695020e+00, v25;
	v50 =	vld [tilespmem:s0+$0xFFFFFFF0];
	v8 =	vsel vm2, v42, v8;
	v42 =	vmul.f32 $1.442695020e+00, v35  }
0x93: {  	v12 =	vsel vm3, v25, v12;
	v13 =	vsel vm3, s30, v13;
	(erf) = vpow2.f32 v37  }
0x94: {  	v28 =	vsel vm0, v34, v28;
	vm3 =	vgt.f32 v46, v17;
	vm4 =	vgt.f32 v43, v12;
	v25 =	vpop (erf)  }
0x95: {  	v34 =	vmul.f32 $1.442695020e+00, v47;
	v12 =	vsel vm4, v43, v12;
	v37 =	vmul.f32 $1.442695020e+00, v44;
	v22 =	vpop (erf)  }
0x96: {  	v17 =	vsel vm3, v46, v17;
	v13 =	vsel vm4, s31, v13;
	(erf) = vpow2.f32 v45  }
0x97: {  	v11 =	vsel vm3, s30, v11;
	v43 =	vmul.f32 $1.442695020e+00, v46;
	(erf) = vpow2.f32 v37  }
0x98: {  	vm3 =	vgt.f32 v44, v17;
	v37 =	vmul.f32 $1.442695020e+00, v36;
	(erf) = vpow2.f32 v34  }
0x99: {  	v11 =	vsel vm3, s31, v11;
	v45 =	vmul.f32 $1.442695020e+00, v50;
	v34 =	vpop (erf);
	(erf) = vpow2.f32 v42  }
0x9a: {  	v39 =	vadd.f32 v25, v39;
	vm4 =	vgt.f32 v50, v14;
	v42 =	vmul.f32 $1.442695020e+00, v48  }
0x9b: {  	v14 =	vsel vm4, v50, v14;
	v15 =	vsel vm4, s30, v15;
	(erf) = vpow2.f32 v43  }
0x9c: {  	v17 =	vsel vm3, v44, v17;
	vm3 =	vgt.f32 v35, v14;
	(erf) = vpow2.f32 v37;
	v25 =	vpop (erf)  }
0x9d: {  	vm4 =	vgt.f32 v36, v38;
	v14 =	vsel vm3, v35, v14;
	(erf) = vpow2.f32 v49  }
.Ltmp2:
0x9e: {  	vm6 =	vgt.f32 v47, v33;
	vm5 =	vgt.f32 v48, v6;
	(erf) = vpow2.f32 v31;
	(pc) =	sbr.rel @p1 .LBB2_3-.Ltmp2, $4  }
0x9f: {  	v23 =	vsel vm5, s30, v23;
	v35 =	vsel vm5, v48, v6;
	(erf) = vpow2.f32 v40;
	v37 =	vpop (erf)  }
0xa0: {  	v15 =	vsel vm3, s31, v15;
	v40 =	vsel vm6, v47, v33;
	(erf) = vpow2.f32 v42;
	v33 =	vpop (erf)  }
0xa1: {  	v38 =	vsel vm4, v36, v38;
	vm3 =	vgt.f32 v10, v35;
	(erf) = vpow2.f32 v45;
	v6 =	vpop (erf)  }
0xa2: {  	s0 =	sadd.s32 $0x100, s0;
	v41 =	vsel vm6, s31, v41;
	vm5 =	vgt.f32 v7, v38;
	v23 =	vsel vm3, s31, v23;
	v31 =	vpop (erf)  }
0xa3: {  	v42 =	vld [tilespmem:$0xC800];
	_ =	sdelay $0x3  }
0xa4: {  	v36 =	vmov s28  }
0xa5: {  	v42 =	vsub.s32 v42, v36  }
0xa6: {  	vm6 =	vgt.s32 v42, $0x0  }
0xa7: {  	v43 =	vnsel vm6, $0x0, v42  }
0xa8: {  	v43 =	vmin.u32 v43, $0xC7  }
0xa9: {  	v43 =	vshll.u32 v43, $0x7  }
0xaa: {  	v43 =	vor.u32 v5, v43;
	_ =	sdelay $0x1  }
0xab: {  	v6 =	vadd.f32 v6, v39;
	[tilespmem:$0xC880] =	vst v40;
	v59 =	vld [tilespmem:$0xC810]  }
0xac: {  	[tilespmem:$0xCA00] =	vst v41  }
0xad: {  	[tilespmem:$0xC900] =	vst v6  }
0xae: {  	v6 =	vld.idx.msk [tilespmem:v43+s4+$0x0], $0xffff  }
0xaf: {  	v60 =	vld [tilespmem:$0xC980];
	v61 =	vpop (erf)  }
0xb0: {  	v62 =	vpop (erf);
	v39 =	vsub.s32 v59, v36  }
0xb1: {  	v63 =	vpop (erf);
	vm6 =	vgt.s32 v39, $0x0  }
0xb2: {  	v45 =	vpop (erf);
	v44 =	vnsel vm6, $0x0, v39;
	vm6 =	vlt.u32 v42, $0xC8  }
0xb3: {  	v32 =	vadd.f32 v45, v32;
	v44 =	vmin.u32 v44, $0xC7;
	v6 =	vnsel vm6, $0x0, v6  }
0xb4: {  	v44 =	vshll.u32 v44, $0x7;
	v40 =	vadd.f32 v6, v60;
	v6 =	vor.u32 $0x10, v5  }
0xb5: {  	v26 =	vsel vm1, s30, v26;
	v44 =	vor.u32 v6, v44  }
0xb6: {  	v26 =	vsel vm2, s31, v26;
	v32 =	vadd.f32 v37, v32;
	[tilespmem:$0xC890] =	vst v8;
	v8 =	vld [tilespmem:$0xC820]  }
0xb7: {  	[tilespmem:$0xCA10] =	vst v26  }
0xb8: {  	[tilespmem:$0xC910] =	vst v32  }
0xb9: {  	[tilespmem:$0xC980] =	vst v40  }
0xba: {  	v26 =	vld.idx.msk [tilespmem:v44+s4+$0x0], $0xffff  }
0xbb: {  	v48 =	vld [tilespmem:$0xC990];
	v49 =	vsub.s32 v8, v36  }
0xbc: {  	vm1 =	vgt.s32 v49, $0x0  }
0xbd: {  	v8 =	vnsel vm1, $0x0, v49  }
0xbe: {  	v7 =	vsel vm5, v7, v38;
	vm2 =	vlt.u32 v39, $0xC8;
	v8 =	vmin.u32 v8, $0xC7  }
0xbf: {  	v50 =	vshll.u32 v8, $0x7;
	v8 =	vor.u32 $0x20, v5;
	v26 =	vnsel vm2, $0x0, v26  }
0xc0: {  	v27 =	vadd.f32 v62, v27;
	v32 =	vor.u32 v8, v50;
	v26 =	vadd.f32 v26, v48  }
0xc1: {  	v24 =	vsel vm4, s30, v24;
	[tilespmem:$0xC8A0] =	vst v7  }
0xc2: {  	v24 =	vsel vm5, s31, v24;
	v7 =	vld [tilespmem:$0xC830];
	[tilespmem:$0xC990] =	vst v26;
	v26 =	vadd.f32 v34, v27  }
0xc3: {  	[tilespmem:$0xCA20] =	vst v24  }
0xc4: {  	(erf) = vpow2.f32 v30;
	[tilespmem:$0xC920] =	vst v26  }
0xc5: {  	v24 =	vld.idx.msk [tilespmem:v32+s4+$0x0], $0xffff  }
0xc6: {  	v26 =	vld [tilespmem:$0xC9A0]  }
0xc7: {  	v27 =	vsub.s32 v7, v36  }
0xc8: {  	vm1 =	vgt.s32 v27, $0x0  }
0xc9: {  	vm2 =	vlt.u32 v49, $0xC8;
	v7 =	vnsel vm1, $0x0, v27  }
0xca: {  	v30 =	vpop (erf);
	vm1 =	vgt.f32 v9, v28;
	v7 =	vmin.u32 v7, $0xC7;
	v24 =	vnsel vm2, $0x0, v24  }
0xcb: {  	v51 =	vpop (erf);
	v24 =	vadd.f32 v24, v26;
	v26 =	vshll.u32 v7, $0x7;
	v7 =	vor.u32 $0x30, v5  }
0xcc: {  	v29 =	vadd.f32 v30, v29;
	v30 =	vpop (erf);
	v9 =	vsel vm1, v9, v28;
	v26 =	vor.u32 v7, v26  }
0xcd: {  	v20 =	vsel vm0, s30, v20;
	v28 =	vpop (erf);
	[tilespmem:$0xC8B0] =	vst v9  }
0xce: {  	v20 =	vsel vm1, s31, v20;
	v9 =	vld [tilespmem:$0xC840];
	[tilespmem:$0xC9A0] =	vst v24;
	v24 =	vadd.f32 v28, v29  }
0xcf: {  	[tilespmem:$0xCA30] =	vst v20  }
0xd0: {  	[tilespmem:$0xC930] =	vst v24  }
0xd1: {  	v20 =	vld.idx.msk [tilespmem:v26+s4+$0x0], $0xffff  }
0xd2: {  	v24 =	vld [tilespmem:$0xC9B0]  }
0xd3: {  	v26 =	vsub.s32 v9, v36  }
0xd4: {  	vm0 =	vgt.s32 v26, $0x0  }
0xd5: {  	vm1 =	vlt.u32 v27, $0xC8;
	v9 =	vnsel vm0, $0x0, v26  }
0xd6: {  	v9 =	vmin.u32 v9, $0xC7;
	v20 =	vnsel vm1, $0x0, v20  }
0xd7: {  	v20 =	vadd.f32 v20, v24;
	v24 =	vshll.u32 v9, $0x7;
	v9 =	vor.u32 $0x40, v5  }
0xd8: {  	v10 =	vsel vm3, v10, v35;
	v21 =	vadd.f32 v51, v21;
	v24 =	vor.u32 v9, v24  }
0xd9: {  	[tilespmem:$0xC8C0] =	vst v10  }
0xda: {  	v10 =	vld [tilespmem:$0xC850];
	[tilespmem:$0xC9B0] =	vst v20;
	v20 =	vadd.f32 v22, v21  }
0xdb: {  	[tilespmem:$0xCA40] =	vst v23  }
0xdc: {  	[tilespmem:$0xC940] =	vst v20  }
0xdd: {  	v20 =	vld.idx.msk [tilespmem:v24+s4+$0x0], $0xffff  }
0xde: {  	v21 =	vld [tilespmem:$0xC9C0]  }
0xdf: {  	v22 =	vsub.s32 v10, v36  }
0xe0: {  	vm0 =	vgt.s32 v22, $0x0  }
0xe1: {  	vm1 =	vlt.u32 v26, $0xC8;
	v10 =	vnsel vm0, $0x0, v22  }
0xe2: {  	v19 =	vadd.f32 v61, v19;
	v10 =	vmin.u32 v10, $0xC7;
	v20 =	vnsel vm1, $0x0, v20  }
0xe3: {  	v20 =	vadd.f32 v20, v21;
	v21 =	vshll.u32 v10, $0x7;
	v10 =	vor.u32 $0x50, v5  }
0xe4: {  	v21 =	vor.u32 v10, v21  }
0xe5: {  	v19 =	vadd.f32 v33, v19;
	[tilespmem:$0xC8D0] =	vst v17  }
0xe6: {  	v17 =	vld [tilespmem:$0xC860];
	[tilespmem:$0xCA50] =	vst v11  }
0xe7: {  	[tilespmem:$0xC950] =	vst v19  }
0xe8: {  	[tilespmem:$0xC9C0] =	vst v20  }
0xe9: {  	v11 =	vld.idx.msk [tilespmem:v21+s4+$0x0], $0xffff  }
0xea: {  	v19 =	vld [tilespmem:$0xC9D0]  }
0xeb: {  	v17 =	vsub.s32 v17, v36  }
0xec: {  	vm0 =	vgt.s32 v17, $0x0  }
0xed: {  	vm1 =	vlt.u32 v22, $0xC8;
	v20 =	vnsel vm0, $0x0, v17  }
0xee: {  	v18 =	vadd.f32 v63, v18;
	v20 =	vmin.u32 v20, $0xC7;
	v11 =	vnsel vm1, $0x0, v11  }
0xef: {  	v20 =	vshll.u32 v20, $0x7;
	v19 =	vadd.f32 v11, v19;
	v11 =	vor.u32 $0x60, v5  }
0xf0: {  	v20 =	vor.u32 v11, v20  }
0xf1: {  	v18 =	vadd.f32 v25, v18;
	[tilespmem:$0xC8E0] =	vst v12;
	v12 =	vld [tilespmem:$0xC870]  }
0xf2: {  	[tilespmem:$0xCA60] =	vst v13  }
0xf3: {  	[tilespmem:$0xC960] =	vst v18  }
0xf4: {  	[tilespmem:$0xC9D0] =	vst v19  }
0xf5: {  	v13 =	vld.idx.msk [tilespmem:v20+s4+$0x0], $0xffff  }
0xf6: {  	v18 =	vld [tilespmem:$0xC9E0];
	v19 =	vsub.s32 v12, v36  }
0xf7: {  	vm0 =	vgt.s32 v19, $0x0  }
0xf8: {  	v12 =	vnsel vm0, $0x0, v19  }
0xf9: {  	vm1 =	vlt.u32 v17, $0xC8;
	v12 =	vmin.u32 v12, $0xC7  }
0xfa: {  	v17 =	vshll.u32 v12, $0x7;
	v12 =	vor.u32 $0x70, v5;
	v13 =	vnsel vm1, $0x0, v13  }
0xfb: {  	v16 =	vadd.f32 v30, v16;
	v17 =	vor.u32 v12, v17;
	v13 =	vadd.f32 v13, v18  }
0xfc: {  	[tilespmem:$0xC8F0] =	vst v14  }
0xfd: {  	[tilespmem:$0xC9E0] =	vst v13;
	v13 =	vadd.f32 v31, v16  }
0xfe: {  	[tilespmem:$0xCA70] =	vst v15  }
0xff: {  	[tilespmem:$0xC970] =	vst v13  }
0x100: {  	v13 =	vld.idx.msk [tilespmem:v17+s4+$0x0], $0xffff  }
0x101: {  	v14 =	vld [tilespmem:$0xC9F0];
	_ =	sdelay $0x2  }
0x102: {  	s0 =	smul.u32 $0x6400, s29;
	vm0 =	vlt.u32 v19, $0xC8  }
0x103: {  	v13 =	vnsel vm0, $0x0, v13  }
0x104: {  	s0 =	sshrl.u32 s0, $0x3;
	v13 =	vadd.f32 v13, v14  }
0x105: {  	s29 =	sadd.s32 s1, s0  }
0x106: {  	s0 =	sadd.s32 $0x32000, s29;
	[tilespmem:$0xC9F0] =	vst v13  }
0x107: {  	[tilespmem:s4], [sflag:$0x1] =	stream.linear.gather [hbm4b:s0+s4], $0x6400, $0x38;
	[tilespmem:$0xCB00] =	vst v63  }
0x108: {  	_ =	swait.ge [sflag:s19], $0x6400  }
0x109: {  	[sflag:s19] =	ssyncset.done $0x0  }
0x10a: {  	[sflag:s19] =	ssyncadd.s32 $0xFFFF9C00  }
0x10b: {  	v14 =	vld [tilespmem:$0xC880]  }
0x10c: {  	v15 =	vld [tilespmem:$0xC890]  }
0x10d: {  	v21 =	vld [tilespmem:$0xC8A0]  }
0x10e: {  	v16 =	vld [tilespmem:$0xC8B0]  }
0x10f: {  	v17 =	vld [tilespmem:$0xC8D0]  }
0x110: {  	v19 =	vld [tilespmem:$0xC8E0]  }
0x111: {  	s3 =	simm.s32 $0x6480;
	v22 =	vld [tilespmem:$0xC8F0]  }
0x112: {  	v25 =	vld [tilespmem:s3+$0xFFFFFF80]  }
0x113: {  	v13 =	vld [tilespmem:s3+$0x40]  }
0x114: {  	v26 =	vld [tilespmem:s3+$0x10]  }
0x115: {  	v29 =	vld [tilespmem:s3+$0xFFFFFFB0]  }
0x116: {  	v30 =	vld [tilespmem:s3+$0xFFFFFF90]  }
0x117: {  	v20 =	vld [tilespmem:s3+$0x30]  }
0x118: {  	v52 =	vld [tilespmem:s3+$0xFFFFFFE0]  }
0x119: {  	v47 =	vld [tilespmem:s3+$0xFFFFFFA0]  }
0x11a: {  	v18 =	vld [tilespmem:s3+$0x20]  }
0x11b: {  	v28 =	vld [tilespmem:s3+$0x60];
	v27 =	vmul.f32 $1.442695020e+00, v25;
	v31 =	vmul.f32 $1.442695020e+00, v13  }
0x11c: {  	v23 =	vld [tilespmem:$0xCA00];
	v54 =	vmul.f32 $1.442695020e+00, v26;
	v57 =	vmul.f32 $1.442695020e+00, v29  }
0x11d: {  	v59 =	vld [tilespmem:s3+$0x0];
	vm0 =	vgt.f32 v25, v14;
	v58 =	vmul.f32 $1.442695020e+00, v30;
	v36 =	vmul.f32 $1.442695020e+00, v20  }
0x11e: {  	v53 =	vld [tilespmem:s3+$0x70];
	vm1 =	vgt.f32 v30, v15;
	v61 =	vmul.f32 $1.442695020e+00, v52;
	v63 =	vmul.f32 $1.442695020e+00, v47  }
0x11f: {  	s2 =	sadd.s32 $0xFFFFFFFE, s25;
	v24 =	vld [tilespmem:$0xCA60];
	v55 =	vsel vm0, v25, v14;
	v14 =	vmul.f32 $1.442695020e+00, v18;
	(erf) = vpow2.f32 v27  }
0x120: {  	s30 =	sadd.s32 $0x1902, s2;
	vm3 =	vgt.f32 v52, v19;
	v25 =	vmul.f32 $1.442695020e+00, v28;
	(erf) = vpow2.f32 v31;
	v31 =	vld [tilespmem:s3+$0x50]  }
0x121: {  	v56 =	vsel vm0, s30, v23;
	v23 =	vld [tilespmem:s3+$0xFFFFFFD0];
	v15 =	vsel vm1, v30, v15;
	vm0 =	vgt.f32 v29, v16  }
0x122: {  	v62 =	vld [tilespmem:$0xC8C0];
	vm2 =	vgt.f32 v26, v15;
	v34 =	vsel vm0, v29, v16;
	v16 =	vmul.f32 $1.442695020e+00, v59  }
0x123: {  	v30 =	vld [tilespmem:$0xCA50];
	vm6 =	vgt.f32 v59, v55;
	v27 =	vsel vm2, v26, v15;
	v26 =	vmul.f32 $1.442695020e+00, v53  }
0x124: {  	v15 =	vsel vm3, s30, v24;
	v24 =	vld [tilespmem:s3+$0xFFFFFFC0];
	v45 =	vsel vm6, v59, v55;
	(erf) = vpow2.f32 v14  }
0x125: {  	v14 =	vsel vm3, v52, v19;
	v19 =	vld [tilespmem:s3+$0xFFFFFFF0];
	(erf) = vpow2.f32 v25;
	v25 =	vmul.f32 $1.442695020e+00, v31  }
0x126: {  	s31 =	sadd.s32 $0x1903, s2;
	v60 =	vld [tilespmem:$0xC900];
	vm4 =	vgt.f32 v28, v14;
	vm3 =	vgt.f32 v23, v17;
	(erf) = vpow2.f32 v54  }
0x127: {  	v14 =	vsel vm4, v28, v14;
	v28 =	vld [tilespmem:$0xCA70];
	v15 =	vsel vm4, s31, v15;
	(erf) = vpow2.f32 v25  }
0x128: {  	v32 =	vld [tilespmem:$0xCA10];
	v29 =	vsel vm3, v23, v17;
	v17 =	vsel vm3, s30, v30;
	(erf) = vpow2.f32 v16  }
0x129: {  	v49 =	vld [tilespmem:$0xCA40];
	v23 =	vmul.f32 $1.442695020e+00, v23;
	vm3 =	vgt.f32 v31, v29;
	(erf) = vpow2.f32 v26  }
0x12a: {  	v38 =	vld [tilespmem:$0xC910];
	v50 =	vmul.f32 $1.442695020e+00, v24;
	vm5 =	vgt.f32 v24, v62;
	v48 =	vmul.f32 $1.442695020e+00, v19;
	v16 =	vpop (erf)  }
0x12b: {  	v33 =	vld [tilespmem:$0xC920];
	vm4 =	vgt.f32 v19, v22;
	v46 =	vadd.f32 v16, v60;
	(erf) = vpow2.f32 v23  }
0x12c: {  	v35 =	vld [tilespmem:$0xC930];
	v16 =	vsel vm4, v19, v22;
	v19 =	vsel vm4, s30, v28;
	v28 =	vpop (erf);
	(erf) = vpow2.f32 v63  }
0x12d: {  	v30 =	vld [tilespmem:$0xCA20];
	v17 =	vsel vm3, s31, v17;
	v41 =	vsel vm5, v24, v62;
	v40 =	vpop (erf);
	(erf) = vpow2.f32 v61  }
0x12e: {  	v24 =	vld [tilespmem:$0xC950];
	v22 =	vsel vm3, v31, v29;
	vm4 =	vgt.f32 v47, v21;
	v31 =	vpop (erf);
	(erf) = vpow2.f32 v58  }
0x12f: {  	v25 =	vld [tilespmem:$0xCA30];
	v29 =	vsel vm5, s30, v49;
	vm3 =	vgt.f32 v53, v16;
	v43 =	vpop (erf);
	(erf) = vpow2.f32 v57  }
0x130: {  	v26 =	vld [tilespmem:$0xC940];
	v44 =	vsel vm4, v47, v21;
	v16 =	vsel vm3, v53, v16;
	(erf) = vpow2.f32 v50;
	v39 =	vpop (erf)  }
0x131: {  	v23 =	vld [tilespmem:$0xC960];
	v19 =	vsel vm3, s31, v19;
	vm3 =	vgt.f32 v13, v41;
	(erf) = vpow2.f32 v48;
	v48 =	vpop (erf)  }
0x132: {  	s28 =	sadd.s32 $0x1900, s28;
	s2 =	simm.s32 $0x0;
	s0 =	simm.s32 $0x6580;
	v21 =	vld [tilespmem:$0xC970];
	v47 =	vsel vm6, s31, v56;
	vm5 =	vgt.f32 v18, v44;
	v29 =	vsel vm3, s31, v29;
	v37 =	vpop (erf)  }
.LBB2_5:
0x133: {  	v49 =	vld [tilespmem:s0+$0xFFFFFF80];
	v30 =	vsel vm4, s30, v30;
	v46 =	vadd.f32 v48, v46;
	v41 =	vsel vm3, v13, v41;
	s3 =	smov.u32 s2;
	s2 =	sadd.s32 $0x2, s2  }
0x134: {  	v25 =	vsel vm0, s30, v25;
	vm0 =	vgt.f32 v20, v34;
	v42 =	vld [tilespmem:s0+$0x70];
	p1 =	slt.u32 s2, $0xC6;
	v48 =	vpop (erf);
	(erf) = vpow2.f32 v36  }
0x135: {  	v34 =	vsel vm0, v20, v34;
	v25 =	vsel vm0, s31, v25;
	v13 =	vld [tilespmem:s0+$0x40];
	v24 =	vadd.f32 v48, v24;
	v20 =	vpop (erf)  }
0x136: {  	v32 =	vsel vm1, s30, v32;
	v30 =	vsel vm5, s31, v30;
	v48 =	vld [tilespmem:s0+$0x10];
	v51 =	vadd.f32 v20, v33;
	v33 =	vpop (erf)  }
0x137: {  	v44 =	vsel vm5, v18, v44;
	v50 =	vld [tilespmem:s0+$0x60];
	v23 =	vadd.f32 v33, v23;
	v24 =	vadd.f32 v39, v24;
	v36 =	vpop (erf)  }
0x138: {  	v32 =	vsel vm2, s31, v32;
	v39 =	vmul.f32 $1.442695020e+00, v49;
	v18 =	vld [tilespmem:s0+$0x20];
	v33 =	vadd.f32 v40, v51;
	v20 =	vpop (erf)  }
0x139: {  	vm0 =	vgt.f32 v49, v45;
	v36 =	vadd.f32 v36, v38;
	v40 =	vld [tilespmem:s0+$0xFFFFFFB0];
	v35 =	vadd.f32 v20, v35;
	v20 =	vpop (erf)  }
0x13a: {  	v23 =	vadd.f32 v31, v23;
	v51 =	vld [tilespmem:s0+$0xFFFFFF90];
	v38 =	vmul.f32 $1.442695020e+00, v13;
	v26 =	vadd.f32 v20, v26;
	v31 =	vpop (erf)  }
0x13b: {  	v52 =	vmul.f32 $1.442695020e+00, v48;
	v20 =	vld [tilespmem:s0+$0x30];
	(erf) = vpow2.f32 v39;
	v21 =	vadd.f32 v31, v21  }
0x13c: {  	s3 =	sadd.s32 s3, s25;
	v39 =	vsel vm0, v49, v45;
	v31 =	vld [tilespmem:s0+$0xFFFFFFE0];
	(erf) = vpow2.f32 v38;
	v38 =	vadd.f32 v43, v36  }
0x13d: {  	s30 =	sadd.s32 $0x1902, s3;
	v43 =	vmul.f32 $1.442695020e+00, v50;
	v26 =	vadd.f32 v28, v26;
	v49 =	vld [tilespmem:s0+$0xFFFFFFA0];
	v36 =	vmul.f32 $1.442695020e+00, v18;
	v28 =	vpop (erf)  }
0x13e: {  	v47 =	vsel vm0, s30, v47;
	v21 =	vadd.f32 v37, v21;
	v45 =	vmul.f32 $1.442695020e+00, v40;
	v53 =	vld [tilespmem:s0+$0xFFFFFFD0]  }
0x13f: {  	v35 =	vadd.f32 v28, v35;
	vm1 =	vgt.f32 v51, v27;
	v37 =	vmul.f32 $1.442695020e+00, v51;
	v54 =	vld [tilespmem:s0+$0x0]  }
0x140: {  	s31 =	sadd.s32 $0x1903, s3;
	vm0 =	vgt.f32 v40, v34;
	v27 =	vsel vm1, v51, v27;
	v51 =	vld [tilespmem:s0+$0x50];
	(erf) = vpow2.f32 v36  }
0x141: {  	v36 =	vmul.f32 $1.442695020e+00, v20;
	v55 =	vld [tilespmem:s0+$0xFFFFFFC0];
	vm3 =	vgt.f32 v31, v14;
	vm2 =	vgt.f32 v48, v27  }
0x142: {  	v56 =	vmul.f32 $1.442695020e+00, v31;
	v57 =	vld [tilespmem:s0+$0xFFFFFFF0];
	v27 =	vsel vm2, v48, v27;
	v48 =	vmul.f32 $1.442695020e+00, v42  }
0x143: {  	v14 =	vsel vm3, v31, v14;
	v15 =	vsel vm3, s30, v15;
	(erf) = vpow2.f32 v43  }
0x144: {  	v34 =	vsel vm0, v40, v34;
	vm3 =	vgt.f32 v53, v22;
	vm4 =	vgt.f32 v50, v14;
	v31 =	vpop (erf)  }
0x145: {  	v40 =	vmul.f32 $1.442695020e+00, v54;
	v14 =	vsel vm4, v50, v14;
	v43 =	vmul.f32 $1.442695020e+00, v51;
	v28 =	vpop (erf)  }
0x146: {  	v22 =	vsel vm3, v53, v22;
	v15 =	vsel vm4, s31, v15;
	(erf) = vpow2.f32 v52  }
0x147: {  	v17 =	vsel vm3, s30, v17;
	v50 =	vmul.f32 $1.442695020e+00, v53;
	(erf) = vpow2.f32 v43  }
0x148: {  	vm3 =	vgt.f32 v51, v22;
	v43 =	vmul.f32 $1.442695020e+00, v49;
	(erf) = vpow2.f32 v40  }
0x149: {  	v17 =	vsel vm3, s31, v17;
	v52 =	vmul.f32 $1.442695020e+00, v57;
	v40 =	vpop (erf);
	(erf) = vpow2.f32 v48  }
0x14a: {  	v46 =	vadd.f32 v31, v46;
	vm4 =	vgt.f32 v57, v16;
	v48 =	vmul.f32 $1.442695020e+00, v55  }
0x14b: {  	v16 =	vsel vm4, v57, v16;
	v19 =	vsel vm4, s30, v19;
	(erf) = vpow2.f32 v50  }
0x14c: {  	v22 =	vsel vm3, v51, v22;
	vm3 =	vgt.f32 v42, v16;
	(erf) = vpow2.f32 v43;
	v31 =	vpop (erf)  }
0x14d: {  	vm4 =	vgt.f32 v49, v44;
	v16 =	vsel vm3, v42, v16;
	(erf) = vpow2.f32 v56  }
.Ltmp3:
0x14e: {  	vm6 =	vgt.f32 v54, v39;
	vm5 =	vgt.f32 v55, v41;
	(erf) = vpow2.f32 v37;
	(pc) =	sbr.rel @p1 .LBB2_5-.Ltmp3, $4  }
0x14f: {  	v41 =	vsel vm5, v55, v41;
	v29 =	vsel vm5, s30, v29;
	(erf) = vpow2.f32 v45;
	v43 =	vpop (erf)  }
0x150: {  	v19 =	vsel vm3, s31, v19;
	v45 =	vsel vm6, v54, v39;
	(erf) = vpow2.f32 v48;
	v39 =	vpop (erf)  }
0x151: {  	v44 =	vsel vm4, v49, v44;
	vm3 =	vgt.f32 v13, v41;
	(erf) = vpow2.f32 v52;
	v48 =	vpop (erf)  }
0x152: {  	s0 =	sadd.s32 $0x100, s0;
	v47 =	vsel vm6, s31, v47;
	vm5 =	vgt.f32 v18, v44;
	v29 =	vsel vm3, s31, v29;
	v37 =	vpop (erf)  }
0x153: {  	v49 =	vld [tilespmem:$0xC800];
	_ =	sdelay $0x3  }
0x154: {  	v42 =	vmov s28  }
0x155: {  	v49 =	vsub.s32 v49, v42  }
0x156: {  	vm6 =	vgt.s32 v49, $0x0  }
0x157: {  	v50 =	vnsel vm6, $0x0, v49  }
0x158: {  	v50 =	vmin.u32 v50, $0xC7  }
0x159: {  	v62 =	vld [tilespmem:$0xC810];
	v50 =	vshll.u32 v50, $0x7  }
0x15a: {  	v50 =	vor.u32 v5, v50;
	_ =	sdelay $0x1  }
0x15b: {  	v46 =	vadd.f32 v48, v46;
	[tilespmem:$0xC880] =	vst v45  }
0x15c: {  	[tilespmem:$0xCA00] =	vst v47  }
0x15d: {  	v48 =	vpop (erf);
	[tilespmem:$0xC900] =	vst v46;
	v45 =	vsub.s32 v62, v42  }
0x15e: {  	v54 =	vpop (erf);
	vm12 =	vgt.s32 v45, $0x0;
	v46 =	vld.idx.msk [tilespmem:v50+s17+$0x0], $0xffff  }
0x15f: {  	v63 =	vld [tilespmem:$0xC980];
	vm13 =	vlt.u32 v49, $0xC8;
	v51 =	vnsel vm12, $0x0, v45;
	v49 =	vpop (erf)  }
0x160: {  	v51 =	vmin.u32 v51, $0xC7;
	v55 =	vpop (erf)  }
0x161: {  	v57 =	vld [tilespmem:$0xC820];
	v51 =	vshll.u32 v51, $0x7;
	v38 =	vadd.f32 v55, v38  }
0x162: {  	v32 =	vsel vm1, s30, v32;
	v56 =	vor.u32 v6, v51  }
0x163: {  	v32 =	vsel vm2, s31, v32;
	v38 =	vadd.f32 v43, v38;
	[tilespmem:$0xC890] =	vst v27;
	v46 =	vnsel vm13, $0x0, v46  }
0x164: {  	[tilespmem:$0xCA10] =	vst v32;
	v46 =	vadd.f32 v46, v63  }
0x165: {  	[tilespmem:$0xC910] =	vst v38  }
0x166: {  	v27 =	vsub.s32 v57, v42;
	[tilespmem:$0xC980] =	vst v46  }
0x167: {  	vm14 =	vgt.s32 v27, $0x0;
	v32 =	vld.idx.msk [tilespmem:v56+s17+$0x0], $0xffff  }
0x168: {  	v58 =	vld [tilespmem:$0xC990];
	v59 =	vnsel vm14, $0x0, v27  }
0x169: {  	v30 =	vsel vm4, s30, v30;
	v43 =	vmin.u32 v59, $0xC7  }
0x16a: {  	v18 =	vsel vm5, v18, v44;
	v33 =	vadd.f32 v54, v33;
	v62 =	vld [tilespmem:$0xC830];
	v60 =	vshll.u32 v43, $0x7  }
0x16b: {  	(erf) = vpow2.f32 v36;
	vm15 =	vlt.u32 v45, $0xC8;
	v38 =	vor.u32 v8, v60  }
0x16c: {  	v30 =	vsel vm5, s31, v30;
	v61 =	vadd.f32 v40, v33;
	[tilespmem:$0xC8A0] =	vst v18;
	v32 =	vnsel vm15, $0x0, v32  }
0x16d: {  	[tilespmem:$0xCA20] =	vst v30;
	v32 =	vadd.f32 v32, v58  }
0x16e: {  	[tilespmem:$0xC920] =	vst v61  }
0x16f: {  	v18 =	vsub.s32 v62, v42;
	[tilespmem:$0xC990] =	vst v32  }
0x170: {  	vm4 =	vgt.s32 v18, $0x0;
	v30 =	vld.idx.msk [tilespmem:v38+s17+$0x0], $0xffff  }
0x171: {  	v40 =	vpop (erf);
	v63 =	vld [tilespmem:$0xC9A0];
	v38 =	vnsel vm4, $0x0, v18  }
0x172: {  	vm5 =	vlt.u32 v27, $0xC8;
	v43 =	vpop (erf);
	v27 =	vmin.u32 v38, $0xC7  }
0x173: {  	vm6 =	vgt.f32 v20, v34;
	v44 =	vadd.f32 v40, v35;
	v50 =	vld [tilespmem:$0xC840];
	v45 =	vpop (erf);
	v27 =	vshll.u32 v27, $0x7  }
0x174: {  	v25 =	vsel vm0, s30, v25;
	v20 =	vsel vm6, v20, v34;
	v46 =	vpop (erf);
	v27 =	vor.u32 v7, v27  }
0x175: {  	v25 =	vsel vm6, s31, v25;
	v47 =	vadd.f32 v46, v44;
	[tilespmem:$0xC8B0] =	vst v20;
	v30 =	vnsel vm5, $0x0, v30  }
0x176: {  	[tilespmem:$0xCA30] =	vst v25;
	v30 =	vadd.f32 v30, v63  }
0x177: {  	[tilespmem:$0xC930] =	vst v47  }
0x178: {  	v20 =	vsub.s32 v50, v42;
	[tilespmem:$0xC9A0] =	vst v30  }
0x179: {  	vm7 =	vgt.s32 v20, $0x0;
	v25 =	vld.idx.msk [tilespmem:v27+s17+$0x0], $0xffff  }
0x17a: {  	v51 =	vld [tilespmem:$0xC9B0];
	v52 =	vnsel vm7, $0x0, v20  }
0x17b: {  	v13 =	vsel vm3, v13, v41;
	vm8 =	vlt.u32 v18, $0xC8;
	v18 =	vmin.u32 v52, $0xC7  }
0x17c: {  	v26 =	vadd.f32 v43, v26;
	v18 =	vshll.u32 v18, $0x7;
	[tilespmem:$0xC8C0] =	vst v13;
	v13 =	vld [tilespmem:$0xC850]  }
0x17d: {  	v18 =	vor.u32 v9, v18  }
0x17e: {  	v53 =	vadd.f32 v28, v26;
	v25 =	vnsel vm8, $0x0, v25  }
0x17f: {  	[tilespmem:$0xCA40] =	vst v29;
	v25 =	vadd.f32 v25, v51  }
0x180: {  	[tilespmem:$0xC940] =	vst v53  }
0x181: {  	v13 =	vsub.s32 v13, v42;
	[tilespmem:$0xC9B0] =	vst v25  }
0x182: {  	vm9 =	vgt.s32 v13, $0x0;
	v18 =	vld.idx.msk [tilespmem:v18+s17+$0x0], $0xffff  }
0x183: {  	v54 =	vld [tilespmem:$0xC9C0];
	v55 =	vnsel vm9, $0x0, v13  }
0x184: {  	vm10 =	vlt.u32 v20, $0xC8;
	v20 =	vmin.u32 v55, $0xC7  }
0x185: {  	v24 =	vadd.f32 v48, v24;
	v57 =	vld [tilespmem:$0xC860];
	v20 =	vshll.u32 v20, $0x7  }
0x186: {  	v20 =	vor.u32 v10, v20  }
0x187: {  	v56 =	vadd.f32 v39, v24;
	[tilespmem:$0xC8D0] =	vst v22;
	v18 =	vnsel vm10, $0x0, v18  }
0x188: {  	[tilespmem:$0xCA50] =	vst v17;
	v18 =	vadd.f32 v18, v54  }
0x189: {  	[tilespmem:$0xC950] =	vst v56  }
0x18a: {  	v59 =	vsub.s32 v57, v42;
	[tilespmem:$0xC9C0] =	vst v18  }
0x18b: {  	vm11 =	vgt.s32 v59, $0x0;
	v17 =	vld.idx.msk [tilespmem:v20+s17+$0x0], $0xffff  }
0x18c: {  	v58 =	vld [tilespmem:$0xC9D0];
	vm12 =	vlt.u32 v13, $0xC8;
	v13 =	vnsel vm11, $0x0, v59  }
0x18d: {  	v13 =	vmin.u32 v13, $0xC7  }
0x18e: {  	v60 =	vadd.f32 v49, v23;
	v13 =	vshll.u32 v13, $0x7  }
0x18f: {  	v13 =	vor.u32 v11, v13  }
0x190: {  	v61 =	vadd.f32 v31, v60;
	[tilespmem:$0xC8E0] =	vst v14;
	v17 =	vnsel vm12, $0x0, v17  }
0x191: {  	v14 =	vld [tilespmem:$0xC870];
	[tilespmem:$0xCA60] =	vst v15;
	v17 =	vadd.f32 v17, v58  }
0x192: {  	[tilespmem:$0xC960] =	vst v61  }
0x193: {  	[tilespmem:$0xC9D0] =	vst v17  }
0x194: {  	v13 =	vld.idx.msk [tilespmem:v13+s17+$0x0], $0xffff  }
0x195: {  	v15 =	vld [tilespmem:$0xC9E0]  }
0x196: {  	v14 =	vsub.s32 v14, v42  }
0x197: {  	vm13 =	vgt.s32 v14, $0x0  }
0x198: {  	vm14 =	vlt.u32 v59, $0xC8;
	v62 =	vnsel vm13, $0x0, v14  }
0x199: {  	v17 =	vmin.u32 v62, $0xC7;
	v13 =	vnsel vm14, $0x0, v13  }
0x19a: {  	v13 =	vadd.f32 v13, v15;
	v15 =	vshll.u32 v17, $0x7  }
0x19b: {  	v63 =	vadd.f32 v45, v21;
	v15 =	vor.u32 v12, v15  }
0x19c: {  	[tilespmem:$0xC8F0] =	vst v16  }
0x19d: {  	[tilespmem:$0xC9E0] =	vst v13;
	v13 =	vadd.f32 v37, v63  }
0x19e: {  	[tilespmem:$0xCA70] =	vst v19  }
0x19f: {  	[tilespmem:$0xC970] =	vst v13  }
0x1a0: {  	v13 =	vld.idx.msk [tilespmem:v15+s17+$0x0], $0xffff  }
0x1a1: {  	v15 =	vld [tilespmem:$0xC9F0];
	_ =	sdelay $0x1  }
0x1a2: {  	p1 =	seq.s32 s26, $0x6  }
.Ltmp4:
0x1a3: {  	vm15 =	vlt.u32 v14, $0xC8;
	(pc) =	sbr.rel @p1 .LBB2_8-.Ltmp4, $3  }
0x1a4: {  	v13 =	vnsel vm15, $0x0, v13  }
0x1a5: {  	v13 =	vadd.f32 v13, v15;
	_ =	sdelay $0x1  }
0x1a6: {  	[tilespmem:$0xC9F0] =	vst v13  }
.Ltmp5:
0x1a7: {  	(pc) =	sbr.rel .LBB2_2-.Ltmp5, $3  }
0x1a8: {  	_ =	sdelay $0x1  }
0x1a9: {  	s0 =	sadd.s32 $0x4B000, s29;
	s26 =	sadd.s32 $0x1, s26;
	s25 =	sadd.s32 $0x3200, s25  }
0x1aa: {  	[tilespmem:s17], [sflag:$0x2] =	stream.linear.gather [hbm4b:s0+s4], $0x6400, $0x38;
	[tilespmem:$0xCB00] =	vst v63  }
.LBB2_8:
0x1ab: {  	s0 =	simm.s32 @!p0 $0x0;
	s2 =	simm.s32 @!p0 $0x6400  }
0x1ac: {  	[tilespmem:s2], [sflag:$0x2] =	stream.linear.gather @!p0 [hbm4b:s8+s0], $0x6400, $0x38;
	[tilespmem:$0xCB00] =	vst v63  }
0x1ad: {  	_ =	swait.ge [sflag:s18], $0x6400  }
0x1ae: {  	[sflag:s18] =	ssyncset.done $0x0  }
0x1af: {  	[sflag:s18] =	ssyncadd.s32 $0xFFFF9C00  }
0x1b0: {  	v14 =	vld [tilespmem:$0xC880]  }
0x1b1: {  	v15 =	vld [tilespmem:$0xC890]  }
0x1b2: {  	v21 =	vld [tilespmem:$0xC8A0]  }
0x1b3: {  	v16 =	vld [tilespmem:$0xC8B0]  }
0x1b4: {  	v17 =	vld [tilespmem:$0xC8D0]  }
0x1b5: {  	v19 =	vld [tilespmem:$0xC8E0]  }
0x1b6: {  	s30 =	simm.s32 $0x80;
	v22 =	vld [tilespmem:$0xC8F0]  }
0x1b7: {  	v25 =	vld [tilespmem:s30+$0xFFFFFF80]  }
0x1b8: {  	v13 =	vld [tilespmem:s30+$0x40]  }
0x1b9: {  	v26 =	vld [tilespmem:s30+$0x10]  }
0x1ba: {  	v29 =	vld [tilespmem:s30+$0xFFFFFFB0]  }
0x1bb: {  	v30 =	vld [tilespmem:s30+$0xFFFFFF90]  }
0x1bc: {  	v20 =	vld [tilespmem:s30+$0x30]  }
0x1bd: {  	v32 =	vld [tilespmem:s30+$0xFFFFFFE0]  }
0x1be: {  	v44 =	vld [tilespmem:s30+$0xFFFFFFA0]  }
0x1bf: {  	v18 =	vld [tilespmem:s30+$0x20]  }
0x1c0: {  	v28 =	vld [tilespmem:s30+$0x60];
	v27 =	vmul.f32 $1.442695020e+00, v25;
	v31 =	vmul.f32 $1.442695020e+00, v13  }
0x1c1: {  	v23 =	vld [tilespmem:$0xCA00];
	v33 =	vmul.f32 $1.442695020e+00, v26;
	v39 =	vmul.f32 $1.442695020e+00, v29  }
0x1c2: {  	v42 =	vld [tilespmem:s30+$0x0];
	vm0 =	vgt.f32 v25, v14;
	v41 =	vmul.f32 $1.442695020e+00, v30;
	v36 =	vmul.f32 $1.442695020e+00, v20  }
0x1c3: {  	v35 =	vld [tilespmem:s30+$0x70];
	vm1 =	vgt.f32 v30, v15;
	v43 =	vmul.f32 $1.442695020e+00, v32;
	v63 =	vmul.f32 $1.442695020e+00, v44  }
0x1c4: {  	s31 =	sadd.s32 $0xFFFFFFFE, s14;
	v24 =	vld [tilespmem:$0xCA60];
	v37 =	vsel vm0, v25, v14;
	v14 =	vmul.f32 $1.442695020e+00, v18;
	(erf) = vpow2.f32 v27  }
0x1c5: {  	s25 =	sadd.s32 $0x15E02, s31;
	vm3 =	vgt.f32 v32, v19;
	v25 =	vmul.f32 $1.442695020e+00, v28;
	(erf) = vpow2.f32 v31;
	v31 =	vld [tilespmem:s30+$0x50]  }
0x1c6: {  	v47 =	vsel vm0, s25, v23;
	v23 =	vld [tilespmem:s30+$0xFFFFFFD0];
	v15 =	vsel vm1, v30, v15;
	vm0 =	vgt.f32 v29, v16  }
0x1c7: {  	v45 =	vld [tilespmem:$0xC8C0];
	vm2 =	vgt.f32 v26, v15;
	v34 =	vsel vm0, v29, v16;
	v16 =	vmul.f32 $1.442695020e+00, v42  }
0x1c8: {  	v30 =	vld [tilespmem:$0xCA50];
	vm6 =	vgt.f32 v42, v37;
	v27 =	vsel vm2, v26, v15;
	v26 =	vmul.f32 $1.442695020e+00, v35  }
0x1c9: {  	v15 =	vsel vm3, s25, v24;
	v24 =	vld [tilespmem:s30+$0xFFFFFFC0];
	(erf) = vpow2.f32 v14;
	v14 =	vsel vm3, v32, v19  }
0x1ca: {  	v19 =	vld [tilespmem:s30+$0xFFFFFFF0];
	(erf) = vpow2.f32 v25;
	vm4 =	vgt.f32 v28, v14;
	v25 =	vmul.f32 $1.442695020e+00, v31  }
0x1cb: {  	s26 =	sadd.s32 $0x15E03, s31;
	v38 =	vld [tilespmem:$0xC900];
	vm3 =	vgt.f32 v23, v17;
	v14 =	vsel vm4, v28, v14;
	(erf) = vpow2.f32 v33  }
0x1cc: {  	v28 =	vld [tilespmem:$0xCA70];
	v15 =	vsel vm4, s26, v15;
	v29 =	vsel vm3, v23, v17;
	(erf) = vpow2.f32 v25  }
0x1cd: {  	v49 =	vld [tilespmem:$0xCA40];
	v17 =	vsel vm3, s25, v30;
	v23 =	vmul.f32 $1.442695020e+00, v23;
	(erf) = vpow2.f32 v16  }
0x1ce: {  	v32 =	vld [tilespmem:$0xCA10];
	vm3 =	vgt.f32 v31, v29;
	v50 =	vmul.f32 $1.442695020e+00, v24;
	(erf) = vpow2.f32 v26  }
0x1cf: {  	v33 =	vld [tilespmem:$0xC920];
	vm5 =	vgt.f32 v24, v45;
	v48 =	vmul.f32 $1.442695020e+00, v19;
	v17 =	vsel vm3, s26, v17;
	v16 =	vpop (erf)  }
0x1d0: {  	v30 =	vld [tilespmem:$0xCA20];
	vm4 =	vgt.f32 v19, v22;
	v46 =	vadd.f32 v16, v38;
	(erf) = vpow2.f32 v23  }
0x1d1: {  	v25 =	vld [tilespmem:$0xCA30];
	v16 =	vsel vm4, v19, v22;
	v19 =	vsel vm4, s25, v28;
	v28 =	vpop (erf);
	(erf) = vpow2.f32 v63  }
0x1d2: {  	v38 =	vld [tilespmem:$0xC910];
	v22 =	vsel vm3, v31, v29;
	vm4 =	vgt.f32 v44, v21;
	v40 =	vpop (erf);
	(erf) = vpow2.f32 v43  }
0x1d3: {  	v26 =	vld [tilespmem:$0xC940];
	v29 =	vsel vm5, s25, v49;
	vm3 =	vgt.f32 v35, v16;
	v31 =	vpop (erf);
	(erf) = vpow2.f32 v41  }
0x1d4: {  	v23 =	vld [tilespmem:$0xC960];
	v44 =	vsel vm4, v44, v21;
	v16 =	vsel vm3, v35, v16;
	v43 =	vpop (erf);
	(erf) = vpow2.f32 v39  }
0x1d5: {  	v19 =	vsel vm3, s26, v19;
	v41 =	vsel vm5, v24, v45;
	v24 =	vld [tilespmem:$0xC950];
	(erf) = vpow2.f32 v50;
	v39 =	vpop (erf)  }
0x1d6: {  	v21 =	vld [tilespmem:$0xC970];
	v45 =	vsel vm6, v42, v37;
	vm3 =	vgt.f32 v13, v41;
	(erf) = vpow2.f32 v48;
	v42 =	vpop (erf)  }
0x1d7: {  	s2 =	simm.s32 $0x0;
	s0 =	simm.s32 $0x180;
	v47 =	vsel vm6, s26, v47;
	v35 =	vld [tilespmem:$0xC930];
	vm5 =	vgt.f32 v18, v44;
	v29 =	vsel vm3, s26, v29;
	v37 =	vpop (erf)  }
.LBB2_9:
0x1d8: {  	v48 =	vld [tilespmem:s0+$0xFFFFFF80];
	v30 =	vsel vm4, s25, v30;
	v46 =	vadd.f32 v42, v46;
	v41 =	vsel vm3, v13, v41;
	s3 =	smov.u32 s2;
	s2 =	sadd.s32 $0x2, s2  }
0x1d9: {  	v25 =	vsel vm0, s25, v25;
	vm0 =	vgt.f32 v20, v34;
	v42 =	vld [tilespmem:s0+$0x70];
	p1 =	slt.u32 s2, $0xC6;
	v49 =	vpop (erf);
	(erf) = vpow2.f32 v36  }
0x1da: {  	v34 =	vsel vm0, v20, v34;
	v25 =	vsel vm0, s26, v25;
	v13 =	vld [tilespmem:s0+$0x40];
	v24 =	vadd.f32 v49, v24;
	v20 =	vpop (erf)  }
0x1db: {  	v32 =	vsel vm1, s25, v32;
	v30 =	vsel vm5, s26, v30;
	v49 =	vld [tilespmem:s0+$0x10];
	v51 =	vadd.f32 v20, v33;
	v33 =	vpop (erf)  }
0x1dc: {  	v44 =	vsel vm5, v18, v44;
	v50 =	vld [tilespmem:s0+$0x60];
	v23 =	vadd.f32 v33, v23;
	v24 =	vadd.f32 v39, v24;
	v36 =	vpop (erf)  }
0x1dd: {  	v32 =	vsel vm2, s26, v32;
	v39 =	vmul.f32 $1.442695020e+00, v48;
	v18 =	vld [tilespmem:s0+$0x20];
	v33 =	vadd.f32 v40, v51;
	v20 =	vpop (erf)  }
0x1de: {  	vm0 =	vgt.f32 v48, v45;
	v36 =	vadd.f32 v36, v38;
	v40 =	vld [tilespmem:s0+$0xFFFFFFB0];
	v35 =	vadd.f32 v20, v35;
	v20 =	vpop (erf)  }
0x1df: {  	v23 =	vadd.f32 v31, v23;
	v51 =	vld [tilespmem:s0+$0xFFFFFF90];
	v38 =	vmul.f32 $1.442695020e+00, v13;
	v26 =	vadd.f32 v20, v26;
	v31 =	vpop (erf)  }
0x1e0: {  	v52 =	vmul.f32 $1.442695020e+00, v49;
	v20 =	vld [tilespmem:s0+$0x30];
	(erf) = vpow2.f32 v39;
	v21 =	vadd.f32 v31, v21  }
0x1e1: {  	s3 =	sadd.s32 s3, s14;
	v39 =	vsel vm0, v48, v45;
	v31 =	vld [tilespmem:s0+$0xFFFFFFE0];
	(erf) = vpow2.f32 v38;
	v38 =	vadd.f32 v43, v36  }
0x1e2: {  	s25 =	sadd.s32 $0x15E02, s3;
	v43 =	vmul.f32 $1.442695020e+00, v50;
	v26 =	vadd.f32 v28, v26;
	v48 =	vld [tilespmem:s0+$0xFFFFFFA0];
	v36 =	vmul.f32 $1.442695020e+00, v18;
	v28 =	vpop (erf)  }
0x1e3: {  	v47 =	vsel vm0, s25, v47;
	v21 =	vadd.f32 v37, v21;
	v45 =	vmul.f32 $1.442695020e+00, v40;
	v53 =	vld [tilespmem:s0+$0xFFFFFFD0]  }
0x1e4: {  	v35 =	vadd.f32 v28, v35;
	vm1 =	vgt.f32 v51, v27;
	v37 =	vmul.f32 $1.442695020e+00, v51;
	v54 =	vld [tilespmem:s0+$0x0]  }
0x1e5: {  	s26 =	sadd.s32 $0x15E03, s3;
	vm0 =	vgt.f32 v40, v34;
	v27 =	vsel vm1, v51, v27;
	v51 =	vld [tilespmem:s0+$0x50];
	(erf) = vpow2.f32 v36  }
0x1e6: {  	v36 =	vmul.f32 $1.442695020e+00, v20;
	v55 =	vld [tilespmem:s0+$0xFFFFFFC0];
	vm3 =	vgt.f32 v31, v14;
	vm2 =	vgt.f32 v49, v27  }
0x1e7: {  	v56 =	vmul.f32 $1.442695020e+00, v31;
	v57 =	vld [tilespmem:s0+$0xFFFFFFF0];
	v27 =	vsel vm2, v49, v27;
	v49 =	vmul.f32 $1.442695020e+00, v42  }
0x1e8: {  	v14 =	vsel vm3, v31, v14;
	v15 =	vsel vm3, s25, v15;
	(erf) = vpow2.f32 v43  }
0x1e9: {  	v34 =	vsel vm0, v40, v34;
	vm3 =	vgt.f32 v53, v22;
	vm4 =	vgt.f32 v50, v14;
	v31 =	vpop (erf)  }
0x1ea: {  	v40 =	vmul.f32 $1.442695020e+00, v54;
	v14 =	vsel vm4, v50, v14;
	v43 =	vmul.f32 $1.442695020e+00, v51;
	v28 =	vpop (erf)  }
0x1eb: {  	v22 =	vsel vm3, v53, v22;
	v15 =	vsel vm4, s26, v15;
	(erf) = vpow2.f32 v52  }
0x1ec: {  	v17 =	vsel vm3, s25, v17;
	v50 =	vmul.f32 $1.442695020e+00, v53;
	(erf) = vpow2.f32 v43  }
0x1ed: {  	vm3 =	vgt.f32 v51, v22;
	v43 =	vmul.f32 $1.442695020e+00, v48;
	(erf) = vpow2.f32 v40  }
0x1ee: {  	v17 =	vsel vm3, s26, v17;
	v52 =	vmul.f32 $1.442695020e+00, v57;
	v40 =	vpop (erf);
	(erf) = vpow2.f32 v49  }
0x1ef: {  	v46 =	vadd.f32 v31, v46;
	vm4 =	vgt.f32 v57, v16;
	v49 =	vmul.f32 $1.442695020e+00, v55  }
0x1f0: {  	v16 =	vsel vm4, v57, v16;
	v19 =	vsel vm4, s25, v19;
	(erf) = vpow2.f32 v50  }
0x1f1: {  	v22 =	vsel vm3, v51, v22;
	vm3 =	vgt.f32 v42, v16;
	(erf) = vpow2.f32 v43;
	v31 =	vpop (erf)  }
0x1f2: {  	vm4 =	vgt.f32 v48, v44;
	v16 =	vsel vm3, v42, v16;
	(erf) = vpow2.f32 v56  }
.Ltmp6:
0x1f3: {  	vm6 =	vgt.f32 v54, v39;
	vm5 =	vgt.f32 v55, v41;
	(erf) = vpow2.f32 v37;
	(pc) =	sbr.rel @p1 .LBB2_9-.Ltmp6, $4  }
0x1f4: {  	v41 =	vsel vm5, v55, v41;
	v29 =	vsel vm5, s25, v29;
	(erf) = vpow2.f32 v45;
	v43 =	vpop (erf)  }
0x1f5: {  	v19 =	vsel vm3, s26, v19;
	v45 =	vsel vm6, v54, v39;
	(erf) = vpow2.f32 v49;
	v39 =	vpop (erf)  }
0x1f6: {  	v44 =	vsel vm4, v48, v44;
	vm3 =	vgt.f32 v13, v41;
	(erf) = vpow2.f32 v52;
	v42 =	vpop (erf)  }
0x1f7: {  	s0 =	sadd.s32 $0x100, s0;
	v47 =	vsel vm6, s26, v47;
	vm5 =	vgt.f32 v18, v44;
	v29 =	vsel vm3, s26, v29;
	v37 =	vpop (erf)  }
0x1f8: {  	v48 =	vld [tilespmem:$0xC800];
	_ =	sdelay $0x4  }
0x1f9: {  	v48 =	vsub.s32 v48, v0  }
0x1fa: {  	vm6 =	vgt.s32 v48, $0x0  }
0x1fb: {  	v49 =	vnsel vm6, $0x0, v48  }
0x1fc: {  	v49 =	vmin.u32 v49, $0xC7  }
0x1fd: {  	v52 =	vld [tilespmem:$0xC810];
	v49 =	vshll.u32 v49, $0x7  }
0x1fe: {  	v49 =	vor.u32 v5, v49;
	_ =	sdelay $0x1  }
0x1ff: {  	v42 =	vadd.f32 v42, v46;
	[tilespmem:$0xC880] =	vst v45  }
0x200: {  	[tilespmem:$0xCA00] =	vst v47  }
0x201: {  	v47 =	vpop (erf);
	[tilespmem:$0xC900] =	vst v42;
	v45 =	vsub.s32 v52, v0  }
0x202: {  	v54 =	vpop (erf);
	vm12 =	vgt.s32 v45, $0x0;
	v42 =	vld.idx.msk [tilespmem:v49+s4+$0x0], $0xffff  }
0x203: {  	v53 =	vld [tilespmem:$0xC980];
	vm13 =	vlt.u32 v48, $0xC8;
	v50 =	vnsel vm12, $0x0, v45;
	v48 =	vpop (erf)  }
0x204: {  	v50 =	vmin.u32 v50, $0xC7;
	v55 =	vpop (erf)  }
0x205: {  	v57 =	vld [tilespmem:$0xC820];
	v50 =	vshll.u32 v50, $0x7;
	v38 =	vadd.f32 v55, v38  }
0x206: {  	v32 =	vsel vm1, s25, v32;
	v56 =	vor.u32 v6, v50  }
0x207: {  	v32 =	vsel vm2, s26, v32;
	v38 =	vadd.f32 v43, v38;
	[tilespmem:$0xC890] =	vst v27;
	v42 =	vnsel vm13, $0x0, v42  }
0x208: {  	[tilespmem:$0xCA10] =	vst v32;
	v42 =	vadd.f32 v42, v53  }
0x209: {  	[tilespmem:$0xC910] =	vst v38  }
0x20a: {  	v27 =	vsub.s32 v57, v0;
	[tilespmem:$0xC980] =	vst v42  }
0x20b: {  	vm14 =	vgt.s32 v27, $0x0;
	v32 =	vld.idx.msk [tilespmem:v56+s4+$0x0], $0xffff  }
0x20c: {  	v58 =	vld [tilespmem:$0xC990];
	v59 =	vnsel vm14, $0x0, v27  }
0x20d: {  	v30 =	vsel vm4, s25, v30;
	v42 =	vmin.u32 v59, $0xC7  }
0x20e: {  	v18 =	vsel vm5, v18, v44;
	v62 =	vld [tilespmem:$0xC830];
	v33 =	vadd.f32 v54, v33;
	v60 =	vshll.u32 v42, $0x7  }
0x20f: {  	(erf) = vpow2.f32 v36;
	vm15 =	vlt.u32 v45, $0xC8;
	v38 =	vor.u32 v8, v60  }
0x210: {  	v30 =	vsel vm5, s26, v30;
	v61 =	vadd.f32 v40, v33;
	[tilespmem:$0xC8A0] =	vst v18;
	v32 =	vnsel vm15, $0x0, v32  }
0x211: {  	[tilespmem:$0xCA20] =	vst v30;
	v32 =	vadd.f32 v32, v58  }
0x212: {  	[tilespmem:$0xC920] =	vst v61  }
0x213: {  	v18 =	vsub.s32 v62, v0;
	[tilespmem:$0xC990] =	vst v32  }
0x214: {  	vm4 =	vgt.s32 v18, $0x0;
	v30 =	vld.idx.msk [tilespmem:v38+s4+$0x0], $0xffff  }
0x215: {  	v63 =	vld [tilespmem:$0xC9A0];
	v40 =	vnsel vm4, $0x0, v18;
	v42 =	vpop (erf)  }
0x216: {  	vm5 =	vlt.u32 v27, $0xC8;
	v27 =	vmin.u32 v40, $0xC7;
	v43 =	vpop (erf)  }
0x217: {  	vm6 =	vgt.f32 v20, v34;
	v50 =	vld [tilespmem:$0xC840];
	v44 =	vadd.f32 v42, v35;
	v27 =	vshll.u32 v27, $0x7;
	v45 =	vpop (erf)  }
0x218: {  	v25 =	vsel vm0, s25, v25;
	v20 =	vsel vm6, v20, v34;
	v27 =	vor.u32 v7, v27;
	v46 =	vpop (erf)  }
0x219: {  	v25 =	vsel vm6, s26, v25;
	v49 =	vadd.f32 v46, v44;
	[tilespmem:$0xC8B0] =	vst v20;
	v30 =	vnsel vm5, $0x0, v30  }
0x21a: {  	[tilespmem:$0xCA30] =	vst v25;
	v30 =	vadd.f32 v30, v63  }
0x21b: {  	[tilespmem:$0xC930] =	vst v49  }
0x21c: {  	v20 =	vsub.s32 v50, v0;
	[tilespmem:$0xC9A0] =	vst v30  }
0x21d: {  	vm7 =	vgt.s32 v20, $0x0;
	v25 =	vld.idx.msk [tilespmem:v27+s4+$0x0], $0xffff  }
0x21e: {  	v51 =	vld [tilespmem:$0xC9B0];
	v52 =	vnsel vm7, $0x0, v20  }
0x21f: {  	v13 =	vsel vm3, v13, v41;
	vm8 =	vlt.u32 v18, $0xC8;
	v18 =	vmin.u32 v52, $0xC7  }
0x220: {  	v26 =	vadd.f32 v43, v26;
	v18 =	vshll.u32 v18, $0x7;
	[tilespmem:$0xC8C0] =	vst v13;
	v13 =	vld [tilespmem:$0xC850]  }
0x221: {  	v18 =	vor.u32 v9, v18  }
0x222: {  	v53 =	vadd.f32 v28, v26;
	v25 =	vnsel vm8, $0x0, v25  }
0x223: {  	[tilespmem:$0xCA40] =	vst v29;
	v25 =	vadd.f32 v25, v51  }
0x224: {  	[tilespmem:$0xC940] =	vst v53  }
0x225: {  	v13 =	vsub.s32 v13, v0;
	[tilespmem:$0xC9B0] =	vst v25  }
0x226: {  	vm9 =	vgt.s32 v13, $0x0;
	v18 =	vld.idx.msk [tilespmem:v18+s4+$0x0], $0xffff  }
0x227: {  	v54 =	vld [tilespmem:$0xC9C0];
	v55 =	vnsel vm9, $0x0, v13  }
0x228: {  	vm10 =	vlt.u32 v20, $0xC8;
	v20 =	vmin.u32 v55, $0xC7  }
0x229: {  	v24 =	vadd.f32 v47, v24;
	v57 =	vld [tilespmem:$0xC860];
	v20 =	vshll.u32 v20, $0x7  }
0x22a: {  	v20 =	vor.u32 v10, v20  }
0x22b: {  	v56 =	vadd.f32 v39, v24;
	[tilespmem:$0xC8D0] =	vst v22;
	v18 =	vnsel vm10, $0x0, v18  }
0x22c: {  	[tilespmem:$0xCA50] =	vst v17;
	v18 =	vadd.f32 v18, v54  }
0x22d: {  	[tilespmem:$0xC950] =	vst v56  }
0x22e: {  	v59 =	vsub.s32 v57, v0;
	[tilespmem:$0xC9C0] =	vst v18  }
0x22f: {  	vm11 =	vgt.s32 v59, $0x0;
	v17 =	vld.idx.msk [tilespmem:v20+s4+$0x0], $0xffff  }
0x230: {  	v58 =	vld [tilespmem:$0xC9D0];
	vm12 =	vlt.u32 v13, $0xC8;
	v13 =	vnsel vm11, $0x0, v59  }
0x231: {  	v13 =	vmin.u32 v13, $0xC7  }
0x232: {  	v60 =	vadd.f32 v48, v23;
	v13 =	vshll.u32 v13, $0x7  }
0x233: {  	v13 =	vor.u32 v11, v13  }
0x234: {  	v61 =	vadd.f32 v31, v60;
	[tilespmem:$0xC8E0] =	vst v14;
	v17 =	vnsel vm12, $0x0, v17  }
0x235: {  	v14 =	vld [tilespmem:$0xC870];
	[tilespmem:$0xCA60] =	vst v15;
	v17 =	vadd.f32 v17, v58  }
0x236: {  	[tilespmem:$0xC960] =	vst v61  }
0x237: {  	[tilespmem:$0xC9D0] =	vst v17  }
0x238: {  	v13 =	vld.idx.msk [tilespmem:v13+s4+$0x0], $0xffff  }
0x239: {  	v15 =	vld [tilespmem:$0xC9E0]  }
0x23a: {  	v14 =	vsub.s32 v14, v0  }
0x23b: {  	vm13 =	vgt.s32 v14, $0x0  }
0x23c: {  	vm14 =	vlt.u32 v59, $0xC8;
	v62 =	vnsel vm13, $0x0, v14  }
0x23d: {  	v17 =	vmin.u32 v62, $0xC7;
	v13 =	vnsel vm14, $0x0, v13  }
0x23e: {  	v13 =	vadd.f32 v13, v15;
	v15 =	vshll.u32 v17, $0x7  }
0x23f: {  	v63 =	vadd.f32 v45, v21;
	v15 =	vor.u32 v12, v15  }
0x240: {  	[tilespmem:$0xC8F0] =	vst v16  }
0x241: {  	[tilespmem:$0xC9E0] =	vst v13;
	v13 =	vadd.f32 v37, v63  }
0x242: {  	[tilespmem:$0xCA70] =	vst v19  }
0x243: {  	[tilespmem:$0xC970] =	vst v13  }
0x244: {  	v13 =	vld.idx.msk [tilespmem:v15+s4+$0x0], $0xffff  }
0x245: {  	v15 =	vld [tilespmem:$0xC9F0];
	_ =	sdelay $0x2  }
.Ltmp7:
0x246: {  	vm15 =	vlt.u32 v14, $0xC8;
	(pc) =	sbr.rel @p0 .LBB2_14-.Ltmp7, $3  }
0x247: {  	v13 =	vnsel vm15, $0x0, v13  }
0x248: {  	v13 =	vadd.f32 v13, v15;
	_ =	sdelay $0x1  }
0x249: {  	[tilespmem:$0xC9F0] =	vst v13  }
0x24a: {  	_ =	swait.ge [sflag:s19], $0x6400  }
0x24b: {  	[sflag:s19] =	ssyncset.done $0x0  }
0x24c: {  	[sflag:s19] =	ssyncadd.s32 $0xFFFF9C00  }
0x24d: {  	v14 =	vld [tilespmem:$0xC880]  }
0x24e: {  	v15 =	vld [tilespmem:$0xC890]  }
0x24f: {  	v21 =	vld [tilespmem:$0xC8A0]  }
0x250: {  	v16 =	vld [tilespmem:$0xC8B0]  }
0x251: {  	v17 =	vld [tilespmem:$0xC8D0]  }
0x252: {  	v19 =	vld [tilespmem:$0xC8E0]  }
0x253: {  	s0 =	simm.s32 $0x6480;
	v22 =	vld [tilespmem:$0xC8F0]  }
0x254: {  	v25 =	vld [tilespmem:s0+$0xFFFFFF80]  }
0x255: {  	v13 =	vld [tilespmem:s0+$0x40]  }
0x256: {  	v26 =	vld [tilespmem:s0+$0x10]  }
0x257: {  	v29 =	vld [tilespmem:s0+$0xFFFFFFB0]  }
0x258: {  	v30 =	vld [tilespmem:s0+$0xFFFFFF90]  }
0x259: {  	v20 =	vld [tilespmem:s0+$0x30]  }
0x25a: {  	v32 =	vld [tilespmem:s0+$0xFFFFFFE0]  }
0x25b: {  	v44 =	vld [tilespmem:s0+$0xFFFFFFA0]  }
0x25c: {  	v18 =	vld [tilespmem:s0+$0x20]  }
0x25d: {  	v28 =	vld [tilespmem:s0+$0x60];
	v27 =	vmul.f32 $1.442695020e+00, v25;
	v31 =	vmul.f32 $1.442695020e+00, v13  }
0x25e: {  	v23 =	vld [tilespmem:$0xCA00];
	v33 =	vmul.f32 $1.442695020e+00, v26;
	v39 =	vmul.f32 $1.442695020e+00, v29  }
0x25f: {  	v42 =	vld [tilespmem:s0+$0x0];
	vm0 =	vgt.f32 v25, v14;
	v41 =	vmul.f32 $1.442695020e+00, v30;
	v36 =	vmul.f32 $1.442695020e+00, v20  }
0x260: {  	v35 =	vld [tilespmem:s0+$0x70];
	vm1 =	vgt.f32 v30, v15;
	v43 =	vmul.f32 $1.442695020e+00, v32;
	v63 =	vmul.f32 $1.442695020e+00, v44  }
0x261: {  	s2 =	sadd.s32 $0xFFFFFFFE, s14;
	v24 =	vld [tilespmem:$0xCA60];
	v37 =	vsel vm0, v25, v14;
	v14 =	vmul.f32 $1.442695020e+00, v18;
	(erf) = vpow2.f32 v27  }
0x262: {  	s25 =	sadd.s32 $0x17702, s2;
	vm3 =	vgt.f32 v32, v19;
	v25 =	vmul.f32 $1.442695020e+00, v28;
	(erf) = vpow2.f32 v31;
	v31 =	vld [tilespmem:s0+$0x50]  }
0x263: {  	v47 =	vsel vm0, s25, v23;
	v23 =	vld [tilespmem:s0+$0xFFFFFFD0];
	v15 =	vsel vm1, v30, v15;
	vm0 =	vgt.f32 v29, v16  }
0x264: {  	v45 =	vld [tilespmem:$0xC8C0];
	vm2 =	vgt.f32 v26, v15;
	v34 =	vsel vm0, v29, v16;
	v16 =	vmul.f32 $1.442695020e+00, v42  }
0x265: {  	v30 =	vld [tilespmem:$0xCA50];
	vm6 =	vgt.f32 v42, v37;
	v27 =	vsel vm2, v26, v15;
	v26 =	vmul.f32 $1.442695020e+00, v35  }
0x266: {  	v15 =	vsel vm3, s25, v24;
	v24 =	vld [tilespmem:s0+$0xFFFFFFC0];
	(erf) = vpow2.f32 v14;
	v14 =	vsel vm3, v32, v19  }
0x267: {  	v19 =	vld [tilespmem:s0+$0xFFFFFFF0];
	(erf) = vpow2.f32 v25;
	vm4 =	vgt.f32 v28, v14;
	v25 =	vmul.f32 $1.442695020e+00, v31  }
0x268: {  	s26 =	sadd.s32 $0x17703, s2;
	v38 =	vld [tilespmem:$0xC900];
	vm3 =	vgt.f32 v23, v17;
	v14 =	vsel vm4, v28, v14;
	(erf) = vpow2.f32 v33  }
0x269: {  	v28 =	vld [tilespmem:$0xCA70];
	v15 =	vsel vm4, s26, v15;
	v29 =	vsel vm3, v23, v17;
	(erf) = vpow2.f32 v25  }
0x26a: {  	v49 =	vld [tilespmem:$0xCA40];
	v17 =	vsel vm3, s25, v30;
	v23 =	vmul.f32 $1.442695020e+00, v23;
	(erf) = vpow2.f32 v16  }
0x26b: {  	v32 =	vld [tilespmem:$0xCA10];
	vm3 =	vgt.f32 v31, v29;
	v50 =	vmul.f32 $1.442695020e+00, v24;
	(erf) = vpow2.f32 v26  }
0x26c: {  	v33 =	vld [tilespmem:$0xC920];
	vm5 =	vgt.f32 v24, v45;
	v48 =	vmul.f32 $1.442695020e+00, v19;
	v17 =	vsel vm3, s26, v17;
	v16 =	vpop (erf)  }
0x26d: {  	v30 =	vld [tilespmem:$0xCA20];
	vm4 =	vgt.f32 v19, v22;
	v46 =	vadd.f32 v16, v38;
	(erf) = vpow2.f32 v23  }
0x26e: {  	v25 =	vld [tilespmem:$0xCA30];
	v16 =	vsel vm4, v19, v22;
	v19 =	vsel vm4, s25, v28;
	v28 =	vpop (erf);
	(erf) = vpow2.f32 v63  }
0x26f: {  	v38 =	vld [tilespmem:$0xC910];
	v22 =	vsel vm3, v31, v29;
	vm4 =	vgt.f32 v44, v21;
	v40 =	vpop (erf);
	(erf) = vpow2.f32 v43  }
0x270: {  	v26 =	vld [tilespmem:$0xC940];
	v29 =	vsel vm5, s25, v49;
	vm3 =	vgt.f32 v35, v16;
	v31 =	vpop (erf);
	(erf) = vpow2.f32 v41  }
0x271: {  	v23 =	vld [tilespmem:$0xC960];
	v44 =	vsel vm4, v44, v21;
	v16 =	vsel vm3, v35, v16;
	v43 =	vpop (erf);
	(erf) = vpow2.f32 v39  }
0x272: {  	v19 =	vsel vm3, s26, v19;
	v41 =	vsel vm5, v24, v45;
	v24 =	vld [tilespmem:$0xC950];
	(erf) = vpow2.f32 v50;
	v39 =	vpop (erf)  }
0x273: {  	v21 =	vld [tilespmem:$0xC970];
	v45 =	vsel vm6, v42, v37;
	vm3 =	vgt.f32 v13, v41;
	(erf) = vpow2.f32 v48;
	v42 =	vpop (erf)  }
0x274: {  	s2 =	simm.s32 $0x0;
	v47 =	vsel vm6, s26, v47;
	s0 =	simm.s32 $0x6580;
	v35 =	vld [tilespmem:$0xC930];
	vm5 =	vgt.f32 v18, v44;
	v29 =	vsel vm3, s26, v29;
	v37 =	vpop (erf)  }
.LBB2_12:
0x275: {  	v48 =	vld [tilespmem:s0+$0xFFFFFF80];
	v30 =	vsel vm4, s25, v30;
	v46 =	vadd.f32 v42, v46;
	v41 =	vsel vm3, v13, v41;
	s3 =	smov.u32 s2;
	s2 =	sadd.s32 $0x2, s2  }
0x276: {  	v25 =	vsel vm0, s25, v25;
	vm0 =	vgt.f32 v20, v34;
	v42 =	vld [tilespmem:s0+$0x70];
	p1 =	slt.u32 s2, $0xC6;
	v49 =	vpop (erf);
	(erf) = vpow2.f32 v36  }
0x277: {  	v34 =	vsel vm0, v20, v34;
	v25 =	vsel vm0, s26, v25;
	v13 =	vld [tilespmem:s0+$0x40];
	v24 =	vadd.f32 v49, v24;
	v20 =	vpop (erf)  }
0x278: {  	v32 =	vsel vm1, s25, v32;
	v30 =	vsel vm5, s26, v30;
	v49 =	vld [tilespmem:s0+$0x10];
	v51 =	vadd.f32 v20, v33;
	v33 =	vpop (erf)  }
0x279: {  	v44 =	vsel vm5, v18, v44;
	v50 =	vld [tilespmem:s0+$0x60];
	v23 =	vadd.f32 v33, v23;
	v24 =	vadd.f32 v39, v24;
	v36 =	vpop (erf)  }
0x27a: {  	v32 =	vsel vm2, s26, v32;
	v39 =	vmul.f32 $1.442695020e+00, v48;
	v18 =	vld [tilespmem:s0+$0x20];
	v33 =	vadd.f32 v40, v51;
	v20 =	vpop (erf)  }
0x27b: {  	vm0 =	vgt.f32 v48, v45;
	v36 =	vadd.f32 v36, v38;
	v40 =	vld [tilespmem:s0+$0xFFFFFFB0];
	v35 =	vadd.f32 v20, v35;
	v20 =	vpop (erf)  }
0x27c: {  	v23 =	vadd.f32 v31, v23;
	v51 =	vld [tilespmem:s0+$0xFFFFFF90];
	v38 =	vmul.f32 $1.442695020e+00, v13;
	v26 =	vadd.f32 v20, v26;
	v31 =	vpop (erf)  }
0x27d: {  	v52 =	vmul.f32 $1.442695020e+00, v49;
	v20 =	vld [tilespmem:s0+$0x30];
	(erf) = vpow2.f32 v39;
	v21 =	vadd.f32 v31, v21  }
0x27e: {  	s3 =	sadd.s32 s3, s14;
	v39 =	vsel vm0, v48, v45;
	v31 =	vld [tilespmem:s0+$0xFFFFFFE0];
	(erf) = vpow2.f32 v38;
	v38 =	vadd.f32 v43, v36  }
0x27f: {  	s25 =	sadd.s32 $0x17702, s3;
	v43 =	vmul.f32 $1.442695020e+00, v50;
	v26 =	vadd.f32 v28, v26;
	v48 =	vld [tilespmem:s0+$0xFFFFFFA0];
	v36 =	vmul.f32 $1.442695020e+00, v18;
	v28 =	vpop (erf)  }
0x280: {  	v47 =	vsel vm0, s25, v47;
	v21 =	vadd.f32 v37, v21;
	v45 =	vmul.f32 $1.442695020e+00, v40;
	v53 =	vld [tilespmem:s0+$0xFFFFFFD0]  }
0x281: {  	v35 =	vadd.f32 v28, v35;
	vm1 =	vgt.f32 v51, v27;
	v37 =	vmul.f32 $1.442695020e+00, v51;
	v54 =	vld [tilespmem:s0+$0x0]  }
0x282: {  	s26 =	sadd.s32 $0x17703, s3;
	vm0 =	vgt.f32 v40, v34;
	v27 =	vsel vm1, v51, v27;
	v51 =	vld [tilespmem:s0+$0x50];
	(erf) = vpow2.f32 v36  }
0x283: {  	v36 =	vmul.f32 $1.442695020e+00, v20;
	v55 =	vld [tilespmem:s0+$0xFFFFFFC0];
	vm3 =	vgt.f32 v31, v14;
	vm2 =	vgt.f32 v49, v27  }
0x284: {  	v56 =	vmul.f32 $1.442695020e+00, v31;
	v57 =	vld [tilespmem:s0+$0xFFFFFFF0];
	v27 =	vsel vm2, v49, v27;
	v49 =	vmul.f32 $1.442695020e+00, v42  }
0x285: {  	v14 =	vsel vm3, v31, v14;
	v15 =	vsel vm3, s25, v15;
	(erf) = vpow2.f32 v43  }
0x286: {  	v34 =	vsel vm0, v40, v34;
	vm3 =	vgt.f32 v53, v22;
	vm4 =	vgt.f32 v50, v14;
	v31 =	vpop (erf)  }
0x287: {  	v40 =	vmul.f32 $1.442695020e+00, v54;
	v14 =	vsel vm4, v50, v14;
	v43 =	vmul.f32 $1.442695020e+00, v51;
	v28 =	vpop (erf)  }
0x288: {  	v22 =	vsel vm3, v53, v22;
	v15 =	vsel vm4, s26, v15;
	(erf) = vpow2.f32 v52  }
0x289: {  	v17 =	vsel vm3, s25, v17;
	v50 =	vmul.f32 $1.442695020e+00, v53;
	(erf) = vpow2.f32 v43  }
0x28a: {  	vm3 =	vgt.f32 v51, v22;
	v43 =	vmul.f32 $1.442695020e+00, v48;
	(erf) = vpow2.f32 v40  }
0x28b: {  	v17 =	vsel vm3, s26, v17;
	v52 =	vmul.f32 $1.442695020e+00, v57;
	v40 =	vpop (erf);
	(erf) = vpow2.f32 v49  }
0x28c: {  	v46 =	vadd.f32 v31, v46;
	vm4 =	vgt.f32 v57, v16;
	v49 =	vmul.f32 $1.442695020e+00, v55  }
0x28d: {  	v16 =	vsel vm4, v57, v16;
	v19 =	vsel vm4, s25, v19;
	(erf) = vpow2.f32 v50  }
0x28e: {  	v22 =	vsel vm3, v51, v22;
	vm3 =	vgt.f32 v42, v16;
	(erf) = vpow2.f32 v43;
	v31 =	vpop (erf)  }
0x28f: {  	vm4 =	vgt.f32 v48, v44;
	v16 =	vsel vm3, v42, v16;
	(erf) = vpow2.f32 v56  }
.Ltmp8:
0x290: {  	vm6 =	vgt.f32 v54, v39;
	vm5 =	vgt.f32 v55, v41;
	(erf) = vpow2.f32 v37;
	(pc) =	sbr.rel @p1 .LBB2_12-.Ltmp8, $4  }
0x291: {  	v41 =	vsel vm5, v55, v41;
	v29 =	vsel vm5, s25, v29;
	(erf) = vpow2.f32 v45;
	v43 =	vpop (erf)  }
0x292: {  	v19 =	vsel vm3, s26, v19;
	v45 =	vsel vm6, v54, v39;
	(erf) = vpow2.f32 v49;
	v39 =	vpop (erf)  }
0x293: {  	v44 =	vsel vm4, v48, v44;
	vm3 =	vgt.f32 v13, v41;
	(erf) = vpow2.f32 v52;
	v42 =	vpop (erf)  }
0x294: {  	s0 =	sadd.s32 $0x100, s0;
	v47 =	vsel vm6, s26, v47;
	vm5 =	vgt.f32 v18, v44;
	v29 =	vsel vm3, s26, v29;
	v37 =	vpop (erf)  }
0x295: {  	v48 =	vld [tilespmem:$0xC800];
	_ =	sdelay $0x4  }
0x296: {  	v48 =	vsub.s32 v48, v1  }
0x297: {  	vm6 =	vgt.s32 v48, $0x0  }
0x298: {  	v49 =	vnsel vm6, $0x0, v48  }
0x299: {  	v49 =	vmin.u32 v49, $0xC7  }
0x29a: {  	v53 =	vld [tilespmem:$0xC810];
	v49 =	vshll.u32 v49, $0x7  }
0x29b: {  	v49 =	vor.u32 v5, v49;
	_ =	sdelay $0x1  }
0x29c: {  	v42 =	vadd.f32 v42, v46;
	[tilespmem:$0xC880] =	vst v45  }
0x29d: {  	[tilespmem:$0xCA00] =	vst v47  }
0x29e: {  	v47 =	vpop (erf);
	[tilespmem:$0xC900] =	vst v42;
	v45 =	vsub.s32 v53, v1  }
0x29f: {  	v55 =	vpop (erf);
	vm12 =	vgt.s32 v45, $0x0;
	v42 =	vld.idx.msk [tilespmem:v49+s17+$0x0], $0xffff  }
0x2a0: {  	v54 =	vld [tilespmem:$0xC980];
	vm13 =	vlt.u32 v48, $0xC8;
	v50 =	vnsel vm12, $0x0, v45;
	v48 =	vpop (erf)  }
0x2a1: {  	v50 =	vmin.u32 v50, $0xC7;
	v56 =	vpop (erf)  }
0x2a2: {  	v50 =	vshll.u32 v50, $0x7;
	v38 =	vadd.f32 v56, v38  }
0x2a3: {  	v32 =	vsel vm1, s25, v32;
	v57 =	vld [tilespmem:$0xC820];
	v6 =	vor.u32 v6, v50  }
0x2a4: {  	v32 =	vsel vm2, s26, v32;
	v38 =	vadd.f32 v43, v38;
	[tilespmem:$0xC890] =	vst v27;
	v42 =	vnsel vm13, $0x0, v42  }
0x2a5: {  	[tilespmem:$0xCA10] =	vst v32;
	v42 =	vadd.f32 v42, v54  }
0x2a6: {  	[tilespmem:$0xC910] =	vst v38  }
0x2a7: {  	[tilespmem:$0xC980] =	vst v42  }
0x2a8: {  	v27 =	vsub.s32 v57, v1;
	v6 =	vld.idx.msk [tilespmem:v6+s17+$0x0], $0xffff  }
0x2a9: {  	v58 =	vld [tilespmem:$0xC990];
	vm14 =	vgt.s32 v27, $0x0  }
0x2aa: {  	v59 =	vnsel vm14, $0x0, v27  }
0x2ab: {  	v18 =	vsel vm5, v18, v44;
	v33 =	vadd.f32 v55, v33;
	v38 =	vmin.u32 v59, $0xC7  }
0x2ac: {  	(erf) = vpow2.f32 v36;
	vm15 =	vlt.u32 v45, $0xC8;
	v60 =	vshll.u32 v38, $0x7  }
0x2ad: {  	v62 =	vld [tilespmem:$0xC830];
	v61 =	vadd.f32 v40, v33;
	v8 =	vor.u32 v8, v60;
	v6 =	vnsel vm15, $0x0, v6  }
0x2ae: {  	[tilespmem:$0xC8A0] =	vst v18;
	v6 =	vadd.f32 v6, v58  }
0x2af: {  	v30 =	vsel vm4, s25, v30;
	[tilespmem:$0xC920] =	vst v61  }
0x2b0: {  	[tilespmem:$0xC990] =	vst v6;
	v6 =	vsel vm5, s26, v30  }
0x2b1: {  	[tilespmem:$0xCA20] =	vst v6  }
0x2b2: {  	v18 =	vsub.s32 v62, v1;
	v6 =	vld.idx.msk [tilespmem:v8+s17+$0x0], $0xffff  }
0x2b3: {  	v63 =	vld [tilespmem:$0xC9A0];
	v38 =	vpop (erf);
	vm4 =	vgt.s32 v18, $0x0  }
0x2b4: {  	vm6 =	vgt.f32 v20, v34;
	v40 =	vpop (erf);
	v36 =	vnsel vm4, $0x0, v18  }
0x2b5: {  	v43 =	vadd.f32 v38, v35;
	v44 =	vpop (erf);
	vm5 =	vlt.u32 v27, $0xC8;
	v27 =	vmin.u32 v36, $0xC7  }
0x2b6: {  	v20 =	vsel vm6, v20, v34;
	v46 =	vpop (erf);
	v42 =	vshll.u32 v27, $0x7  }
0x2b7: {  	v49 =	vadd.f32 v46, v43;
	v7 =	vor.u32 v7, v42;
	v6 =	vnsel vm5, $0x0, v6  }
0x2b8: {  	[tilespmem:$0xC8B0] =	vst v20;
	v6 =	vadd.f32 v6, v63  }
0x2b9: {  	v45 =	vsel vm0, s25, v25;
	v50 =	vld [tilespmem:$0xC840];
	[tilespmem:$0xC930] =	vst v49  }
0x2ba: {  	[tilespmem:$0xC9A0] =	vst v6;
	v6 =	vsel vm6, s26, v45  }
0x2bb: {  	[tilespmem:$0xCA30] =	vst v6  }
0x2bc: {  	v6 =	vld.idx.msk [tilespmem:v7+s17+$0x0], $0xffff  }
0x2bd: {  	v7 =	vld [tilespmem:$0xC9B0]  }
0x2be: {  	v51 =	vsub.s32 v50, v1  }
0x2bf: {  	vm7 =	vgt.s32 v51, $0x0  }
0x2c0: {  	v52 =	vnsel vm7, $0x0, v51;
	vm8 =	vlt.u32 v18, $0xC8  }
0x2c1: {  	v18 =	vmin.u32 v52, $0xC7;
	v6 =	vnsel vm8, $0x0, v6  }
0x2c2: {  	v6 =	vadd.f32 v6, v7;
	v7 =	vshll.u32 v18, $0x7  }
0x2c3: {  	v54 =	vsel vm3, v13, v41;
	v53 =	vadd.f32 v40, v26;
	v7 =	vor.u32 v9, v7  }
0x2c4: {  	[tilespmem:$0xC8C0] =	vst v54  }
0x2c5: {  	v55 =	vld [tilespmem:$0xC850];
	[tilespmem:$0xC9B0] =	vst v6;
	v6 =	vadd.f32 v28, v53  }
0x2c6: {  	[tilespmem:$0xCA40] =	vst v29  }
0x2c7: {  	[tilespmem:$0xC940] =	vst v6  }
0x2c8: {  	v6 =	vld.idx.msk [tilespmem:v7+s17+$0x0], $0xffff  }
0x2c9: {  	v7 =	vld [tilespmem:$0xC9C0]  }
0x2ca: {  	v9 =	vsub.s32 v55, v1  }
0x2cb: {  	vm9 =	vgt.s32 v9, $0x0  }
0x2cc: {  	vm10 =	vlt.u32 v51, $0xC8;
	v56 =	vnsel vm9, $0x0, v9  }
0x2cd: {  	v8 =	vmin.u32 v56, $0xC7;
	v6 =	vnsel vm10, $0x0, v6  }
0x2ce: {  	v6 =	vadd.f32 v6, v7;
	v7 =	vshll.u32 v8, $0x7  }
0x2cf: {  	v57 =	vadd.f32 v47, v24;
	v7 =	vor.u32 v10, v7  }
0x2d0: {  	[tilespmem:$0xC8D0] =	vst v22  }
0x2d1: {  	v58 =	vld [tilespmem:$0xC860];
	[tilespmem:$0xC9C0] =	vst v6;
	v6 =	vadd.f32 v39, v57  }
0x2d2: {  	[tilespmem:$0xCA50] =	vst v17  }
0x2d3: {  	[tilespmem:$0xC950] =	vst v6  }
0x2d4: {  	v6 =	vld.idx.msk [tilespmem:v7+s17+$0x0], $0xffff  }
0x2d5: {  	v7 =	vld [tilespmem:$0xC9D0]  }
0x2d6: {  	v8 =	vsub.s32 v58, v1  }
0x2d7: {  	vm11 =	vgt.s32 v8, $0x0  }
0x2d8: {  	vm12 =	vlt.u32 v9, $0xC8;
	v59 =	vnsel vm11, $0x0, v8  }
0x2d9: {  	v9 =	vmin.u32 v59, $0xC7;
	v6 =	vnsel vm12, $0x0, v6  }
0x2da: {  	v6 =	vadd.f32 v6, v7;
	v7 =	vshll.u32 v9, $0x7  }
0x2db: {  	v60 =	vadd.f32 v48, v23;
	v7 =	vor.u32 v11, v7  }
0x2dc: {  	[tilespmem:$0xC8E0] =	vst v14  }
0x2dd: {  	v61 =	vld [tilespmem:$0xC870];
	[tilespmem:$0xC9D0] =	vst v6;
	v6 =	vadd.f32 v31, v60  }
0x2de: {  	[tilespmem:$0xCA60] =	vst v15  }
0x2df: {  	[tilespmem:$0xC960] =	vst v6  }
0x2e0: {  	v6 =	vld.idx.msk [tilespmem:v7+s17+$0x0], $0xffff  }
0x2e1: {  	v7 =	vld [tilespmem:$0xC9E0]  }
0x2e2: {  	v9 =	vsub.s32 v61, v1  }
0x2e3: {  	vm13 =	vgt.s32 v9, $0x0  }
0x2e4: {  	vm14 =	vlt.u32 v8, $0xC8;
	v62 =	vnsel vm13, $0x0, v9  }
0x2e5: {  	v8 =	vmin.u32 v62, $0xC7;
	v6 =	vnsel vm14, $0x0, v6  }
0x2e6: {  	v6 =	vadd.f32 v6, v7;
	v7 =	vshll.u32 v8, $0x7  }
0x2e7: {  	v63 =	vadd.f32 v44, v21;
	v7 =	vor.u32 v12, v7  }
0x2e8: {  	[tilespmem:$0xC8F0] =	vst v16  }
0x2e9: {  	[tilespmem:$0xC9E0] =	vst v6;
	v6 =	vadd.f32 v37, v63  }
0x2ea: {  	[tilespmem:$0xCA70] =	vst v19  }
0x2eb: {  	[tilespmem:$0xC970] =	vst v6  }
0x2ec: {  	v6 =	vld.idx.msk [tilespmem:v7+s17+$0x0], $0xffff  }
0x2ed: {  	v7 =	vld [tilespmem:$0xC9F0];
	_ =	sdelay $0x2  }
.Ltmp9:
0x2ee: {  	vm15 =	vlt.u32 v9, $0xC8;
	(pc) =	sbr.rel .LBB2_14-.Ltmp9, $3  }
0x2ef: {  	v6 =	vnsel vm15, $0x0, v6  }
0x2f0: {  	v6 =	vadd.f32 v6, v7;
	_ =	sdelay $0x1  }
0x2f1: {  	[tilespmem:$0xC9F0] =	vst v6  }
.LBB2_15:
0x2f2: {  	_ =	sfence.sel $0x180000  }
0x2f3: {  	[bflag:$0x0] =	sbarrier.arrive $0xFFFF  }
0x2f4: {  	_ =	strace $0x90000047  }
0x2f5: {  	s0 =	stileid.u32;
	[bflag:$0x2] =	sbarrier.arrive $0xFFFF  }
0x2f6: {  	p0 =	sne.s32 s0, $0x0;
	s0 =	rddreg [dreg:$0x3]  }
0x2f7: {  	s0 =	sadd.s32 @!p0 $0x100000, s0  }
0x2f8: {  	[sflag:s0] =	ssyncadd.tile.s32 @!p0 $0x1;
	_ =	shalt  }
.Lfunc_end2:
_tile_overlayer_lowered:
.L_overlay_start_2:
0x2f9: {  	(tag) =	ssettag $0x2  }
0x2fa: {  	s0 =	rddreg [dreg:$0x0];
	s2 =	stileid.u32  }
0x2fb: {  	s1 =	rddreg [dreg:$0x1];
	p0 =	sne.s32 s2, $0x0  }
0x2fc: {  	s3 =	rddreg [dreg:$0x2];
	[bflag:$0x3] =	sbarrier.arrive $0xFFFF;
	s2 =	simm.s32 @!p0 $0x1C03  }
0x2fd: {  	[timem:s3], [sflag:s2] =	dma.local @!p0 [hbm:s0], s1  }
0x2fe: {  	s0 =	simm.s32 @!p0 $0x3  }
0x2ff: {  	_ =	swait.ge @!p0 [sflag:s0], s1  }
0x300: {  	s1 =	ssub.s32 @!p0 $0x0, s1;
	[sflag:s0] =	ssyncset.done @!p0 $0x0  }
0x301: {  	[sflag:s0] =	ssyncadd.s32 @!p0 s1  }
0x302: {  	[bflag:$0x3] =	sbarrier.arrive $0xFFFF  }
0x303: {  	_ =	shalt  }

</sc_bundles>
